<compile_context>
chip_gen: v7x
topology: tpu7x:2x2x1
jax: 0.10.2.dev20260603
libtpu: 0.0.44.dev20260713+nightly
codegen_flags: <defaults>
</compile_context>

<pallas_src>
import functools
import jax
import jax.numpy as jnp
from jax import lax
from jax.experimental import pallas as pl
from jax.experimental.pallas import tpu as pltpu
from jax.experimental.pallas import tpu_sc as plsc

L = 16
NC = 2
NS = 16
NW = NC * NS
B = 256
R = 5120
SHARE = R // NS
ZR = 160
D = 128


def _sc_scatter_sums(table, heads, tails, etypes, wtable, n_out):
    E = heads.shape[0]
    C = -(-E // (NS * B))
    EW = C * B
    E_pad = EW * NS
    NPASS = -(-n_out // (2 * R))
    n_pad = NPASS * 2 * R

    pad = E_pad - E
    heads = jnp.concatenate([heads, jnp.full((pad,), -1, jnp.int32)])
    tails = jnp.concatenate([tails, jnp.zeros((pad,), jnp.int32)])
    etypes = jnp.concatenate([etypes, jnp.zeros((pad,), jnp.int32)])

    mesh = plsc.VectorSubcoreMesh(core_axis_name="c", subcore_axis_name="s")

    @functools.partial(
        pl.kernel,
        mesh=mesh,
        out_type=[
            jax.ShapeDtypeStruct((n_pad, D), jnp.float32),
            jax.ShapeDtypeStruct((n_pad, D), jnp.float32),
        ],
        scratch_types=[
            pltpu.VMEM((B,), jnp.int32),
            pltpu.VMEM((B,), jnp.int32),
            pltpu.VMEM((B,), jnp.int32),
            pltpu.VMEM((B,), jnp.int32),
            pltpu.VMEM((B, D), jnp.float32),
            pltpu.VMEM((B, D), jnp.float32),
            pltpu.VMEM((ZR, D), jnp.float32),
            pltpu.VMEM_SHARED((R + 16, D), jnp.float32),
            pltpu.SemaphoreType.DMA,
        ],
    )
    def k(heads_h, tails_h, ets_h, table_h, wt_h, sums_o, cnt_o,
          hv, tv, ev, iv, rows, wrows, zv, ssh, sem):
        c = lax.axis_index("c")
        s = lax.axis_index("s")

        @pl.loop(0, ZR)
        def _(r):
            for j in range(D // L):
                zv[r, pl.ds(j * L, L)] = jnp.zeros((L,), jnp.float32)

        def zero_share():
            for q in range(SHARE // ZR):
                pltpu.sync_copy(zv, ssh.at[pl.ds(s * SHARE + q * ZR, ZR)])

        def local_idx(base):
            for t in range(B // L):
                sl = pl.ds(t * L, L)
                lidx = hv[sl] - base
                ok = (lidx >= 0) & (lidx < R)
                iv[sl] = jnp.where(ok, lidx, R)

        def writeback(p, out_h):
            plsc.subcore_barrier()
            g0 = p * (2 * R) + c * R + s * SHARE
            pltpu.sync_copy(ssh.at[pl.ds(s * SHARE, SHARE)],
                            out_h.at[pl.ds(g0, SHARE)])
            plsc.subcore_barrier()
            zero_share()
            plsc.subcore_barrier()

        zero_share()
        plsc.subcore_barrier()

        @pl.loop(0, NPASS)
        def _(p):
            base = p * (2 * R) + c * R

            @pl.loop(0, C)
            def _(kk):
                off = s * EW + kk * B
                pltpu.sync_copy(heads_h.at[pl.ds(off, B)], hv)
                pltpu.sync_copy(tails_h.at[pl.ds(off, B)], tv)
                pltpu.sync_copy(ets_h.at[pl.ds(off, B)], ev)
                pltpu.async_copy(table_h.at[tv], rows, sem).wait()
                pltpu.async_copy(wt_h.at[ev], wrows, sem).wait()

                @pl.loop(0, B)
                def _(r):
                    for j in range(D // L):
                        sl = pl.ds(j * L, L)
                        rows[r, sl] = rows[r, sl] * wrows[r, sl]

                local_idx(base)
                pltpu.sync_copy(rows, ssh.at[iv], add=True)

            writeback(p, sums_o)

        @pl.loop(0, B)
        def _(r):
            for j in range(D // L):
                rows[r, pl.ds(j * L, L)] = jnp.ones((L,), jnp.float32)

        @pl.loop(0, NPASS)
        def _(p):
            base = p * (2 * R) + c * R

            @pl.loop(0, C)
            def _(kk):
                off = s * EW + kk * B
                pltpu.sync_copy(heads_h.at[pl.ds(off, B)], hv)
                local_idx(base)
                pltpu.sync_copy(rows, ssh.at[iv], add=True)

            writeback(p, cnt_o)

    return k(heads, tails, etypes, table, wtable)


def _divide_kernel(sums_ref, cnt_ref, out_ref):
    cnt = jnp.maximum(cnt_ref[:, :1], 1.0)
    out_ref[:, :] = sums_ref[:, :] / cnt


def _scatter_mean(table, heads, tails, etypes, wtable, n_out):
    sums, cnt = _sc_scatter_sums(table, heads, tails, etypes, wtable, n_out)
    n_pad = sums.shape[0]
    BLK = SHARE
    out = pl.pallas_call(
        _divide_kernel,
        grid=(n_pad // BLK,),
        in_specs=[
            pl.BlockSpec((BLK, D), lambda i: (i, 0)),
            pl.BlockSpec((BLK, D), lambda i: (i, 0)),
        ],
        out_specs=pl.BlockSpec((BLK, D), lambda i: (i, 0)),
        out_shape=jax.ShapeDtypeStruct((n_pad, D), jnp.float32),
    )(sums, cnt)
    return out[:n_out]


def kernel(entity_emb, user_emb, edge_index, edge_type,
           extra_edge_index, extra_edge_type, weight, extra_weight):
    n_ent = entity_emb.shape[0]
    n_rel = weight.shape[0]
    kg_type = (edge_type - 1) % n_rel
    entity_agg = _scatter_mean(entity_emb, edge_index[0], edge_index[1],
                               kg_type, weight, n_ent)

    all_embed = jnp.concatenate([user_emb, entity_emb], axis=0)
    n_nodes = all_embed.shape[0]
    node_agg = _scatter_mean(all_embed, extra_edge_index[0],
                             extra_edge_index[1], extra_edge_type,
                             extra_weight, n_nodes)
    return (entity_agg, node_agg)

# --- scband reference (transcript-rebuilt; emitter-appended) ---
"""Pipeline reference for scband-recommender-62268435857506 (READ-ONLY COPY).

The authoritative reference and input builder live on the scoring server;
editing this copy changes nothing except your own understanding.
"""

import jax, jax.numpy as jnp
import numpy as np

N_ENTITIES = 100000
N_USERS = 10000
N_NODES = 110000
D = 128
E_KG = 600000
E_EX = 600000
N_REL = 11
N_PREF = 4


def scatter_mean(src, index, dim_size):
    s = jax.ops.segment_sum(src, index, num_segments=dim_size)
    cnt = jax.ops.segment_sum(jnp.ones((src.shape[0],), src.dtype), index, num_segments=dim_size)
    cnt = jnp.maximum(cnt, 1.0)
    return s / cnt[:, None]


def setup_inputs(seed: int = 0) -> dict:
    key = jax.random.key(seed)
    ks = jax.random.split(key, 8)
    entity_emb = jax.random.normal(ks[0], (N_ENTITIES, D), dtype=jnp.float32)
    user_emb = jax.random.normal(ks[1], (N_USERS, D), dtype=jnp.float32)
    edge_index = jax.random.randint(ks[2], (2, E_KG), 0, N_ENTITIES, dtype=jnp.int32)
    edge_type = jax.random.randint(ks[3], (E_KG,), 0, N_REL - 1, dtype=jnp.int32)
    extra_edge_index = jax.random.randint(ks[4], (2, E_EX), 0, N_NODES, dtype=jnp.int32)
    extra_edge_type = jax.random.randint(ks[5], (E_EX,), 0, N_PREF, dtype=jnp.int32)
    weight = jax.random.normal(ks[6], (N_REL - 1, D), dtype=jnp.float32)
    extra_weight = jax.random.normal(ks[7], (N_PREF, D), dtype=jnp.float32)
    return {
        "entity_emb": entity_emb,
        "user_emb": user_emb,
        "edge_index": edge_index,
        "edge_type": edge_type,
        "extra_edge_index": extra_edge_index,
        "extra_edge_type": extra_edge_type,
        "weight": weight,
        "extra_weight": extra_weight,
    }


def reference(entity_emb, user_emb, edge_index, edge_type, extra_edge_index, extra_edge_type, weight, extra_weight):
    # KG aggregate
    head = edge_index[0]
    tail = edge_index[1]
    edge_relation_emb = jnp.take(weight, edge_type - 1, axis=0)  # negative index wraps, matching torch
    neigh_relation_emb = jnp.take(entity_emb, tail, axis=0) * edge_relation_emb
    entity_agg = scatter_mean(neigh_relation_emb, head, N_ENTITIES)
    # user prefer view aggregate
    all_embed = jnp.concatenate([user_emb, entity_emb], axis=0)
    extra_head = extra_edge_index[0]
    extra_tail = extra_edge_index[1]
    extra_edge_relation_emb = jnp.take(extra_weight, extra_edge_type, axis=0)
    extra_neigh_relation_emb = jnp.take(all_embed, extra_tail, axis=0) * extra_edge_relation_emb
    node_agg = scatter_mean(extra_neigh_relation_emb, extra_head, N_NODES)
    return (entity_agg, node_agg)

if __name__ == "__main__":
    import jax
    _d = setup_inputs()
    print(jax.jit(kernel)(*tuple(_d.values())))

</pallas_src>

<mosaic_0001>
#map = affine_map<(d0, d1) -> (0)>
#map1 = affine_map<(d0, d1) -> (0, 0)>
module attributes {stable_mosaic.version = 14 : i64} {
  func.func @k(%arg0: i32, %arg1: i32, %arg2: memref<602112xi32, #tpu.memory_space<hbm>>, %arg3: memref<602112xi32, #tpu.memory_space<hbm>>, %arg4: memref<602112xi32, #tpu.memory_space<hbm>>, %arg5: memref<100000x128xf32, #tpu.memory_space<hbm>>, %arg6: memref<10x128xf32, #tpu.memory_space<hbm>>, %arg7: memref<102400x128xf32, #tpu.memory_space<hbm>>, %arg8: memref<102400x128xf32, #tpu.memory_space<hbm>>, %arg9: memref<256xi32, #tpu.memory_space<vmem>>, %arg10: memref<256xi32, #tpu.memory_space<vmem>>, %arg11: memref<256xi32, #tpu.memory_space<vmem>>, %arg12: memref<256xi32, #tpu.memory_space<vmem>>, %arg13: memref<256x128xf32, #tpu.memory_space<vmem>>, %arg14: memref<256x128xf32, #tpu.memory_space<vmem>>, %arg15: memref<160x128xf32, #tpu.memory_space<vmem>>, %arg16: memref<5136x128xf32, #tpu.memory_space<vmem_shared>>, %arg17: memref<!tpu.dma_semaphore, #tpu.memory_space<semaphore_mem>>) attributes {dimension_semantics = [#tpu.dimension_semantics<core_parallel>, #tpu.dimension_semantics<subcore_parallel>], iteration_bounds = array<i64: 2, 16>, scalar_prefetch = 0 : i64, scratch_operands = 9 : i64, tpu.core_type = #tpu.core_type<sc_vector_subcore>, window_params = [{transform_indices = #map}, {transform_indices = #map}, {transform_indices = #map}, {transform_indices = #map1}, {transform_indices = #map1}, {transform_indices = #map1}, {transform_indices = #map1}]} {
    %scan3A = arith.constant 0 : i32
    %scan3A_0 = arith.constant 160 : i32
    %scan3A_1 = arith.addi %scan3A, %scan3A_0 : i32
    %scan3A_2 = arith.constant 1 : i32
    scf.for %scan3A_25 = %scan3A to %scan3A_1 step %scan3A_2  : i32 {
      %mul3A_26 = arith.constant 1 : i32
      %mul3A_27 = arith.muli %scan3A_25, %mul3A_26 : i32
      %add3A_28 = arith.constant 0 : i32
      %add3A_29 = arith.addi %add3A_28, %mul3A_27 : i32
      %broadcast_in_dim3A = arith.constant 0.000000e+00 : f32
      %broadcast_in_dim3A_30 = vector.broadcast %broadcast_in_dim3A : f32 to vector<16xf32>
      %swap3A = arith.index_cast %add3A_29 : i32 to index
      %swap3A_31 = arith.constant 0 : index
      %swap3A_32 = tpu.vector_load %arg15[%swap3A, %swap3A_31] {strides = array<i32>} : memref<160x128xf32, #tpu.memory_space<vmem>>, vector<1x16xf32>,
      %swap3A_33 = vector.shape_cast %swap3A_32 : vector<1x16xf32> to vector<16xf32>
      %swap3A_34 = vector.shape_cast %broadcast_in_dim3A_30 : vector<16xf32> to vector<1x16xf32>
      tpu.vector_store %arg15[%swap3A, %swap3A_31], %swap3A_34 {strides = array<i32>} : memref<160x128xf32, #tpu.memory_space<vmem>>, vector<1x16xf32>,
      %broadcast_in_dim3A_35 = arith.constant 0.000000e+00 : f32
      %broadcast_in_dim3A_36 = vector.broadcast %broadcast_in_dim3A_35 : f32 to vector<16xf32>
      %swap3A_37 = arith.index_cast %add3A_29 : i32 to index
      %swap3A_38 = arith.constant 16 : index
      %swap3A_39 = tpu.vector_load %arg15[%swap3A_37, %swap3A_38] {strides = array<i32>} : memref<160x128xf32, #tpu.memory_space<vmem>>, vector<1x16xf32>,
      %swap3A_40 = vector.shape_cast %swap3A_39 : vector<1x16xf32> to vector<16xf32>
      %swap3A_41 = vector.shape_cast %broadcast_in_dim3A_36 : vector<16xf32> to vector<1x16xf32>
      tpu.vector_store %arg15[%swap3A_37, %swap3A_38], %swap3A_41 {strides = array<i32>} : memref<160x128xf32, #tpu.memory_space<vmem>>, vector<1x16xf32>,
      %broadcast_in_dim3A_42 = arith.constant 0.000000e+00 : f32
      %broadcast_in_dim3A_43 = vector.broadcast %broadcast_in_dim3A_42 : f32 to vector<16xf32>
      %swap3A_44 = arith.index_cast %add3A_29 : i32 to index
      %swap3A_45 = arith.constant 32 : index
      %swap3A_46 = tpu.vector_load %arg15[%swap3A_44, %swap3A_45] {strides = array<i32>} : memref<160x128xf32, #tpu.memory_space<vmem>>, vector<1x16xf32>,
      %swap3A_47 = vector.shape_cast %swap3A_46 : vector<1x16xf32> to vector<16xf32>
      %swap3A_48 = vector.shape_cast %broadcast_in_dim3A_43 : vector<16xf32> to vector<1x16xf32>
      tpu.vector_store %arg15[%swap3A_44, %swap3A_45], %swap3A_48 {strides = array<i32>} : memref<160x128xf32, #tpu.memory_space<vmem>>, vector<1x16xf32>,
      %broadcast_in_dim3A_49 = arith.constant 0.000000e+00 : f32
      %broadcast_in_dim3A_50 = vector.broadcast %broadcast_in_dim3A_49 : f32 to vector<16xf32>
      %swap3A_51 = arith.index_cast %add3A_29 : i32 to index
      %swap3A_52 = arith.constant 48 : index
      %swap3A_53 = tpu.vector_load %arg15[%swap3A_51, %swap3A_52] {strides = array<i32>} : memref<160x128xf32, #tpu.memory_space<vmem>>, vector<1x16xf32>,
      %swap3A_54 = vector.shape_cast %swap3A_53 : vector<1x16xf32> to vector<16xf32>
      %swap3A_55 = vector.shape_cast %broadcast_in_dim3A_50 : vector<16xf32> to vector<1x16xf32>
      tpu.vector_store %arg15[%swap3A_51, %swap3A_52], %swap3A_55 {strides = array<i32>} : memref<160x128xf32, #tpu.memory_space<vmem>>, vector<1x16xf32>,
      %broadcast_in_dim3A_56 = arith.constant 0.000000e+00 : f32
      %broadcast_in_dim3A_57 = vector.broadcast %broadcast_in_dim3A_56 : f32 to vector<16xf32>
      %swap3A_58 = arith.index_cast %add3A_29 : i32 to index
      %swap3A_59 = arith.constant 64 : index
      %swap3A_60 = tpu.vector_load %arg15[%swap3A_58, %swap3A_59] {strides = array<i32>} : memref<160x128xf32, #tpu.memory_space<vmem>>, vector<1x16xf32>,
      %swap3A_61 = vector.shape_cast %swap3A_60 : vector<1x16xf32> to vector<16xf32>
      %swap3A_62 = vector.shape_cast %broadcast_in_dim3A_57 : vector<16xf32> to vector<1x16xf32>
      tpu.vector_store %arg15[%swap3A_58, %swap3A_59], %swap3A_62 {strides = array<i32>} : memref<160x128xf32, #tpu.memory_space<vmem>>, vector<1x16xf32>,
      %broadcast_in_dim3A_63 = arith.constant 0.000000e+00 : f32
      %broadcast_in_dim3A_64 = vector.broadcast %broadcast_in_dim3A_63 : f32 to vector<16xf32>
      %swap3A_65 = arith.index_cast %add3A_29 : i32 to index
      %swap3A_66 = arith.constant 80 : index
      %swap3A_67 = tpu.vector_load %arg15[%swap3A_65, %swap3A_66] {strides = array<i32>} : memref<160x128xf32, #tpu.memory_space<vmem>>, vector<1x16xf32>,
      %swap3A_68 = vector.shape_cast %swap3A_67 : vector<1x16xf32> to vector<16xf32>
      %swap3A_69 = vector.shape_cast %broadcast_in_dim3A_64 : vector<16xf32> to vector<1x16xf32>
      tpu.vector_store %arg15[%swap3A_65, %swap3A_66], %swap3A_69 {strides = array<i32>} : memref<160x128xf32, #tpu.memory_space<vmem>>, vector<1x16xf32>,
      %broadcast_in_dim3A_70 = arith.constant 0.000000e+00 : f32
      %broadcast_in_dim3A_71 = vector.broadcast %broadcast_in_dim3A_70 : f32 to vector<16xf32>
      %swap3A_72 = arith.index_cast %add3A_29 : i32 to index
      %swap3A_73 = arith.constant 96 : index
      %swap3A_74 = tpu.vector_load %arg15[%swap3A_72, %swap3A_73] {strides = array<i32>} : memref<160x128xf32, #tpu.memory_space<vmem>>, vector<1x16xf32>,
      %swap3A_75 = vector.shape_cast %swap3A_74 : vector<1x16xf32> to vector<16xf32>
      %swap3A_76 = vector.shape_cast %broadcast_in_dim3A_71 : vector<16xf32> to vector<1x16xf32>
      tpu.vector_store %arg15[%swap3A_72, %swap3A_73], %swap3A_76 {strides = array<i32>} : memref<160x128xf32, #tpu.memory_space<vmem>>, vector<1x16xf32>,
      %broadcast_in_dim3A_77 = arith.constant 0.000000e+00 : f32
      %broadcast_in_dim3A_78 = vector.broadcast %broadcast_in_dim3A_77 : f32 to vector<16xf32>
      %swap3A_79 = arith.index_cast %add3A_29 : i32 to index
      %swap3A_80 = arith.constant 112 : index
      %swap3A_81 = tpu.vector_load %arg15[%swap3A_79, %swap3A_80] {strides = array<i32>} : memref<160x128xf32, #tpu.memory_space<vmem>>, vector<1x16xf32>,
      %swap3A_82 = vector.shape_cast %swap3A_81 : vector<1x16xf32> to vector<16xf32>
      %swap3A_83 = vector.shape_cast %broadcast_in_dim3A_78 : vector<16xf32> to vector<1x16xf32>
      tpu.vector_store %arg15[%swap3A_79, %swap3A_80], %swap3A_83 {strides = array<i32>} : memref<160x128xf32, #tpu.memory_space<vmem>>, vector<1x16xf32>,
    }
    %scan3A_3 = arith.constant 160 : i32
    %mul3A = arith.constant 320 : i32
    %mul3A_4 = arith.muli %arg1, %mul3A : i32
    %add3A = arith.constant 0 : i32
    %add3A_5 = arith.addi %mul3A_4, %add3A : i32
    "tpu.region"() ({
      %run_scoped3A = tpu.sem_alloc : memref<!tpu.dma_semaphore, #tpu.memory_space<semaphore_mem>>
      %dma_start3A = arith.constant 0 : i32
      %dma_start3A_25 = tpu.memref_slice %arg16[%add3A_5, %dma_start3A] : memref<5136x128xf32, #tpu.memory_space<vmem_shared>> -> memref<160x128xf32, #tpu.memory_space<vmem_shared>>
      %dma_start3A_26 = arith.constant 0 : i32
      %dma_start3A_27 = tpu.memref_slice %arg16[%add3A_5, %dma_start3A_26] : memref<5136x128xf32, #tpu.memory_space<vmem_shared>> -> memref<160x128xf32, #tpu.memory_space<vmem_shared>>
      tpu.enqueue_dma source(%arg15 : memref<160x128xf32, #tpu.memory_space<vmem>>) target(%dma_start3A_27 : memref<160x128xf32, #tpu.memory_space<vmem_shared>>) target_semaphore(%run_scoped3A : memref<!tpu.dma_semaphore, #tpu.memory_space<semaphore_mem>>)
      %dma_wait3A = arith.constant 0 : i32
      %dma_wait3A_28 = tpu.memref_slice %arg16[%add3A_5, %dma_wait3A] : memref<5136x128xf32, #tpu.memory_space<vmem_shared>> -> memref<160x128xf32, #tpu.memory_space<vmem_shared>>
      %dma_wait3A_29 = arith.constant 0 : i32
      %dma_wait3A_30 = tpu.memref_slice %arg16[%add3A_5, %dma_wait3A_29] : memref<5136x128xf32, #tpu.memory_space<vmem_shared>> -> memref<160x128xf32, #tpu.memory_space<vmem_shared>>
      tpu.wait_dma2 semaphore(%run_scoped3A : memref<!tpu.dma_semaphore, #tpu.memory_space<semaphore_mem>>) src(%arg15 : memref<160x128xf32, #tpu.memory_space<vmem>>) dst(%dma_wait3A_30 : memref<160x128xf32, #tpu.memory_space<vmem_shared>>)
      tpu.yield
    }) : () -> ()
    %mul3A_6 = arith.constant 320 : i32
    %mul3A_7 = arith.muli %arg1, %mul3A_6 : i32
    %add3A_8 = arith.constant 160 : i32
    %add3A_9 = arith.addi %mul3A_7, %add3A_8 : i32
    "tpu.region"() ({
      %run_scoped3A = tpu.sem_alloc : memref<!tpu.dma_semaphore, #tpu.memory_space<semaphore_mem>>
      %dma_start3A = arith.constant 0 : i32
      %dma_start3A_25 = tpu.memref_slice %arg16[%add3A_9, %dma_start3A] : memref<5136x128xf32, #tpu.memory_space<vmem_shared>> -> memref<160x128xf32, #tpu.memory_space<vmem_shared>>
      %dma_start3A_26 = arith.constant 0 : i32
      %dma_start3A_27 = tpu.memref_slice %arg16[%add3A_9, %dma_start3A_26] : memref<5136x128xf32, #tpu.memory_space<vmem_shared>> -> memref<160x128xf32, #tpu.memory_space<vmem_shared>>
      tpu.enqueue_dma source(%arg15 : memref<160x128xf32, #tpu.memory_space<vmem>>) target(%dma_start3A_27 : memref<160x128xf32, #tpu.memory_space<vmem_shared>>) target_semaphore(%run_scoped3A : memref<!tpu.dma_semaphore, #tpu.memory_space<semaphore_mem>>)
      %dma_wait3A = arith.constant 0 : i32
      %dma_wait3A_28 = tpu.memref_slice %arg16[%add3A_9, %dma_wait3A] : memref<5136x128xf32, #tpu.memory_space<vmem_shared>> -> memref<160x128xf32, #tpu.memory_space<vmem_shared>>
      %dma_wait3A_29 = arith.constant 0 : i32
      %dma_wait3A_30 = tpu.memref_slice %arg16[%add3A_9, %dma_wait3A_29] : memref<5136x128xf32, #tpu.memory_space<vmem_shared>> -> memref<160x128xf32, #tpu.memory_space<vmem_shared>>
      tpu.wait_dma2 semaphore(%run_scoped3A : memref<!tpu.dma_semaphore, #tpu.memory_space<semaphore_mem>>) src(%arg15 : memref<160x128xf32, #tpu.memory_space<vmem>>) dst(%dma_wait3A_30 : memref<160x128xf32, #tpu.memory_space<vmem_shared>>)
      tpu.yield
    }) : () -> ()
    %barrier3A = arith.constant 0 : index
    tpu.barrier barrier_id(%barrier3A)
    %scan3A_10 = arith.constant 0 : i32
    %scan3A_11 = arith.constant 10 : i32
    %scan3A_12 = arith.addi %scan3A_10, %scan3A_11 : i32
    %scan3A_13 = arith.constant 1 : i32
    scf.for %scan3A_25 = %scan3A_10 to %scan3A_12 step %scan3A_13  : i32 {
      %mul3A_26 = arith.constant 1 : i32
      %mul3A_27 = arith.muli %scan3A_25, %mul3A_26 : i32
      %add3A_28 = arith.constant 0 : i32
      %add3A_29 = arith.addi %add3A_28, %mul3A_27 : i32
      %mul3A_30 = arith.constant 10240 : i32
      %mul3A_31 = arith.muli %add3A_29, %mul3A_30 : i32
      %mul3A_32 = arith.constant 5120 : i32
      %mul3A_33 = arith.muli %arg0, %mul3A_32 : i32
      %add3A_34 = arith.addi %mul3A_31, %mul3A_33 : i32
      %scan3A_35 = arith.constant 0 : i32
      %scan3A_36 = arith.constant 147 : i32
      %scan3A_37 = arith.addi %scan3A_35, %scan3A_36 : i32
      %scan3A_38 = arith.constant 1 : i32
      scf.for %scan3A_61 = %scan3A_35 to %scan3A_37 step %scan3A_38  : i32 {
        %mul3A_62 = arith.constant 1 : i32
        %mul3A_63 = arith.muli %scan3A_61, %mul3A_62 : i32
        %add3A_64 = arith.constant 0 : i32
        %add3A_65 = arith.addi %add3A_64, %mul3A_63 : i32
        %mul3A_66 = arith.constant 37632 : i32
        %mul3A_67 = arith.muli %arg1, %mul3A_66 : i32
        %mul3A_68 = arith.constant 256 : i32
        %mul3A_69 = arith.muli %add3A_65, %mul3A_68 : i32
        %add3A_70 = arith.addi %mul3A_67, %mul3A_69 : i32
        "tpu.region"() ({
          %run_scoped3A = tpu.sem_alloc : memref<!tpu.dma_semaphore, #tpu.memory_space<semaphore_mem>>
          %dma_start3A_381 = tpu.memref_slice %arg2[%add3A_70] : memref<602112xi32, #tpu.memory_space<hbm>> -> memref<256xi32, #tpu.memory_space<hbm>>
          %dma_start3A_382 = tpu.memref_slice %arg2[%add3A_70] : memref<602112xi32, #tpu.memory_space<hbm>> -> memref<256xi32, #tpu.memory_space<hbm>>
          tpu.enqueue_dma source(%dma_start3A_382 : memref<256xi32, #tpu.memory_space<hbm>>) target(%arg9 : memref<256xi32, #tpu.memory_space<vmem>>) target_semaphore(%run_scoped3A : memref<!tpu.dma_semaphore, #tpu.memory_space<semaphore_mem>>)
          %dma_wait3A_383 = tpu.memref_slice %arg2[%add3A_70] : memref<602112xi32, #tpu.memory_space<hbm>> -> memref<256xi32, #tpu.memory_space<hbm>>
          %dma_wait3A_384 = tpu.memref_slice %arg2[%add3A_70] : memref<602112xi32, #tpu.memory_space<hbm>> -> memref<256xi32, #tpu.memory_space<hbm>>
          tpu.wait_dma2 semaphore(%run_scoped3A : memref<!tpu.dma_semaphore, #tpu.memory_space<semaphore_mem>>) src(%dma_wait3A_384 : memref<256xi32, #tpu.memory_space<hbm>>) dst(%arg9 : memref<256xi32, #tpu.memory_space<vmem>>)
          tpu.yield
        }) : () -> ()
        "tpu.region"() ({
          %run_scoped3A = tpu.sem_alloc : memref<!tpu.dma_semaphore, #tpu.memory_space<semaphore_mem>>
          %dma_start3A_381 = tpu.memref_slice %arg3[%add3A_70] : memref<602112xi32, #tpu.memory_space<hbm>> -> memref<256xi32, #tpu.memory_space<hbm>>
          %dma_start3A_382 = tpu.memref_slice %arg3[%add3A_70] : memref<602112xi32, #tpu.memory_space<hbm>> -> memref<256xi32, #tpu.memory_space<hbm>>
          tpu.enqueue_dma source(%dma_start3A_382 : memref<256xi32, #tpu.memory_space<hbm>>) target(%arg10 : memref<256xi32, #tpu.memory_space<vmem>>) target_semaphore(%run_scoped3A : memref<!tpu.dma_semaphore, #tpu.memory_space<semaphore_mem>>)
          %dma_wait3A_383 = tpu.memref_slice %arg3[%add3A_70] : memref<602112xi32, #tpu.memory_space<hbm>> -> memref<256xi32, #tpu.memory_space<hbm>>
          %dma_wait3A_384 = tpu.memref_slice %arg3[%add3A_70] : memref<602112xi32, #tpu.memory_space<hbm>> -> memref<256xi32, #tpu.memory_space<hbm>>
          tpu.wait_dma2 semaphore(%run_scoped3A : memref<!tpu.dma_semaphore, #tpu.memory_space<semaphore_mem>>) src(%dma_wait3A_384 : memref<256xi32, #tpu.memory_space<hbm>>) dst(%arg10 : memref<256xi32, #tpu.memory_space<vmem>>)
          tpu.yield
        }) : () -> ()
        "tpu.region"() ({
          %run_scoped3A = tpu.sem_alloc : memref<!tpu.dma_semaphore, #tpu.memory_space<semaphore_mem>>
          %dma_start3A_381 = tpu.memref_slice %arg4[%add3A_70] : memref<602112xi32, #tpu.memory_space<hbm>> -> memref<256xi32, #tpu.memory_space<hbm>>
          %dma_start3A_382 = tpu.memref_slice %arg4[%add3A_70] : memref<602112xi32, #tpu.memory_space<hbm>> -> memref<256xi32, #tpu.memory_space<hbm>>
          tpu.enqueue_dma source(%dma_start3A_382 : memref<256xi32, #tpu.memory_space<hbm>>) target(%arg11 : memref<256xi32, #tpu.memory_space<vmem>>) target_semaphore(%run_scoped3A : memref<!tpu.dma_semaphore, #tpu.memory_space<semaphore_mem>>)
          %dma_wait3A_383 = tpu.memref_slice %arg4[%add3A_70] : memref<602112xi32, #tpu.memory_space<hbm>> -> memref<256xi32, #tpu.memory_space<hbm>>
          %dma_wait3A_384 = tpu.memref_slice %arg4[%add3A_70] : memref<602112xi32, #tpu.memory_space<hbm>> -> memref<256xi32, #tpu.memory_space<hbm>>
          tpu.wait_dma2 semaphore(%run_scoped3A : memref<!tpu.dma_semaphore, #tpu.memory_space<semaphore_mem>>) src(%dma_wait3A_384 : memref<256xi32, #tpu.memory_space<hbm>>) dst(%arg11 : memref<256xi32, #tpu.memory_space<vmem>>)
          tpu.yield
        }) : () -> ()
        %dma_start3A = arith.constant 0 : i32
        %dma_start3A_71 = arith.constant 0 : i32
        %dma_start3A_72 = tpu.memref_slice %arg5[%dma_start3A, %dma_start3A_71] : memref<100000x128xf32, #tpu.memory_space<hbm>> -> memref<100000x128xf32, #tpu.memory_space<hbm>>
        tpu.enqueue_indirect_dma source(%dma_start3A_72 : memref<100000x128xf32, #tpu.memory_space<hbm>>) target(%arg13 : memref<256x128xf32, #tpu.memory_space<vmem>>) offsets(%arg10 : memref<256xi32, #tpu.memory_space<vmem>>) semaphore(%arg17 : memref<!tpu.dma_semaphore, #tpu.memory_space<semaphore_mem>>)
        %dma_wait3A = arith.constant 0 : i32
        %dma_wait3A_73 = arith.constant 0 : i32
        %dma_wait3A_74 = tpu.memref_slice %arg5[%dma_wait3A, %dma_wait3A_73] : memref<100000x128xf32, #tpu.memory_space<hbm>> -> memref<100000x128xf32, #tpu.memory_space<hbm>>
        tpu.wait_indirect_dma semaphore(%arg17 : memref<!tpu.dma_semaphore, #tpu.memory_space<semaphore_mem>>) src(%dma_wait3A_74 : memref<100000x128xf32, #tpu.memory_space<hbm>>) dst(%arg13 : memref<256x128xf32, #tpu.memory_space<vmem>>)
        %dma_start3A_75 = arith.constant 0 : i32
        %dma_start3A_76 = arith.constant 0 : i32
        %dma_start3A_77 = tpu.memref_slice %arg6[%dma_start3A_75, %dma_start3A_76] : memref<10x128xf32, #tpu.memory_space<hbm>> -> memref<10x128xf32, #tpu.memory_space<hbm>>
        tpu.enqueue_indirect_dma source(%dma_start3A_77 : memref<10x128xf32, #tpu.memory_space<hbm>>) target(%arg14 : memref<256x128xf32, #tpu.memory_space<vmem>>) offsets(%arg11 : memref<256xi32, #tpu.memory_space<vmem>>) semaphore(%arg17 : memref<!tpu.dma_semaphore, #tpu.memory_space<semaphore_mem>>)
        %dma_wait3A_78 = arith.constant 0 : i32
        %dma_wait3A_79 = arith.constant 0 : i32
        %dma_wait3A_80 = tpu.memref_slice %arg6[%dma_wait3A_78, %dma_wait3A_79] : memref<10x128xf32, #tpu.memory_space<hbm>> -> memref<10x128xf32, #tpu.memory_space<hbm>>
        tpu.wait_indirect_dma semaphore(%arg17 : memref<!tpu.dma_semaphore, #tpu.memory_space<semaphore_mem>>) src(%dma_wait3A_80 : memref<10x128xf32, #tpu.memory_space<hbm>>) dst(%arg14 : memref<256x128xf32, #tpu.memory_space<vmem>>)
        %scan3A_81 = arith.constant 0 : i32
        %scan3A_82 = arith.constant 256 : i32
        %scan3A_83 = arith.addi %scan3A_81, %scan3A_82 : i32
        %scan3A_84 = arith.constant 1 : i32
        scf.for %scan3A_381 = %scan3A_81 to %scan3A_83 step %scan3A_84  : i32 {
          %mul3A_382 = arith.constant 1 : i32
          %mul3A_383 = arith.muli %scan3A_381, %mul3A_382 : i32
          %add3A_384 = arith.constant 0 : i32
          %add3A_385 = arith.addi %add3A_384, %mul3A_383 : i32
          %get3A_386 = arith.index_cast %add3A_385 : i32 to index
          %get3A_387 = arith.constant 0 : index
          %get3A_388 = tpu.vector_load %arg13[%get3A_386, %get3A_387] {strides = array<i32>} : memref<256x128xf32, #tpu.memory_space<vmem>>, vector<1x16xf32>,
          %get3A_389 = vector.shape_cast %get3A_388 : vector<1x16xf32> to vector<16xf32>
          %get3A_390 = arith.index_cast %add3A_385 : i32 to index
          %get3A_391 = arith.constant 0 : index
          %get3A_392 = tpu.vector_load %arg14[%get3A_390, %get3A_391] {strides = array<i32>} : memref<256x128xf32, #tpu.memory_space<vmem>>, vector<1x16xf32>,
          %get3A_393 = vector.shape_cast %get3A_392 : vector<1x16xf32> to vector<16xf32>
          %mul3A_394 = arith.mulf %get3A_389, %get3A_393 : vector<16xf32>
          %swap3A_395 = arith.index_cast %add3A_385 : i32 to index
          %swap3A_396 = arith.constant 0 : index
          %swap3A_397 = tpu.vector_load %arg13[%swap3A_395, %swap3A_396] {strides = array<i32>} : memref<256x128xf32, #tpu.memory_space<vmem>>, vector<1x16xf32>,
          %swap3A_398 = vector.shape_cast %swap3A_397 : vector<1x16xf32> to vector<16xf32>
          %swap3A_399 = vector.shape_cast %mul3A_394 : vector<16xf32> to vector<1x16xf32>
          tpu.vector_store %arg13[%swap3A_395, %swap3A_396], %swap3A_399 {strides = array<i32>} : memref<256x128xf32, #tpu.memory_space<vmem>>, vector<1x16xf32>,
          %get3A_400 = arith.index_cast %add3A_385 : i32 to index
          %get3A_401 = arith.constant 16 : index
          %get3A_402 = tpu.vector_load %arg13[%get3A_400, %get3A_401] {strides = array<i32>} : memref<256x128xf32, #tpu.memory_space<vmem>>, vector<1x16xf32>,
          %get3A_403 = vector.shape_cast %get3A_402 : vector<1x16xf32> to vector<16xf32>
          %get3A_404 = arith.index_cast %add3A_385 : i32 to index
          %get3A_405 = arith.constant 16 : index
          %get3A_406 = tpu.vector_load %arg14[%get3A_404, %get3A_405] {strides = array<i32>} : memref<256x128xf32, #tpu.memory_space<vmem>>, vector<1x16xf32>,
          %get3A_407 = vector.shape_cast %get3A_406 : vector<1x16xf32> to vector<16xf32>
          %mul3A_408 = arith.mulf %get3A_403, %get3A_407 : vector<16xf32>
          %swap3A_409 = arith.index_cast %add3A_385 : i32 to index
          %swap3A_410 = arith.constant 16 : index
          %swap3A_411 = tpu.vector_load %arg13[%swap3A_409, %swap3A_410] {strides = array<i32>} : memref<256x128xf32, #tpu.memory_space<vmem>>, vector<1x16xf32>,
          %swap3A_412 = vector.shape_cast %swap3A_411 : vector<1x16xf32> to vector<16xf32>
          %swap3A_413 = vector.shape_cast %mul3A_408 : vector<16xf32> to vector<1x16xf32>
          tpu.vector_store %arg13[%swap3A_409, %swap3A_410], %swap3A_413 {strides = array<i32>} : memref<256x128xf32, #tpu.memory_space<vmem>>, vector<1x16xf32>,
          %get3A_414 = arith.index_cast %add3A_385 : i32 to index
          %get3A_415 = arith.constant 32 : index
          %get3A_416 = tpu.vector_load %arg13[%get3A_414, %get3A_415] {strides = array<i32>} : memref<256x128xf32, #tpu.memory_space<vmem>>, vector<1x16xf32>,
          %get3A_417 = vector.shape_cast %get3A_416 : vector<1x16xf32> to vector<16xf32>
          %get3A_418 = arith.index_cast %add3A_385 : i32 to index
          %get3A_419 = arith.constant 32 : index
          %get3A_420 = tpu.vector_load %arg14[%get3A_418, %get3A_419] {strides = array<i32>} : memref<256x128xf32, #tpu.memory_space<vmem>>, vector<1x16xf32>,
          %get3A_421 = vector.shape_cast %get3A_420 : vector<1x16xf32> to vector<16xf32>
          %mul3A_422 = arith.mulf %get3A_417, %get3A_421 : vector<16xf32>
          %swap3A_423 = arith.index_cast %add3A_385 : i32 to index
          %swap3A_424 = arith.constant 32 : index
          %swap3A_425 = tpu.vector_load %arg13[%swap3A_423, %swap3A_424] {strides = array<i32>} : memref<256x128xf32, #tpu.memory_space<vmem>>, vector<1x16xf32>,
          %swap3A_426 = vector.shape_cast %swap3A_425 : vector<1x16xf32> to vector<16xf32>
          %swap3A_427 = vector.shape_cast %mul3A_422 : vector<16xf32> to vector<1x16xf32>
          tpu.vector_store %arg13[%swap3A_423, %swap3A_424], %swap3A_427 {strides = array<i32>} : memref<256x128xf32, #tpu.memory_space<vmem>>, vector<1x16xf32>,
          %get3A_428 = arith.index_cast %add3A_385 : i32 to index
          %get3A_429 = arith.constant 48 : index
          %get3A_430 = tpu.vector_load %arg13[%get3A_428, %get3A_429] {strides = array<i32>} : memref<256x128xf32, #tpu.memory_space<vmem>>, vector<1x16xf32>,
          %get3A_431 = vector.shape_cast %get3A_430 : vector<1x16xf32> to vector<16xf32>
          %get3A_432 = arith.index_cast %add3A_385 : i32 to index
          %get3A_433 = arith.constant 48 : index
          %get3A_434 = tpu.vector_load %arg14[%get3A_432, %get3A_433] {strides = array<i32>} : memref<256x128xf32, #tpu.memory_space<vmem>>, vector<1x16xf32>,
          %get3A_435 = vector.shape_cast %get3A_434 : vector<1x16xf32> to vector<16xf32>
          %mul3A_436 = arith.mulf %get3A_431, %get3A_435 : vector<16xf32>
          %swap3A_437 = arith.index_cast %add3A_385 : i32 to index
          %swap3A_438 = arith.constant 48 : index
          %swap3A_439 = tpu.vector_load %arg13[%swap3A_437, %swap3A_438] {strides = array<i32>} : memref<256x128xf32, #tpu.memory_space<vmem>>, vector<1x16xf32>,
          %swap3A_440 = vector.shape_cast %swap3A_439 : vector<1x16xf32> to vector<16xf32>
          %swap3A_441 = vector.shape_cast %mul3A_436 : vector<16xf32> to vector<1x16xf32>
          tpu.vector_store %arg13[%swap3A_437, %swap3A_438], %swap3A_441 {strides = array<i32>} : memref<256x128xf32, #tpu.memory_space<vmem>>, vector<1x16xf32>,
          %get3A_442 = arith.index_cast %add3A_385 : i32 to index
          %get3A_443 = arith.constant 64 : index
          %get3A_444 = tpu.vector_load %arg13[%get3A_442, %get3A_443] {strides = array<i32>} : memref<256x128xf32, #tpu.memory_space<vmem>>, vector<1x16xf32>,
          %get3A_445 = vector.shape_cast %get3A_444 : vector<1x16xf32> to vector<16xf32>
          %get3A_446 = arith.index_cast %add3A_385 : i32 to index
          %get3A_447 = arith.constant 64 : index
          %get3A_448 = tpu.vector_load %arg14[%get3A_446, %get3A_447] {strides = array<i32>} : memref<256x128xf32, #tpu.memory_space<vmem>>, vector<1x16xf32>,
          %get3A_449 = vector.shape_cast %get3A_448 : vector<1x16xf32> to vector<16xf32>
          %mul3A_450 = arith.mulf %get3A_445, %get3A_449 : vector<16xf32>
          %swap3A_451 = arith.index_cast %add3A_385 : i32 to index
          %swap3A_452 = arith.constant 64 : index
          %swap3A_453 = tpu.vector_load %arg13[%swap3A_451, %swap3A_452] {strides = array<i32>} : memref<256x128xf32, #tpu.memory_space<vmem>>, vector<1x16xf32>,
          %swap3A_454 = vector.shape_cast %swap3A_453 : vector<1x16xf32> to vector<16xf32>
          %swap3A_455 = vector.shape_cast %mul3A_450 : vector<16xf32> to vector<1x16xf32>
          tpu.vector_store %arg13[%swap3A_451, %swap3A_452], %swap3A_455 {strides = array<i32>} : memref<256x128xf32, #tpu.memory_space<vmem>>, vector<1x16xf32>,
          %get3A_456 = arith.index_cast %add3A_385 : i32 to index
          %get3A_457 = arith.constant 80 : index
          %get3A_458 = tpu.vector_load %arg13[%get3A_456, %get3A_457] {strides = array<i32>} : memref<256x128xf32, #tpu.memory_space<vmem>>, vector<1x16xf32>,
          %get3A_459 = vector.shape_cast %get3A_458 : vector<1x16xf32> to vector<16xf32>
          %get3A_460 = arith.index_cast %add3A_385 : i32 to index
          %get3A_461 = arith.constant 80 : index
          %get3A_462 = tpu.vector_load %arg14[%get3A_460, %get3A_461] {strides = array<i32>} : memref<256x128xf32, #tpu.memory_space<vmem>>, vector<1x16xf32>,
          %get3A_463 = vector.shape_cast %get3A_462 : vector<1x16xf32> to vector<16xf32>
          %mul3A_464 = arith.mulf %get3A_459, %get3A_463 : vector<16xf32>
          %swap3A_465 = arith.index_cast %add3A_385 : i32 to index
          %swap3A_466 = arith.constant 80 : index
          %swap3A_467 = tpu.vector_load %arg13[%swap3A_465, %swap3A_466] {strides = array<i32>} : memref<256x128xf32, #tpu.memory_space<vmem>>, vector<1x16xf32>,
          %swap3A_468 = vector.shape_cast %swap3A_467 : vector<1x16xf32> to vector<16xf32>
          %swap3A_469 = vector.shape_cast %mul3A_464 : vector<16xf32> to vector<1x16xf32>
          tpu.vector_store %arg13[%swap3A_465, %swap3A_466], %swap3A_469 {strides = array<i32>} : memref<256x128xf32, #tpu.memory_space<vmem>>, vector<1x16xf32>,
          %get3A_470 = arith.index_cast %add3A_385 : i32 to index
          %get3A_471 = arith.constant 96 : index
          %get3A_472 = tpu.vector_load %arg13[%get3A_470, %get3A_471] {strides = array<i32>} : memref<256x128xf32, #tpu.memory_space<vmem>>, vector<1x16xf32>,
          %get3A_473 = vector.shape_cast %get3A_472 : vector<1x16xf32> to vector<16xf32>
          %get3A_474 = arith.index_cast %add3A_385 : i32 to index
          %get3A_475 = arith.constant 96 : index
          %get3A_476 = tpu.vector_load %arg14[%get3A_474, %get3A_475] {strides = array<i32>} : memref<256x128xf32, #tpu.memory_space<vmem>>, vector<1x16xf32>,
          %get3A_477 = vector.shape_cast %get3A_476 : vector<1x16xf32> to vector<16xf32>
          %mul3A_478 = arith.mulf %get3A_473, %get3A_477 : vector<16xf32>
          %swap3A_479 = arith.index_cast %add3A_385 : i32 to index
          %swap3A_480 = arith.constant 96 : index
          %swap3A_481 = tpu.vector_load %arg13[%swap3A_479, %swap3A_480] {strides = array<i32>} : memref<256x128xf32, #tpu.memory_space<vmem>>, vector<1x16xf32>,
          %swap3A_482 = vector.shape_cast %swap3A_481 : vector<1x16xf32> to vector<16xf32>
          %swap3A_483 = vector.shape_cast %mul3A_478 : vector<16xf32> to vector<1x16xf32>
          tpu.vector_store %arg13[%swap3A_479, %swap3A_480], %swap3A_483 {strides = array<i32>} : memref<256x128xf32, #tpu.memory_space<vmem>>, vector<1x16xf32>,
          %get3A_484 = arith.index_cast %add3A_385 : i32 to index
          %get3A_485 = arith.constant 112 : index
          %get3A_486 = tpu.vector_load %arg13[%get3A_484, %get3A_485] {strides = array<i32>} : memref<256x128xf32, #tpu.memory_space<vmem>>, vector<1x16xf32>,
          %get3A_487 = vector.shape_cast %get3A_486 : vector<1x16xf32> to vector<16xf32>
          %get3A_488 = arith.index_cast %add3A_385 : i32 to index
          %get3A_489 = arith.constant 112 : index
          %get3A_490 = tpu.vector_load %arg14[%get3A_488, %get3A_489] {strides = array<i32>} : memref<256x128xf32, #tpu.memory_space<vmem>>, vector<1x16xf32>,
          %get3A_491 = vector.shape_cast %get3A_490 : vector<1x16xf32> to vector<16xf32>
          %mul3A_492 = arith.mulf %get3A_487, %get3A_491 : vector<16xf32>
          %swap3A_493 = arith.index_cast %add3A_385 : i32 to index
          %swap3A_494 = arith.constant 112 : index
          %swap3A_495 = tpu.vector_load %arg13[%swap3A_493, %swap3A_494] {strides = array<i32>} : memref<256x128xf32, #tpu.memory_space<vmem>>, vector<1x16xf32>,
          %swap3A_496 = vector.shape_cast %swap3A_495 : vector<1x16xf32> to vector<16xf32>
          %swap3A_497 = vector.shape_cast %mul3A_492 : vector<16xf32> to vector<1x16xf32>
          tpu.vector_store %arg13[%swap3A_493, %swap3A_494], %swap3A_497 {strides = array<i32>} : memref<256x128xf32, #tpu.memory_space<vmem>>, vector<1x16xf32>,
        }
        %scan3A_85 = arith.constant 256 : i32
        %get3A = arith.constant 0 : index
        %get3A_86 = tpu.vector_load %arg9[%get3A] {strides = array<i32>} : memref<256xi32, #tpu.memory_space<vmem>>, vector<16xi32>,
        %get3A_87 = vector.shape_cast %get3A_86 : vector<16xi32> to vector<16xi32>
        %sub3A = vector.broadcast %add3A_34 : i32 to vector<16xi32>
        %sub3A_88 = arith.subi %get3A_87, %sub3A : vector<16xi32>
        %ge3A = arith.constant 0 : i32
        %ge3A_89 = vector.broadcast %ge3A : i32 to vector<16xi32>
        %ge3A_90 = arith.cmpi sge, %sub3A_88, %ge3A_89 : vector<16xi32>
        %lt3A = arith.constant 5120 : i32
        %lt3A_91 = vector.broadcast %lt3A : i32 to vector<16xi32>
        %lt3A_92 = arith.cmpi slt, %sub3A_88, %lt3A_91 : vector<16xi32>
        %and3A = arith.andi %ge3A_90, %lt3A_92 : vector<16xi1>
        %jit3A = arith.constant 5120 : i32
        %broadcast_in_dim3A = vector.broadcast %jit3A : i32 to vector<16xi32>
        %select_n3A = arith.select %and3A, %sub3A_88, %broadcast_in_dim3A : vector<16xi1>, vector<16xi32>
        %swap3A = arith.constant 0 : index
        %swap3A_93 = tpu.vector_load %arg12[%swap3A] {strides = array<i32>} : memref<256xi32, #tpu.memory_space<vmem>>, vector<16xi32>,
        %swap3A_94 = vector.shape_cast %swap3A_93 : vector<16xi32> to vector<16xi32>
        %swap3A_95 = vector.shape_cast %select_n3A : vector<16xi32> to vector<16xi32>
        tpu.vector_store %arg12[%swap3A], %swap3A_95 {strides = array<i32>} : memref<256xi32, #tpu.memory_space<vmem>>, vector<16xi32>,
        %get3A_96 = arith.constant 16 : index
        %get3A_97 = tpu.vector_load %arg9[%get3A_96] {strides = array<i32>} : memref<256xi32, #tpu.memory_space<vmem>>, vector<16xi32>,
        %get3A_98 = vector.shape_cast %get3A_97 : vector<16xi32> to vector<16xi32>
        %sub3A_99 = vector.broadcast %add3A_34 : i32 to vector<16xi32>
        %sub3A_100 = arith.subi %get3A_98, %sub3A_99 : vector<16xi32>
        %ge3A_101 = arith.constant 0 : i32
        %ge3A_102 = vector.broadcast %ge3A_101 : i32 to vector<16xi32>
        %ge3A_103 = arith.cmpi sge, %sub3A_100, %ge3A_102 : vector<16xi32>
        %lt3A_104 = arith.constant 5120 : i32
        %lt3A_105 = vector.broadcast %lt3A_104 : i32 to vector<16xi32>
        %lt3A_106 = arith.cmpi slt, %sub3A_100, %lt3A_105 : vector<16xi32>
        %and3A_107 = arith.andi %ge3A_103, %lt3A_106 : vector<16xi1>
        %jit3A_108 = arith.constant 5120 : i32
        %broadcast_in_dim3A_109 = vector.broadcast %jit3A_108 : i32 to vector<16xi32>
        %select_n3A_110 = arith.select %and3A_107, %sub3A_100, %broadcast_in_dim3A_109 : vector<16xi1>, vector<16xi32>
        %swap3A_111 = arith.constant 16 : index
        %swap3A_112 = tpu.vector_load %arg12[%swap3A_111] {strides = array<i32>} : memref<256xi32, #tpu.memory_space<vmem>>, vector<16xi32>,
        %swap3A_113 = vector.shape_cast %swap3A_112 : vector<16xi32> to vector<16xi32>
        %swap3A_114 = vector.shape_cast %select_n3A_110 : vector<16xi32> to vector<16xi32>
        tpu.vector_store %arg12[%swap3A_111], %swap3A_114 {strides = array<i32>} : memref<256xi32, #tpu.memory_space<vmem>>, vector<16xi32>,
        %get3A_115 = arith.constant 32 : index
        %get3A_116 = tpu.vector_load %arg9[%get3A_115] {strides = array<i32>} : memref<256xi32, #tpu.memory_space<vmem>>, vector<16xi32>,
        %get3A_117 = vector.shape_cast %get3A_116 : vector<16xi32> to vector<16xi32>
        %sub3A_118 = vector.broadcast %add3A_34 : i32 to vector<16xi32>
        %sub3A_119 = arith.subi %get3A_117, %sub3A_118 : vector<16xi32>
        %ge3A_120 = arith.constant 0 : i32
        %ge3A_121 = vector.broadcast %ge3A_120 : i32 to vector<16xi32>
        %ge3A_122 = arith.cmpi sge, %sub3A_119, %ge3A_121 : vector<16xi32>
        %lt3A_123 = arith.constant 5120 : i32
        %lt3A_124 = vector.broadcast %lt3A_123 : i32 to vector<16xi32>
        %lt3A_125 = arith.cmpi slt, %sub3A_119, %lt3A_124 : vector<16xi32>
        %and3A_126 = arith.andi %ge3A_122, %lt3A_125 : vector<16xi1>
        %jit3A_127 = arith.constant 5120 : i32
        %broadcast_in_dim3A_128 = vector.broadcast %jit3A_127 : i32 to vector<16xi32>
        %select_n3A_129 = arith.select %and3A_126, %sub3A_119, %broadcast_in_dim3A_128 : vector<16xi1>, vector<16xi32>
        %swap3A_130 = arith.constant 32 : index
        %swap3A_131 = tpu.vector_load %arg12[%swap3A_130] {strides = array<i32>} : memref<256xi32, #tpu.memory_space<vmem>>, vector<16xi32>,
        %swap3A_132 = vector.shape_cast %swap3A_131 : vector<16xi32> to vector<16xi32>
        %swap3A_133 = vector.shape_cast %select_n3A_129 : vector<16xi32> to vector<16xi32>
        tpu.vector_store %arg12[%swap3A_130], %swap3A_133 {strides = array<i32>} : memref<256xi32, #tpu.memory_space<vmem>>, vector<16xi32>,
        %get3A_134 = arith.constant 48 : index
        %get3A_135 = tpu.vector_load %arg9[%get3A_134] {strides = array<i32>} : memref<256xi32, #tpu.memory_space<vmem>>, vector<16xi32>,
        %get3A_136 = vector.shape_cast %get3A_135 : vector<16xi32> to vector<16xi32>
        %sub3A_137 = vector.broadcast %add3A_34 : i32 to vector<16xi32>
        %sub3A_138 = arith.subi %get3A_136, %sub3A_137 : vector<16xi32>
        %ge3A_139 = arith.constant 0 : i32
        %ge3A_140 = vector.broadcast %ge3A_139 : i32 to vector<16xi32>
        %ge3A_141 = arith.cmpi sge, %sub3A_138, %ge3A_140 : vector<16xi32>
        %lt3A_142 = arith.constant 5120 : i32
        %lt3A_143 = vector.broadcast %lt3A_142 : i32 to vector<16xi32>
        %lt3A_144 = arith.cmpi slt, %sub3A_138, %lt3A_143 : vector<16xi32>
        %and3A_145 = arith.andi %ge3A_141, %lt3A_144 : vector<16xi1>
        %jit3A_146 = arith.constant 5120 : i32
        %broadcast_in_dim3A_147 = vector.broadcast %jit3A_146 : i32 to vector<16xi32>
        %select_n3A_148 = arith.select %and3A_145, %sub3A_138, %broadcast_in_dim3A_147 : vector<16xi1>, vector<16xi32>
        %swap3A_149 = arith.constant 48 : index
        %swap3A_150 = tpu.vector_load %arg12[%swap3A_149] {strides = array<i32>} : memref<256xi32, #tpu.memory_space<vmem>>, vector<16xi32>,
        %swap3A_151 = vector.shape_cast %swap3A_150 : vector<16xi32> to vector<16xi32>
        %swap3A_152 = vector.shape_cast %select_n3A_148 : vector<16xi32> to vector<16xi32>
        tpu.vector_store %arg12[%swap3A_149], %swap3A_152 {strides = array<i32>} : memref<256xi32, #tpu.memory_space<vmem>>, vector<16xi32>,
        %get3A_153 = arith.constant 64 : index
        %get3A_154 = tpu.vector_load %arg9[%get3A_153] {strides = array<i32>} : memref<256xi32, #tpu.memory_space<vmem>>, vector<16xi32>,
        %get3A_155 = vector.shape_cast %get3A_154 : vector<16xi32> to vector<16xi32>
        %sub3A_156 = vector.broadcast %add3A_34 : i32 to vector<16xi32>
        %sub3A_157 = arith.subi %get3A_155, %sub3A_156 : vector<16xi32>
        %ge3A_158 = arith.constant 0 : i32
        %ge3A_159 = vector.broadcast %ge3A_158 : i32 to vector<16xi32>
        %ge3A_160 = arith.cmpi sge, %sub3A_157, %ge3A_159 : vector<16xi32>
        %lt3A_161 = arith.constant 5120 : i32
        %lt3A_162 = vector.broadcast %lt3A_161 : i32 to vector<16xi32>
        %lt3A_163 = arith.cmpi slt, %sub3A_157, %lt3A_162 : vector<16xi32>
        %and3A_164 = arith.andi %ge3A_160, %lt3A_163 : vector<16xi1>
        %jit3A_165 = arith.constant 5120 : i32
        %broadcast_in_dim3A_166 = vector.broadcast %jit3A_165 : i32 to vector<16xi32>
        %select_n3A_167 = arith.select %and3A_164, %sub3A_157, %broadcast_in_dim3A_166 : vector<16xi1>, vector<16xi32>
        %swap3A_168 = arith.constant 64 : index
        %swap3A_169 = tpu.vector_load %arg12[%swap3A_168] {strides = array<i32>} : memref<256xi32, #tpu.memory_space<vmem>>, vector<16xi32>,
        %swap3A_170 = vector.shape_cast %swap3A_169 : vector<16xi32> to vector<16xi32>
        %swap3A_171 = vector.shape_cast %select_n3A_167 : vector<16xi32> to vector<16xi32>
        tpu.vector_store %arg12[%swap3A_168], %swap3A_171 {strides = array<i32>} : memref<256xi32, #tpu.memory_space<vmem>>, vector<16xi32>,
        %get3A_172 = arith.constant 80 : index
        %get3A_173 = tpu.vector_load %arg9[%get3A_172] {strides = array<i32>} : memref<256xi32, #tpu.memory_space<vmem>>, vector<16xi32>,
        %get3A_174 = vector.shape_cast %get3A_173 : vector<16xi32> to vector<16xi32>
        %sub3A_175 = vector.broadcast %add3A_34 : i32 to vector<16xi32>
        %sub3A_176 = arith.subi %get3A_174, %sub3A_175 : vector<16xi32>
        %ge3A_177 = arith.constant 0 : i32
        %ge3A_178 = vector.broadcast %ge3A_177 : i32 to vector<16xi32>
        %ge3A_179 = arith.cmpi sge, %sub3A_176, %ge3A_178 : vector<16xi32>
        %lt3A_180 = arith.constant 5120 : i32
        %lt3A_181 = vector.broadcast %lt3A_180 : i32 to vector<16xi32>
        %lt3A_182 = arith.cmpi slt, %sub3A_176, %lt3A_181 : vector<16xi32>
        %and3A_183 = arith.andi %ge3A_179, %lt3A_182 : vector<16xi1>
        %jit3A_184 = arith.constant 5120 : i32
        %broadcast_in_dim3A_185 = vector.broadcast %jit3A_184 : i32 to vector<16xi32>
        %select_n3A_186 = arith.select %and3A_183, %sub3A_176, %broadcast_in_dim3A_185 : vector<16xi1>, vector<16xi32>
        %swap3A_187 = arith.constant 80 : index
        %swap3A_188 = tpu.vector_load %arg12[%swap3A_187] {strides = array<i32>} : memref<256xi32, #tpu.memory_space<vmem>>, vector<16xi32>,
        %swap3A_189 = vector.shape_cast %swap3A_188 : vector<16xi32> to vector<16xi32>
        %swap3A_190 = vector.shape_cast %select_n3A_186 : vector<16xi32> to vector<16xi32>
        tpu.vector_store %arg12[%swap3A_187], %swap3A_190 {strides = array<i32>} : memref<256xi32, #tpu.memory_space<vmem>>, vector<16xi32>,
        %get3A_191 = arith.constant 96 : index
        %get3A_192 = tpu.vector_load %arg9[%get3A_191] {strides = array<i32>} : memref<256xi32, #tpu.memory_space<vmem>>, vector<16xi32>,
        %get3A_193 = vector.shape_cast %get3A_192 : vector<16xi32> to vector<16xi32>
        %sub3A_194 = vector.broadcast %add3A_34 : i32 to vector<16xi32>
        %sub3A_195 = arith.subi %get3A_193, %sub3A_194 : vector<16xi32>
        %ge3A_196 = arith.constant 0 : i32
        %ge3A_197 = vector.broadcast %ge3A_196 : i32 to vector<16xi32>
        %ge3A_198 = arith.cmpi sge, %sub3A_195, %ge3A_197 : vector<16xi32>
        %lt3A_199 = arith.constant 5120 : i32
        %lt3A_200 = vector.broadcast %lt3A_199 : i32 to vector<16xi32>
        %lt3A_201 = arith.cmpi slt, %sub3A_195, %lt3A_200 : vector<16xi32>
        %and3A_202 = arith.andi %ge3A_198, %lt3A_201 : vector<16xi1>
        %jit3A_203 = arith.constant 5120 : i32
        %broadcast_in_dim3A_204 = vector.broadcast %jit3A_203 : i32 to vector<16xi32>
        %select_n3A_205 = arith.select %and3A_202, %sub3A_195, %broadcast_in_dim3A_204 : vector<16xi1>, vector<16xi32>
        %swap3A_206 = arith.constant 96 : index
        %swap3A_207 = tpu.vector_load %arg12[%swap3A_206] {strides = array<i32>} : memref<256xi32, #tpu.memory_space<vmem>>, vector<16xi32>,
        %swap3A_208 = vector.shape_cast %swap3A_207 : vector<16xi32> to vector<16xi32>
        %swap3A_209 = vector.shape_cast %select_n3A_205 : vector<16xi32> to vector<16xi32>
        tpu.vector_store %arg12[%swap3A_206], %swap3A_209 {strides = array<i32>} : memref<256xi32, #tpu.memory_space<vmem>>, vector<16xi32>,
        %get3A_210 = arith.constant 112 : index
        %get3A_211 = tpu.vector_load %arg9[%get3A_210] {strides = array<i32>} : memref<256xi32, #tpu.memory_space<vmem>>, vector<16xi32>,
        %get3A_212 = vector.shape_cast %get3A_211 : vector<16xi32> to vector<16xi32>
        %sub3A_213 = vector.broadcast %add3A_34 : i32 to vector<16xi32>
        %sub3A_214 = arith.subi %get3A_212, %sub3A_213 : vector<16xi32>
        %ge3A_215 = arith.constant 0 : i32
        %ge3A_216 = vector.broadcast %ge3A_215 : i32 to vector<16xi32>
        %ge3A_217 = arith.cmpi sge, %sub3A_214, %ge3A_216 : vector<16xi32>
        %lt3A_218 = arith.constant 5120 : i32
        %lt3A_219 = vector.broadcast %lt3A_218 : i32 to vector<16xi32>
        %lt3A_220 = arith.cmpi slt, %sub3A_214, %lt3A_219 : vector<16xi32>
        %and3A_221 = arith.andi %ge3A_217, %lt3A_220 : vector<16xi1>
        %jit3A_222 = arith.constant 5120 : i32
        %broadcast_in_dim3A_223 = vector.broadcast %jit3A_222 : i32 to vector<16xi32>
        %select_n3A_224 = arith.select %and3A_221, %sub3A_214, %broadcast_in_dim3A_223 : vector<16xi1>, vector<16xi32>
        %swap3A_225 = arith.constant 112 : index
        %swap3A_226 = tpu.vector_load %arg12[%swap3A_225] {strides = array<i32>} : memref<256xi32, #tpu.memory_space<vmem>>, vector<16xi32>,
        %swap3A_227 = vector.shape_cast %swap3A_226 : vector<16xi32> to vector<16xi32>
        %swap3A_228 = vector.shape_cast %select_n3A_224 : vector<16xi32> to vector<16xi32>
        tpu.vector_store %arg12[%swap3A_225], %swap3A_228 {strides = array<i32>} : memref<256xi32, #tpu.memory_space<vmem>>, vector<16xi32>,
        %get3A_229 = arith.constant 128 : index
        %get3A_230 = tpu.vector_load %arg9[%get3A_229] {strides = array<i32>} : memref<256xi32, #tpu.memory_space<vmem>>, vector<16xi32>,
        %get3A_231 = vector.shape_cast %get3A_230 : vector<16xi32> to vector<16xi32>
        %sub3A_232 = vector.broadcast %add3A_34 : i32 to vector<16xi32>
        %sub3A_233 = arith.subi %get3A_231, %sub3A_232 : vector<16xi32>
        %ge3A_234 = arith.constant 0 : i32
        %ge3A_235 = vector.broadcast %ge3A_234 : i32 to vector<16xi32>
        %ge3A_236 = arith.cmpi sge, %sub3A_233, %ge3A_235 : vector<16xi32>
        %lt3A_237 = arith.constant 5120 : i32
        %lt3A_238 = vector.broadcast %lt3A_237 : i32 to vector<16xi32>
        %lt3A_239 = arith.cmpi slt, %sub3A_233, %lt3A_238 : vector<16xi32>
        %and3A_240 = arith.andi %ge3A_236, %lt3A_239 : vector<16xi1>
        %jit3A_241 = arith.constant 5120 : i32
        %broadcast_in_dim3A_242 = vector.broadcast %jit3A_241 : i32 to vector<16xi32>
        %select_n3A_243 = arith.select %and3A_240, %sub3A_233, %broadcast_in_dim3A_242 : vector<16xi1>, vector<16xi32>
        %swap3A_244 = arith.constant 128 : index
        %swap3A_245 = tpu.vector_load %arg12[%swap3A_244] {strides = array<i32>} : memref<256xi32, #tpu.memory_space<vmem>>, vector<16xi32>,
        %swap3A_246 = vector.shape_cast %swap3A_245 : vector<16xi32> to vector<16xi32>
        %swap3A_247 = vector.shape_cast %select_n3A_243 : vector<16xi32> to vector<16xi32>
        tpu.vector_store %arg12[%swap3A_244], %swap3A_247 {strides = array<i32>} : memref<256xi32, #tpu.memory_space<vmem>>, vector<16xi32>,
        %get3A_248 = arith.constant 144 : index
        %get3A_249 = tpu.vector_load %arg9[%get3A_248] {strides = array<i32>} : memref<256xi32, #tpu.memory_space<vmem>>, vector<16xi32>,
        %get3A_250 = vector.shape_cast %get3A_249 : vector<16xi32> to vector<16xi32>
        %sub3A_251 = vector.broadcast %add3A_34 : i32 to vector<16xi32>
        %sub3A_252 = arith.subi %get3A_250, %sub3A_251 : vector<16xi32>
        %ge3A_253 = arith.constant 0 : i32
        %ge3A_254 = vector.broadcast %ge3A_253 : i32 to vector<16xi32>
        %ge3A_255 = arith.cmpi sge, %sub3A_252, %ge3A_254 : vector<16xi32>
        %lt3A_256 = arith.constant 5120 : i32
        %lt3A_257 = vector.broadcast %lt3A_256 : i32 to vector<16xi32>
        %lt3A_258 = arith.cmpi slt, %sub3A_252, %lt3A_257 : vector<16xi32>
        %and3A_259 = arith.andi %ge3A_255, %lt3A_258 : vector<16xi1>
        %jit3A_260 = arith.constant 5120 : i32
        %broadcast_in_dim3A_261 = vector.broadcast %jit3A_260 : i32 to vector<16xi32>
        %select_n3A_262 = arith.select %and3A_259, %sub3A_252, %broadcast_in_dim3A_261 : vector<16xi1>, vector<16xi32>
        %swap3A_263 = arith.constant 144 : index
        %swap3A_264 = tpu.vector_load %arg12[%swap3A_263] {strides = array<i32>} : memref<256xi32, #tpu.memory_space<vmem>>, vector<16xi32>,
        %swap3A_265 = vector.shape_cast %swap3A_264 : vector<16xi32> to vector<16xi32>
        %swap3A_266 = vector.shape_cast %select_n3A_262 : vector<16xi32> to vector<16xi32>
        tpu.vector_store %arg12[%swap3A_263], %swap3A_266 {strides = array<i32>} : memref<256xi32, #tpu.memory_space<vmem>>, vector<16xi32>,
        %get3A_267 = arith.constant 160 : index
        %get3A_268 = tpu.vector_load %arg9[%get3A_267] {strides = array<i32>} : memref<256xi32, #tpu.memory_space<vmem>>, vector<16xi32>,
        %get3A_269 = vector.shape_cast %get3A_268 : vector<16xi32> to vector<16xi32>
        %sub3A_270 = vector.broadcast %add3A_34 : i32 to vector<16xi32>
        %sub3A_271 = arith.subi %get3A_269, %sub3A_270 : vector<16xi32>
        %ge3A_272 = arith.constant 0 : i32
        %ge3A_273 = vector.broadcast %ge3A_272 : i32 to vector<16xi32>
        %ge3A_274 = arith.cmpi sge, %sub3A_271, %ge3A_273 : vector<16xi32>
        %lt3A_275 = arith.constant 5120 : i32
        %lt3A_276 = vector.broadcast %lt3A_275 : i32 to vector<16xi32>
        %lt3A_277 = arith.cmpi slt, %sub3A_271, %lt3A_276 : vector<16xi32>
        %and3A_278 = arith.andi %ge3A_274, %lt3A_277 : vector<16xi1>
        %jit3A_279 = arith.constant 5120 : i32
        %broadcast_in_dim3A_280 = vector.broadcast %jit3A_279 : i32 to vector<16xi32>
        %select_n3A_281 = arith.select %and3A_278, %sub3A_271, %broadcast_in_dim3A_280 : vector<16xi1>, vector<16xi32>
        %swap3A_282 = arith.constant 160 : index
        %swap3A_283 = tpu.vector_load %arg12[%swap3A_282] {strides = array<i32>} : memref<256xi32, #tpu.memory_space<vmem>>, vector<16xi32>,
        %swap3A_284 = vector.shape_cast %swap3A_283 : vector<16xi32> to vector<16xi32>
        %swap3A_285 = vector.shape_cast %select_n3A_281 : vector<16xi32> to vector<16xi32>
        tpu.vector_store %arg12[%swap3A_282], %swap3A_285 {strides = array<i32>} : memref<256xi32, #tpu.memory_space<vmem>>, vector<16xi32>,
        %get3A_286 = arith.constant 176 : index
        %get3A_287 = tpu.vector_load %arg9[%get3A_286] {strides = array<i32>} : memref<256xi32, #tpu.memory_space<vmem>>, vector<16xi32>,
        %get3A_288 = vector.shape_cast %get3A_287 : vector<16xi32> to vector<16xi32>
        %sub3A_289 = vector.broadcast %add3A_34 : i32 to vector<16xi32>
        %sub3A_290 = arith.subi %get3A_288, %sub3A_289 : vector<16xi32>
        %ge3A_291 = arith.constant 0 : i32
        %ge3A_292 = vector.broadcast %ge3A_291 : i32 to vector<16xi32>
        %ge3A_293 = arith.cmpi sge, %sub3A_290, %ge3A_292 : vector<16xi32>
        %lt3A_294 = arith.constant 5120 : i32
        %lt3A_295 = vector.broadcast %lt3A_294 : i32 to vector<16xi32>
        %lt3A_296 = arith.cmpi slt, %sub3A_290, %lt3A_295 : vector<16xi32>
        %and3A_297 = arith.andi %ge3A_293, %lt3A_296 : vector<16xi1>
        %jit3A_298 = arith.constant 5120 : i32
        %broadcast_in_dim3A_299 = vector.broadcast %jit3A_298 : i32 to vector<16xi32>
        %select_n3A_300 = arith.select %and3A_297, %sub3A_290, %broadcast_in_dim3A_299 : vector<16xi1>, vector<16xi32>
        %swap3A_301 = arith.constant 176 : index
        %swap3A_302 = tpu.vector_load %arg12[%swap3A_301] {strides = array<i32>} : memref<256xi32, #tpu.memory_space<vmem>>, vector<16xi32>,
        %swap3A_303 = vector.shape_cast %swap3A_302 : vector<16xi32> to vector<16xi32>
        %swap3A_304 = vector.shape_cast %select_n3A_300 : vector<16xi32> to vector<16xi32>
        tpu.vector_store %arg12[%swap3A_301], %swap3A_304 {strides = array<i32>} : memref<256xi32, #tpu.memory_space<vmem>>, vector<16xi32>,
        %get3A_305 = arith.constant 192 : index
        %get3A_306 = tpu.vector_load %arg9[%get3A_305] {strides = array<i32>} : memref<256xi32, #tpu.memory_space<vmem>>, vector<16xi32>,
        %get3A_307 = vector.shape_cast %get3A_306 : vector<16xi32> to vector<16xi32>
        %sub3A_308 = vector.broadcast %add3A_34 : i32 to vector<16xi32>
        %sub3A_309 = arith.subi %get3A_307, %sub3A_308 : vector<16xi32>
        %ge3A_310 = arith.constant 0 : i32
        %ge3A_311 = vector.broadcast %ge3A_310 : i32 to vector<16xi32>
        %ge3A_312 = arith.cmpi sge, %sub3A_309, %ge3A_311 : vector<16xi32>
        %lt3A_313 = arith.constant 5120 : i32
        %lt3A_314 = vector.broadcast %lt3A_313 : i32 to vector<16xi32>
        %lt3A_315 = arith.cmpi slt, %sub3A_309, %lt3A_314 : vector<16xi32>
        %and3A_316 = arith.andi %ge3A_312, %lt3A_315 : vector<16xi1>
        %jit3A_317 = arith.constant 5120 : i32
        %broadcast_in_dim3A_318 = vector.broadcast %jit3A_317 : i32 to vector<16xi32>
        %select_n3A_319 = arith.select %and3A_316, %sub3A_309, %broadcast_in_dim3A_318 : vector<16xi1>, vector<16xi32>
        %swap3A_320 = arith.constant 192 : index
        %swap3A_321 = tpu.vector_load %arg12[%swap3A_320] {strides = array<i32>} : memref<256xi32, #tpu.memory_space<vmem>>, vector<16xi32>,
        %swap3A_322 = vector.shape_cast %swap3A_321 : vector<16xi32> to vector<16xi32>
        %swap3A_323 = vector.shape_cast %select_n3A_319 : vector<16xi32> to vector<16xi32>
        tpu.vector_store %arg12[%swap3A_320], %swap3A_323 {strides = array<i32>} : memref<256xi32, #tpu.memory_space<vmem>>, vector<16xi32>,
        %get3A_324 = arith.constant 208 : index
        %get3A_325 = tpu.vector_load %arg9[%get3A_324] {strides = array<i32>} : memref<256xi32, #tpu.memory_space<vmem>>, vector<16xi32>,
        %get3A_326 = vector.shape_cast %get3A_325 : vector<16xi32> to vector<16xi32>
        %sub3A_327 = vector.broadcast %add3A_34 : i32 to vector<16xi32>
        %sub3A_328 = arith.subi %get3A_326, %sub3A_327 : vector<16xi32>
        %ge3A_329 = arith.constant 0 : i32
        %ge3A_330 = vector.broadcast %ge3A_329 : i32 to vector<16xi32>
        %ge3A_331 = arith.cmpi sge, %sub3A_328, %ge3A_330 : vector<16xi32>
        %lt3A_332 = arith.constant 5120 : i32
        %lt3A_333 = vector.broadcast %lt3A_332 : i32 to vector<16xi32>
        %lt3A_334 = arith.cmpi slt, %sub3A_328, %lt3A_333 : vector<16xi32>
        %and3A_335 = arith.andi %ge3A_331, %lt3A_334 : vector<16xi1>
        %jit3A_336 = arith.constant 5120 : i32
        %broadcast_in_dim3A_337 = vector.broadcast %jit3A_336 : i32 to vector<16xi32>
        %select_n3A_338 = arith.select %and3A_335, %sub3A_328, %broadcast_in_dim3A_337 : vector<16xi1>, vector<16xi32>
        %swap3A_339 = arith.constant 208 : index
        %swap3A_340 = tpu.vector_load %arg12[%swap3A_339] {strides = array<i32>} : memref<256xi32, #tpu.memory_space<vmem>>, vector<16xi32>,
        %swap3A_341 = vector.shape_cast %swap3A_340 : vector<16xi32> to vector<16xi32>
        %swap3A_342 = vector.shape_cast %select_n3A_338 : vector<16xi32> to vector<16xi32>
        tpu.vector_store %arg12[%swap3A_339], %swap3A_342 {strides = array<i32>} : memref<256xi32, #tpu.memory_space<vmem>>, vector<16xi32>,
        %get3A_343 = arith.constant 224 : index
        %get3A_344 = tpu.vector_load %arg9[%get3A_343] {strides = array<i32>} : memref<256xi32, #tpu.memory_space<vmem>>, vector<16xi32>,
        %get3A_345 = vector.shape_cast %get3A_344 : vector<16xi32> to vector<16xi32>
        %sub3A_346 = vector.broadcast %add3A_34 : i32 to vector<16xi32>
        %sub3A_347 = arith.subi %get3A_345, %sub3A_346 : vector<16xi32>
        %ge3A_348 = arith.constant 0 : i32
        %ge3A_349 = vector.broadcast %ge3A_348 : i32 to vector<16xi32>
        %ge3A_350 = arith.cmpi sge, %sub3A_347, %ge3A_349 : vector<16xi32>
        %lt3A_351 = arith.constant 5120 : i32
        %lt3A_352 = vector.broadcast %lt3A_351 : i32 to vector<16xi32>
        %lt3A_353 = arith.cmpi slt, %sub3A_347, %lt3A_352 : vector<16xi32>
        %and3A_354 = arith.andi %ge3A_350, %lt3A_353 : vector<16xi1>
        %jit3A_355 = arith.constant 5120 : i32
        %broadcast_in_dim3A_356 = vector.broadcast %jit3A_355 : i32 to vector<16xi32>
        %select_n3A_357 = arith.select %and3A_354, %sub3A_347, %broadcast_in_dim3A_356 : vector<16xi1>, vector<16xi32>
        %swap3A_358 = arith.constant 224 : index
        %swap3A_359 = tpu.vector_load %arg12[%swap3A_358] {strides = array<i32>} : memref<256xi32, #tpu.memory_space<vmem>>, vector<16xi32>,
        %swap3A_360 = vector.shape_cast %swap3A_359 : vector<16xi32> to vector<16xi32>
        %swap3A_361 = vector.shape_cast %select_n3A_357 : vector<16xi32> to vector<16xi32>
        tpu.vector_store %arg12[%swap3A_358], %swap3A_361 {strides = array<i32>} : memref<256xi32, #tpu.memory_space<vmem>>, vector<16xi32>,
        %get3A_362 = arith.constant 240 : index
        %get3A_363 = tpu.vector_load %arg9[%get3A_362] {strides = array<i32>} : memref<256xi32, #tpu.memory_space<vmem>>, vector<16xi32>,
        %get3A_364 = vector.shape_cast %get3A_363 : vector<16xi32> to vector<16xi32>
        %sub3A_365 = vector.broadcast %add3A_34 : i32 to vector<16xi32>
        %sub3A_366 = arith.subi %get3A_364, %sub3A_365 : vector<16xi32>
        %ge3A_367 = arith.constant 0 : i32
        %ge3A_368 = vector.broadcast %ge3A_367 : i32 to vector<16xi32>
        %ge3A_369 = arith.cmpi sge, %sub3A_366, %ge3A_368 : vector<16xi32>
        %lt3A_370 = arith.constant 5120 : i32
        %lt3A_371 = vector.broadcast %lt3A_370 : i32 to vector<16xi32>
        %lt3A_372 = arith.cmpi slt, %sub3A_366, %lt3A_371 : vector<16xi32>
        %and3A_373 = arith.andi %ge3A_369, %lt3A_372 : vector<16xi1>
        %jit3A_374 = arith.constant 5120 : i32
        %broadcast_in_dim3A_375 = vector.broadcast %jit3A_374 : i32 to vector<16xi32>
        %select_n3A_376 = arith.select %and3A_373, %sub3A_366, %broadcast_in_dim3A_375 : vector<16xi1>, vector<16xi32>
        %swap3A_377 = arith.constant 240 : index
        %swap3A_378 = tpu.vector_load %arg12[%swap3A_377] {strides = array<i32>} : memref<256xi32, #tpu.memory_space<vmem>>, vector<16xi32>,
        %swap3A_379 = vector.shape_cast %swap3A_378 : vector<16xi32> to vector<16xi32>
        %swap3A_380 = vector.shape_cast %select_n3A_376 : vector<16xi32> to vector<16xi32>
        tpu.vector_store %arg12[%swap3A_377], %swap3A_380 {strides = array<i32>} : memref<256xi32, #tpu.memory_space<vmem>>, vector<16xi32>,
        "tpu.region"() ({
          %run_scoped3A = tpu.sem_alloc : memref<!tpu.dma_semaphore, #tpu.memory_space<semaphore_mem>>
          %dma_start3A_381 = arith.constant 0 : i32
          %dma_start3A_382 = arith.constant 0 : i32
          %dma_start3A_383 = tpu.memref_slice %arg16[%dma_start3A_381, %dma_start3A_382] : memref<5136x128xf32, #tpu.memory_space<vmem_shared>> -> memref<5136x128xf32, #tpu.memory_space<vmem_shared>>
          tpu.enqueue_indirect_dma source(%arg13 : memref<256x128xf32, #tpu.memory_space<vmem>>) target(%dma_start3A_383 : memref<5136x128xf32, #tpu.memory_space<vmem_shared>>) offsets(%arg12 : memref<256xi32, #tpu.memory_space<vmem>>) semaphore(%run_scoped3A : memref<!tpu.dma_semaphore, #tpu.memory_space<semaphore_mem>>) {add = true}
          %dma_wait3A_384 = arith.constant 0 : i32
          %dma_wait3A_385 = arith.constant 0 : i32
          %dma_wait3A_386 = tpu.memref_slice %arg16[%dma_wait3A_384, %dma_wait3A_385] : memref<5136x128xf32, #tpu.memory_space<vmem_shared>> -> memref<5136x128xf32, #tpu.memory_space<vmem_shared>>
          tpu.wait_indirect_dma semaphore(%run_scoped3A : memref<!tpu.dma_semaphore, #tpu.memory_space<semaphore_mem>>) src(%arg13 : memref<256x128xf32, #tpu.memory_space<vmem>>) dst(%dma_wait3A_386 : memref<5136x128xf32, #tpu.memory_space<vmem_shared>>)
          tpu.yield
        }) : () -> ()
      }
      %scan3A_39 = arith.constant 147 : i32
      %barrier3A_40 = arith.constant 0 : index
      tpu.barrier barrier_id(%barrier3A_40)
      %mul3A_41 = arith.constant 10240 : i32
      %mul3A_42 = arith.muli %add3A_29, %mul3A_41 : i32
      %mul3A_43 = arith.constant 5120 : i32
      %mul3A_44 = arith.muli %arg0, %mul3A_43 : i32
      %add3A_45 = arith.addi %mul3A_42, %mul3A_44 : i32
      %mul3A_46 = arith.constant 320 : i32
      %mul3A_47 = arith.muli %arg1, %mul3A_46 : i32
      %add3A_48 = arith.addi %add3A_45, %mul3A_47 : i32
      %mul3A_49 = arith.constant 320 : i32
      %mul3A_50 = arith.muli %arg1, %mul3A_49 : i32
      "tpu.region"() ({
        %run_scoped3A = tpu.sem_alloc : memref<!tpu.dma_semaphore, #tpu.memory_space<semaphore_mem>>
        %dma_start3A = arith.constant 0 : i32
        %dma_start3A_61 = tpu.memref_slice %arg7[%add3A_48, %dma_start3A] : memref<102400x128xf32, #tpu.memory_space<hbm>> -> memref<320x128xf32, #tpu.memory_space<hbm>>
        %dma_start3A_62 = arith.constant 0 : i32
        %dma_start3A_63 = tpu.memref_slice %arg16[%mul3A_50, %dma_start3A_62] : memref<5136x128xf32, #tpu.memory_space<vmem_shared>> -> memref<320x128xf32, #tpu.memory_space<vmem_shared>>
        tpu.enqueue_dma source(%dma_start3A_63 : memref<320x128xf32, #tpu.memory_space<vmem_shared>>) target(%dma_start3A_61 : memref<320x128xf32, #tpu.memory_space<hbm>>) target_semaphore(%run_scoped3A : memref<!tpu.dma_semaphore, #tpu.memory_space<semaphore_mem>>)
        %dma_wait3A = arith.constant 0 : i32
        %dma_wait3A_64 = tpu.memref_slice %arg7[%add3A_48, %dma_wait3A] : memref<102400x128xf32, #tpu.memory_space<hbm>> -> memref<320x128xf32, #tpu.memory_space<hbm>>
        %dma_wait3A_65 = arith.constant 0 : i32
        %dma_wait3A_66 = tpu.memref_slice %arg16[%mul3A_50, %dma_wait3A_65] : memref<5136x128xf32, #tpu.memory_space<vmem_shared>> -> memref<320x128xf32, #tpu.memory_space<vmem_shared>>
        tpu.wait_dma2 semaphore(%run_scoped3A : memref<!tpu.dma_semaphore, #tpu.memory_space<semaphore_mem>>) src(%dma_wait3A_66 : memref<320x128xf32, #tpu.memory_space<vmem_shared>>) dst(%dma_wait3A_64 : memref<320x128xf32, #tpu.memory_space<hbm>>)
        tpu.yield
      }) : () -> ()
      %barrier3A_51 = arith.constant 0 : index
      tpu.barrier barrier_id(%barrier3A_51)
      %mul3A_52 = arith.constant 320 : i32
      %mul3A_53 = arith.muli %arg1, %mul3A_52 : i32
      %add3A_54 = arith.constant 0 : i32
      %add3A_55 = arith.addi %mul3A_53, %add3A_54 : i32
      "tpu.region"() ({
        %run_scoped3A = tpu.sem_alloc : memref<!tpu.dma_semaphore, #tpu.memory_space<semaphore_mem>>
        %dma_start3A = arith.constant 0 : i32
        %dma_start3A_61 = tpu.memref_slice %arg16[%add3A_55, %dma_start3A] : memref<5136x128xf32, #tpu.memory_space<vmem_shared>> -> memref<160x128xf32, #tpu.memory_space<vmem_shared>>
        %dma_start3A_62 = arith.constant 0 : i32
        %dma_start3A_63 = tpu.memref_slice %arg16[%add3A_55, %dma_start3A_62] : memref<5136x128xf32, #tpu.memory_space<vmem_shared>> -> memref<160x128xf32, #tpu.memory_space<vmem_shared>>
        tpu.enqueue_dma source(%arg15 : memref<160x128xf32, #tpu.memory_space<vmem>>) target(%dma_start3A_63 : memref<160x128xf32, #tpu.memory_space<vmem_shared>>) target_semaphore(%run_scoped3A : memref<!tpu.dma_semaphore, #tpu.memory_space<semaphore_mem>>)
        %dma_wait3A = arith.constant 0 : i32
        %dma_wait3A_64 = tpu.memref_slice %arg16[%add3A_55, %dma_wait3A] : memref<5136x128xf32, #tpu.memory_space<vmem_shared>> -> memref<160x128xf32, #tpu.memory_space<vmem_shared>>
        %dma_wait3A_65 = arith.constant 0 : i32
        %dma_wait3A_66 = tpu.memref_slice %arg16[%add3A_55, %dma_wait3A_65] : memref<5136x128xf32, #tpu.memory_space<vmem_shared>> -> memref<160x128xf32, #tpu.memory_space<vmem_shared>>
        tpu.wait_dma2 semaphore(%run_scoped3A : memref<!tpu.dma_semaphore, #tpu.memory_space<semaphore_mem>>) src(%arg15 : memref<160x128xf32, #tpu.memory_space<vmem>>) dst(%dma_wait3A_66 : memref<160x128xf32, #tpu.memory_space<vmem_shared>>)
        tpu.yield
      }) : () -> ()
      %mul3A_56 = arith.constant 320 : i32
      %mul3A_57 = arith.muli %arg1, %mul3A_56 : i32
      %add3A_58 = arith.constant 160 : i32
      %add3A_59 = arith.addi %mul3A_57, %add3A_58 : i32
      "tpu.region"() ({
        %run_scoped3A = tpu.sem_alloc : memref<!tpu.dma_semaphore, #tpu.memory_space<semaphore_mem>>
        %dma_start3A = arith.constant 0 : i32
        %dma_start3A_61 = tpu.memref_slice %arg16[%add3A_59, %dma_start3A] : memref<5136x128xf32, #tpu.memory_space<vmem_shared>> -> memref<160x128xf32, #tpu.memory_space<vmem_shared>>
        %dma_start3A_62 = arith.constant 0 : i32
        %dma_start3A_63 = tpu.memref_slice %arg16[%add3A_59, %dma_start3A_62] : memref<5136x128xf32, #tpu.memory_space<vmem_shared>> -> memref<160x128xf32, #tpu.memory_space<vmem_shared>>
        tpu.enqueue_dma source(%arg15 : memref<160x128xf32, #tpu.memory_space<vmem>>) target(%dma_start3A_63 : memref<160x128xf32, #tpu.memory_space<vmem_shared>>) target_semaphore(%run_scoped3A : memref<!tpu.dma_semaphore, #tpu.memory_space<semaphore_mem>>)
        %dma_wait3A = arith.constant 0 : i32
        %dma_wait3A_64 = tpu.memref_slice %arg16[%add3A_59, %dma_wait3A] : memref<5136x128xf32, #tpu.memory_space<vmem_shared>> -> memref<160x128xf32, #tpu.memory_space<vmem_shared>>
        %dma_wait3A_65 = arith.constant 0 : i32
        %dma_wait3A_66 = tpu.memref_slice %arg16[%add3A_59, %dma_wait3A_65] : memref<5136x128xf32, #tpu.memory_space<vmem_shared>> -> memref<160x128xf32, #tpu.memory_space<vmem_shared>>
        tpu.wait_dma2 semaphore(%run_scoped3A : memref<!tpu.dma_semaphore, #tpu.memory_space<semaphore_mem>>) src(%arg15 : memref<160x128xf32, #tpu.memory_space<vmem>>) dst(%dma_wait3A_66 : memref<160x128xf32, #tpu.memory_space<vmem_shared>>)
        tpu.yield
      }) : () -> ()
      %barrier3A_60 = arith.constant 0 : index
      tpu.barrier barrier_id(%barrier3A_60)
    }
    %scan3A_14 = arith.constant 10 : i32
    %scan3A_15 = arith.constant 0 : i32
    %scan3A_16 = arith.constant 256 : i32
    %scan3A_17 = arith.addi %scan3A_15, %scan3A_16 : i32
    %scan3A_18 = arith.constant 1 : i32
    scf.for %scan3A_25 = %scan3A_15 to %scan3A_17 step %scan3A_18  : i32 {
      %mul3A_26 = arith.constant 1 : i32
      %mul3A_27 = arith.muli %scan3A_25, %mul3A_26 : i32
      %add3A_28 = arith.constant 0 : i32
      %add3A_29 = arith.addi %add3A_28, %mul3A_27 : i32
      %broadcast_in_dim3A = arith.constant 1.000000e+00 : f32
      %broadcast_in_dim3A_30 = vector.broadcast %broadcast_in_dim3A : f32 to vector<16xf32>
      %swap3A = arith.index_cast %add3A_29 : i32 to index
      %swap3A_31 = arith.constant 0 : index
      %swap3A_32 = tpu.vector_load %arg13[%swap3A, %swap3A_31] {strides = array<i32>} : memref<256x128xf32, #tpu.memory_space<vmem>>, vector<1x16xf32>,
      %swap3A_33 = vector.shape_cast %swap3A_32 : vector<1x16xf32> to vector<16xf32>
      %swap3A_34 = vector.shape_cast %broadcast_in_dim3A_30 : vector<16xf32> to vector<1x16xf32>
      tpu.vector_store %arg13[%swap3A, %swap3A_31], %swap3A_34 {strides = array<i32>} : memref<256x128xf32, #tpu.memory_space<vmem>>, vector<1x16xf32>,
      %broadcast_in_dim3A_35 = arith.constant 1.000000e+00 : f32
      %broadcast_in_dim3A_36 = vector.broadcast %broadcast_in_dim3A_35 : f32 to vector<16xf32>
      %swap3A_37 = arith.index_cast %add3A_29 : i32 to index
      %swap3A_38 = arith.constant 16 : index
      %swap3A_39 = tpu.vector_load %arg13[%swap3A_37, %swap3A_38] {strides = array<i32>} : memref<256x128xf32, #tpu.memory_space<vmem>>, vector<1x16xf32>,
      %swap3A_40 = vector.shape_cast %swap3A_39 : vector<1x16xf32> to vector<16xf32>
      %swap3A_41 = vector.shape_cast %broadcast_in_dim3A_36 : vector<16xf32> to vector<1x16xf32>
      tpu.vector_store %arg13[%swap3A_37, %swap3A_38], %swap3A_41 {strides = array<i32>} : memref<256x128xf32, #tpu.memory_space<vmem>>, vector<1x16xf32>,
      %broadcast_in_dim3A_42 = arith.constant 1.000000e+00 : f32
      %broadcast_in_dim3A_43 = vector.broadcast %broadcast_in_dim3A_42 : f32 to vector<16xf32>
      %swap3A_44 = arith.index_cast %add3A_29 : i32 to index
      %swap3A_45 = arith.constant 32 : index
      %swap3A_46 = tpu.vector_load %arg13[%swap3A_44, %swap3A_45] {strides = array<i32>} : memref<256x128xf32, #tpu.memory_space<vmem>>, vector<1x16xf32>,
      %swap3A_47 = vector.shape_cast %swap3A_46 : vector<1x16xf32> to vector<16xf32>
      %swap3A_48 = vector.shape_cast %broadcast_in_dim3A_43 : vector<16xf32> to vector<1x16xf32>
      tpu.vector_store %arg13[%swap3A_44, %swap3A_45], %swap3A_48 {strides = array<i32>} : memref<256x128xf32, #tpu.memory_space<vmem>>, vector<1x16xf32>,
      %broadcast_in_dim3A_49 = arith.constant 1.000000e+00 : f32
      %broadcast_in_dim3A_50 = vector.broadcast %broadcast_in_dim3A_49 : f32 to vector<16xf32>
      %swap3A_51 = arith.index_cast %add3A_29 : i32 to index
      %swap3A_52 = arith.constant 48 : index
      %swap3A_53 = tpu.vector_load %arg13[%swap3A_51, %swap3A_52] {strides = array<i32>} : memref<256x128xf32, #tpu.memory_space<vmem>>, vector<1x16xf32>,
      %swap3A_54 = vector.shape_cast %swap3A_53 : vector<1x16xf32> to vector<16xf32>
      %swap3A_55 = vector.shape_cast %broadcast_in_dim3A_50 : vector<16xf32> to vector<1x16xf32>
      tpu.vector_store %arg13[%swap3A_51, %swap3A_52], %swap3A_55 {strides = array<i32>} : memref<256x128xf32, #tpu.memory_space<vmem>>, vector<1x16xf32>,
      %broadcast_in_dim3A_56 = arith.constant 1.000000e+00 : f32
      %broadcast_in_dim3A_57 = vector.broadcast %broadcast_in_dim3A_56 : f32 to vector<16xf32>
      %swap3A_58 = arith.index_cast %add3A_29 : i32 to index
      %swap3A_59 = arith.constant 64 : index
      %swap3A_60 = tpu.vector_load %arg13[%swap3A_58, %swap3A_59] {strides = array<i32>} : memref<256x128xf32, #tpu.memory_space<vmem>>, vector<1x16xf32>,
      %swap3A_61 = vector.shape_cast %swap3A_60 : vector<1x16xf32> to vector<16xf32>
      %swap3A_62 = vector.shape_cast %broadcast_in_dim3A_57 : vector<16xf32> to vector<1x16xf32>
      tpu.vector_store %arg13[%swap3A_58, %swap3A_59], %swap3A_62 {strides = array<i32>} : memref<256x128xf32, #tpu.memory_space<vmem>>, vector<1x16xf32>,
      %broadcast_in_dim3A_63 = arith.constant 1.000000e+00 : f32
      %broadcast_in_dim3A_64 = vector.broadcast %broadcast_in_dim3A_63 : f32 to vector<16xf32>
      %swap3A_65 = arith.index_cast %add3A_29 : i32 to index
      %swap3A_66 = arith.constant 80 : index
      %swap3A_67 = tpu.vector_load %arg13[%swap3A_65, %swap3A_66] {strides = array<i32>} : memref<256x128xf32, #tpu.memory_space<vmem>>, vector<1x16xf32>,
      %swap3A_68 = vector.shape_cast %swap3A_67 : vector<1x16xf32> to vector<16xf32>
      %swap3A_69 = vector.shape_cast %broadcast_in_dim3A_64 : vector<16xf32> to vector<1x16xf32>
      tpu.vector_store %arg13[%swap3A_65, %swap3A_66], %swap3A_69 {strides = array<i32>} : memref<256x128xf32, #tpu.memory_space<vmem>>, vector<1x16xf32>,
      %broadcast_in_dim3A_70 = arith.constant 1.000000e+00 : f32
      %broadcast_in_dim3A_71 = vector.broadcast %broadcast_in_dim3A_70 : f32 to vector<16xf32>
      %swap3A_72 = arith.index_cast %add3A_29 : i32 to index
      %swap3A_73 = arith.constant 96 : index
      %swap3A_74 = tpu.vector_load %arg13[%swap3A_72, %swap3A_73] {strides = array<i32>} : memref<256x128xf32, #tpu.memory_space<vmem>>, vector<1x16xf32>,
      %swap3A_75 = vector.shape_cast %swap3A_74 : vector<1x16xf32> to vector<16xf32>
      %swap3A_76 = vector.shape_cast %broadcast_in_dim3A_71 : vector<16xf32> to vector<1x16xf32>
      tpu.vector_store %arg13[%swap3A_72, %swap3A_73], %swap3A_76 {strides = array<i32>} : memref<256x128xf32, #tpu.memory_space<vmem>>, vector<1x16xf32>,
      %broadcast_in_dim3A_77 = arith.constant 1.000000e+00 : f32
      %broadcast_in_dim3A_78 = vector.broadcast %broadcast_in_dim3A_77 : f32 to vector<16xf32>
      %swap3A_79 = arith.index_cast %add3A_29 : i32 to index
      %swap3A_80 = arith.constant 112 : index
      %swap3A_81 = tpu.vector_load %arg13[%swap3A_79, %swap3A_80] {strides = array<i32>} : memref<256x128xf32, #tpu.memory_space<vmem>>, vector<1x16xf32>,
      %swap3A_82 = vector.shape_cast %swap3A_81 : vector<1x16xf32> to vector<16xf32>
      %swap3A_83 = vector.shape_cast %broadcast_in_dim3A_78 : vector<16xf32> to vector<1x16xf32>
      tpu.vector_store %arg13[%swap3A_79, %swap3A_80], %swap3A_83 {strides = array<i32>} : memref<256x128xf32, #tpu.memory_space<vmem>>, vector<1x16xf32>,
    }
    %scan3A_19 = arith.constant 256 : i32
    %scan3A_20 = arith.constant 0 : i32
    %scan3A_21 = arith.constant 10 : i32
    %scan3A_22 = arith.addi %scan3A_20, %scan3A_21 : i32
    %scan3A_23 = arith.constant 1 : i32
    scf.for %scan3A_25 = %scan3A_20 to %scan3A_22 step %scan3A_23  : i32 {
      %mul3A_26 = arith.constant 1 : i32
      %mul3A_27 = arith.muli %scan3A_25, %mul3A_26 : i32
      %add3A_28 = arith.constant 0 : i32
      %add3A_29 = arith.addi %add3A_28, %mul3A_27 : i32
      %mul3A_30 = arith.constant 10240 : i32
      %mul3A_31 = arith.muli %add3A_29, %mul3A_30 : i32
      %mul3A_32 = arith.constant 5120 : i32
      %mul3A_33 = arith.muli %arg0, %mul3A_32 : i32
      %add3A_34 = arith.addi %mul3A_31, %mul3A_33 : i32
      %scan3A_35 = arith.constant 0 : i32
      %scan3A_36 = arith.constant 147 : i32
      %scan3A_37 = arith.addi %scan3A_35, %scan3A_36 : i32
      %scan3A_38 = arith.constant 1 : i32
      scf.for %scan3A_61 = %scan3A_35 to %scan3A_37 step %scan3A_38  : i32 {
        %mul3A_62 = arith.constant 1 : i32
        %mul3A_63 = arith.muli %scan3A_61, %mul3A_62 : i32
        %add3A_64 = arith.constant 0 : i32
        %add3A_65 = arith.addi %add3A_64, %mul3A_63 : i32
        %mul3A_66 = arith.constant 37632 : i32
        %mul3A_67 = arith.muli %arg1, %mul3A_66 : i32
        %mul3A_68 = arith.constant 256 : i32
        %mul3A_69 = arith.muli %add3A_65, %mul3A_68 : i32
        %add3A_70 = arith.addi %mul3A_67, %mul3A_69 : i32
        "tpu.region"() ({
          %run_scoped3A = tpu.sem_alloc : memref<!tpu.dma_semaphore, #tpu.memory_space<semaphore_mem>>
          %dma_start3A = tpu.memref_slice %arg2[%add3A_70] : memref<602112xi32, #tpu.memory_space<hbm>> -> memref<256xi32, #tpu.memory_space<hbm>>
          %dma_start3A_366 = tpu.memref_slice %arg2[%add3A_70] : memref<602112xi32, #tpu.memory_space<hbm>> -> memref<256xi32, #tpu.memory_space<hbm>>
          tpu.enqueue_dma source(%dma_start3A_366 : memref<256xi32, #tpu.memory_space<hbm>>) target(%arg9 : memref<256xi32, #tpu.memory_space<vmem>>) target_semaphore(%run_scoped3A : memref<!tpu.dma_semaphore, #tpu.memory_space<semaphore_mem>>)
          %dma_wait3A = tpu.memref_slice %arg2[%add3A_70] : memref<602112xi32, #tpu.memory_space<hbm>> -> memref<256xi32, #tpu.memory_space<hbm>>
          %dma_wait3A_367 = tpu.memref_slice %arg2[%add3A_70] : memref<602112xi32, #tpu.memory_space<hbm>> -> memref<256xi32, #tpu.memory_space<hbm>>
          tpu.wait_dma2 semaphore(%run_scoped3A : memref<!tpu.dma_semaphore, #tpu.memory_space<semaphore_mem>>) src(%dma_wait3A_367 : memref<256xi32, #tpu.memory_space<hbm>>) dst(%arg9 : memref<256xi32, #tpu.memory_space<vmem>>)
          tpu.yield
        }) : () -> ()
        %get3A = arith.constant 0 : index
        %get3A_71 = tpu.vector_load %arg9[%get3A] {strides = array<i32>} : memref<256xi32, #tpu.memory_space<vmem>>, vector<16xi32>,
        %get3A_72 = vector.shape_cast %get3A_71 : vector<16xi32> to vector<16xi32>
        %sub3A = vector.broadcast %add3A_34 : i32 to vector<16xi32>
        %sub3A_73 = arith.subi %get3A_72, %sub3A : vector<16xi32>
        %ge3A = arith.constant 0 : i32
        %ge3A_74 = vector.broadcast %ge3A : i32 to vector<16xi32>
        %ge3A_75 = arith.cmpi sge, %sub3A_73, %ge3A_74 : vector<16xi32>
        %lt3A = arith.constant 5120 : i32
        %lt3A_76 = vector.broadcast %lt3A : i32 to vector<16xi32>
        %lt3A_77 = arith.cmpi slt, %sub3A_73, %lt3A_76 : vector<16xi32>
        %and3A = arith.andi %ge3A_75, %lt3A_77 : vector<16xi1>
        %jit3A = arith.constant 5120 : i32
        %broadcast_in_dim3A = vector.broadcast %jit3A : i32 to vector<16xi32>
        %select_n3A = arith.select %and3A, %sub3A_73, %broadcast_in_dim3A : vector<16xi1>, vector<16xi32>
        %swap3A = arith.constant 0 : index
        %swap3A_78 = tpu.vector_load %arg12[%swap3A] {strides = array<i32>} : memref<256xi32, #tpu.memory_space<vmem>>, vector<16xi32>,
        %swap3A_79 = vector.shape_cast %swap3A_78 : vector<16xi32> to vector<16xi32>
        %swap3A_80 = vector.shape_cast %select_n3A : vector<16xi32> to vector<16xi32>
        tpu.vector_store %arg12[%swap3A], %swap3A_80 {strides = array<i32>} : memref<256xi32, #tpu.memory_space<vmem>>, vector<16xi32>,
        %get3A_81 = arith.constant 16 : index
        %get3A_82 = tpu.vector_load %arg9[%get3A_81] {strides = array<i32>} : memref<256xi32, #tpu.memory_space<vmem>>, vector<16xi32>,
        %get3A_83 = vector.shape_cast %get3A_82 : vector<16xi32> to vector<16xi32>
        %sub3A_84 = vector.broadcast %add3A_34 : i32 to vector<16xi32>
        %sub3A_85 = arith.subi %get3A_83, %sub3A_84 : vector<16xi32>
        %ge3A_86 = arith.constant 0 : i32
        %ge3A_87 = vector.broadcast %ge3A_86 : i32 to vector<16xi32>
        %ge3A_88 = arith.cmpi sge, %sub3A_85, %ge3A_87 : vector<16xi32>
        %lt3A_89 = arith.constant 5120 : i32
        %lt3A_90 = vector.broadcast %lt3A_89 : i32 to vector<16xi32>
        %lt3A_91 = arith.cmpi slt, %sub3A_85, %lt3A_90 : vector<16xi32>
        %and3A_92 = arith.andi %ge3A_88, %lt3A_91 : vector<16xi1>
        %jit3A_93 = arith.constant 5120 : i32
        %broadcast_in_dim3A_94 = vector.broadcast %jit3A_93 : i32 to vector<16xi32>
        %select_n3A_95 = arith.select %and3A_92, %sub3A_85, %broadcast_in_dim3A_94 : vector<16xi1>, vector<16xi32>
        %swap3A_96 = arith.constant 16 : index
        %swap3A_97 = tpu.vector_load %arg12[%swap3A_96] {strides = array<i32>} : memref<256xi32, #tpu.memory_space<vmem>>, vector<16xi32>,
        %swap3A_98 = vector.shape_cast %swap3A_97 : vector<16xi32> to vector<16xi32>
        %swap3A_99 = vector.shape_cast %select_n3A_95 : vector<16xi32> to vector<16xi32>
        tpu.vector_store %arg12[%swap3A_96], %swap3A_99 {strides = array<i32>} : memref<256xi32, #tpu.memory_space<vmem>>, vector<16xi32>,
        %get3A_100 = arith.constant 32 : index
        %get3A_101 = tpu.vector_load %arg9[%get3A_100] {strides = array<i32>} : memref<256xi32, #tpu.memory_space<vmem>>, vector<16xi32>,
        %get3A_102 = vector.shape_cast %get3A_101 : vector<16xi32> to vector<16xi32>
        %sub3A_103 = vector.broadcast %add3A_34 : i32 to vector<16xi32>
        %sub3A_104 = arith.subi %get3A_102, %sub3A_103 : vector<16xi32>
        %ge3A_105 = arith.constant 0 : i32
        %ge3A_106 = vector.broadcast %ge3A_105 : i32 to vector<16xi32>
        %ge3A_107 = arith.cmpi sge, %sub3A_104, %ge3A_106 : vector<16xi32>
        %lt3A_108 = arith.constant 5120 : i32
        %lt3A_109 = vector.broadcast %lt3A_108 : i32 to vector<16xi32>
        %lt3A_110 = arith.cmpi slt, %sub3A_104, %lt3A_109 : vector<16xi32>
        %and3A_111 = arith.andi %ge3A_107, %lt3A_110 : vector<16xi1>
        %jit3A_112 = arith.constant 5120 : i32
        %broadcast_in_dim3A_113 = vector.broadcast %jit3A_112 : i32 to vector<16xi32>
        %select_n3A_114 = arith.select %and3A_111, %sub3A_104, %broadcast_in_dim3A_113 : vector<16xi1>, vector<16xi32>
        %swap3A_115 = arith.constant 32 : index
        %swap3A_116 = tpu.vector_load %arg12[%swap3A_115] {strides = array<i32>} : memref<256xi32, #tpu.memory_space<vmem>>, vector<16xi32>,
        %swap3A_117 = vector.shape_cast %swap3A_116 : vector<16xi32> to vector<16xi32>
        %swap3A_118 = vector.shape_cast %select_n3A_114 : vector<16xi32> to vector<16xi32>
        tpu.vector_store %arg12[%swap3A_115], %swap3A_118 {strides = array<i32>} : memref<256xi32, #tpu.memory_space<vmem>>, vector<16xi32>,
        %get3A_119 = arith.constant 48 : index
        %get3A_120 = tpu.vector_load %arg9[%get3A_119] {strides = array<i32>} : memref<256xi32, #tpu.memory_space<vmem>>, vector<16xi32>,
        %get3A_121 = vector.shape_cast %get3A_120 : vector<16xi32> to vector<16xi32>
        %sub3A_122 = vector.broadcast %add3A_34 : i32 to vector<16xi32>
        %sub3A_123 = arith.subi %get3A_121, %sub3A_122 : vector<16xi32>
        %ge3A_124 = arith.constant 0 : i32
        %ge3A_125 = vector.broadcast %ge3A_124 : i32 to vector<16xi32>
        %ge3A_126 = arith.cmpi sge, %sub3A_123, %ge3A_125 : vector<16xi32>
        %lt3A_127 = arith.constant 5120 : i32
        %lt3A_128 = vector.broadcast %lt3A_127 : i32 to vector<16xi32>
        %lt3A_129 = arith.cmpi slt, %sub3A_123, %lt3A_128 : vector<16xi32>
        %and3A_130 = arith.andi %ge3A_126, %lt3A_129 : vector<16xi1>
        %jit3A_131 = arith.constant 5120 : i32
        %broadcast_in_dim3A_132 = vector.broadcast %jit3A_131 : i32 to vector<16xi32>
        %select_n3A_133 = arith.select %and3A_130, %sub3A_123, %broadcast_in_dim3A_132 : vector<16xi1>, vector<16xi32>
        %swap3A_134 = arith.constant 48 : index
        %swap3A_135 = tpu.vector_load %arg12[%swap3A_134] {strides = array<i32>} : memref<256xi32, #tpu.memory_space<vmem>>, vector<16xi32>,
        %swap3A_136 = vector.shape_cast %swap3A_135 : vector<16xi32> to vector<16xi32>
        %swap3A_137 = vector.shape_cast %select_n3A_133 : vector<16xi32> to vector<16xi32>
        tpu.vector_store %arg12[%swap3A_134], %swap3A_137 {strides = array<i32>} : memref<256xi32, #tpu.memory_space<vmem>>, vector<16xi32>,
        %get3A_138 = arith.constant 64 : index
        %get3A_139 = tpu.vector_load %arg9[%get3A_138] {strides = array<i32>} : memref<256xi32, #tpu.memory_space<vmem>>, vector<16xi32>,
        %get3A_140 = vector.shape_cast %get3A_139 : vector<16xi32> to vector<16xi32>
        %sub3A_141 = vector.broadcast %add3A_34 : i32 to vector<16xi32>
        %sub3A_142 = arith.subi %get3A_140, %sub3A_141 : vector<16xi32>
        %ge3A_143 = arith.constant 0 : i32
        %ge3A_144 = vector.broadcast %ge3A_143 : i32 to vector<16xi32>
        %ge3A_145 = arith.cmpi sge, %sub3A_142, %ge3A_144 : vector<16xi32>
        %lt3A_146 = arith.constant 5120 : i32
        %lt3A_147 = vector.broadcast %lt3A_146 : i32 to vector<16xi32>
        %lt3A_148 = arith.cmpi slt, %sub3A_142, %lt3A_147 : vector<16xi32>
        %and3A_149 = arith.andi %ge3A_145, %lt3A_148 : vector<16xi1>
        %jit3A_150 = arith.constant 5120 : i32
        %broadcast_in_dim3A_151 = vector.broadcast %jit3A_150 : i32 to vector<16xi32>
        %select_n3A_152 = arith.select %and3A_149, %sub3A_142, %broadcast_in_dim3A_151 : vector<16xi1>, vector<16xi32>
        %swap3A_153 = arith.constant 64 : index
        %swap3A_154 = tpu.vector_load %arg12[%swap3A_153] {strides = array<i32>} : memref<256xi32, #tpu.memory_space<vmem>>, vector<16xi32>,
        %swap3A_155 = vector.shape_cast %swap3A_154 : vector<16xi32> to vector<16xi32>
        %swap3A_156 = vector.shape_cast %select_n3A_152 : vector<16xi32> to vector<16xi32>
        tpu.vector_store %arg12[%swap3A_153], %swap3A_156 {strides = array<i32>} : memref<256xi32, #tpu.memory_space<vmem>>, vector<16xi32>,
        %get3A_157 = arith.constant 80 : index
        %get3A_158 = tpu.vector_load %arg9[%get3A_157] {strides = array<i32>} : memref<256xi32, #tpu.memory_space<vmem>>, vector<16xi32>,
        %get3A_159 = vector.shape_cast %get3A_158 : vector<16xi32> to vector<16xi32>
        %sub3A_160 = vector.broadcast %add3A_34 : i32 to vector<16xi32>
        %sub3A_161 = arith.subi %get3A_159, %sub3A_160 : vector<16xi32>
        %ge3A_162 = arith.constant 0 : i32
        %ge3A_163 = vector.broadcast %ge3A_162 : i32 to vector<16xi32>
        %ge3A_164 = arith.cmpi sge, %sub3A_161, %ge3A_163 : vector<16xi32>
        %lt3A_165 = arith.constant 5120 : i32
        %lt3A_166 = vector.broadcast %lt3A_165 : i32 to vector<16xi32>
        %lt3A_167 = arith.cmpi slt, %sub3A_161, %lt3A_166 : vector<16xi32>
        %and3A_168 = arith.andi %ge3A_164, %lt3A_167 : vector<16xi1>
        %jit3A_169 = arith.constant 5120 : i32
        %broadcast_in_dim3A_170 = vector.broadcast %jit3A_169 : i32 to vector<16xi32>
        %select_n3A_171 = arith.select %and3A_168, %sub3A_161, %broadcast_in_dim3A_170 : vector<16xi1>, vector<16xi32>
        %swap3A_172 = arith.constant 80 : index
        %swap3A_173 = tpu.vector_load %arg12[%swap3A_172] {strides = array<i32>} : memref<256xi32, #tpu.memory_space<vmem>>, vector<16xi32>,
        %swap3A_174 = vector.shape_cast %swap3A_173 : vector<16xi32> to vector<16xi32>
        %swap3A_175 = vector.shape_cast %select_n3A_171 : vector<16xi32> to vector<16xi32>
        tpu.vector_store %arg12[%swap3A_172], %swap3A_175 {strides = array<i32>} : memref<256xi32, #tpu.memory_space<vmem>>, vector<16xi32>,
        %get3A_176 = arith.constant 96 : index
        %get3A_177 = tpu.vector_load %arg9[%get3A_176] {strides = array<i32>} : memref<256xi32, #tpu.memory_space<vmem>>, vector<16xi32>,
        %get3A_178 = vector.shape_cast %get3A_177 : vector<16xi32> to vector<16xi32>
        %sub3A_179 = vector.broadcast %add3A_34 : i32 to vector<16xi32>
        %sub3A_180 = arith.subi %get3A_178, %sub3A_179 : vector<16xi32>
        %ge3A_181 = arith.constant 0 : i32
        %ge3A_182 = vector.broadcast %ge3A_181 : i32 to vector<16xi32>
        %ge3A_183 = arith.cmpi sge, %sub3A_180, %ge3A_182 : vector<16xi32>
        %lt3A_184 = arith.constant 5120 : i32
        %lt3A_185 = vector.broadcast %lt3A_184 : i32 to vector<16xi32>
        %lt3A_186 = arith.cmpi slt, %sub3A_180, %lt3A_185 : vector<16xi32>
        %and3A_187 = arith.andi %ge3A_183, %lt3A_186 : vector<16xi1>
        %jit3A_188 = arith.constant 5120 : i32
        %broadcast_in_dim3A_189 = vector.broadcast %jit3A_188 : i32 to vector<16xi32>
        %select_n3A_190 = arith.select %and3A_187, %sub3A_180, %broadcast_in_dim3A_189 : vector<16xi1>, vector<16xi32>
        %swap3A_191 = arith.constant 96 : index
        %swap3A_192 = tpu.vector_load %arg12[%swap3A_191] {strides = array<i32>} : memref<256xi32, #tpu.memory_space<vmem>>, vector<16xi32>,
        %swap3A_193 = vector.shape_cast %swap3A_192 : vector<16xi32> to vector<16xi32>
        %swap3A_194 = vector.shape_cast %select_n3A_190 : vector<16xi32> to vector<16xi32>
        tpu.vector_store %arg12[%swap3A_191], %swap3A_194 {strides = array<i32>} : memref<256xi32, #tpu.memory_space<vmem>>, vector<16xi32>,
        %get3A_195 = arith.constant 112 : index
        %get3A_196 = tpu.vector_load %arg9[%get3A_195] {strides = array<i32>} : memref<256xi32, #tpu.memory_space<vmem>>, vector<16xi32>,
        %get3A_197 = vector.shape_cast %get3A_196 : vector<16xi32> to vector<16xi32>
        %sub3A_198 = vector.broadcast %add3A_34 : i32 to vector<16xi32>
        %sub3A_199 = arith.subi %get3A_197, %sub3A_198 : vector<16xi32>
        %ge3A_200 = arith.constant 0 : i32
        %ge3A_201 = vector.broadcast %ge3A_200 : i32 to vector<16xi32>
        %ge3A_202 = arith.cmpi sge, %sub3A_199, %ge3A_201 : vector<16xi32>
        %lt3A_203 = arith.constant 5120 : i32
        %lt3A_204 = vector.broadcast %lt3A_203 : i32 to vector<16xi32>
        %lt3A_205 = arith.cmpi slt, %sub3A_199, %lt3A_204 : vector<16xi32>
        %and3A_206 = arith.andi %ge3A_202, %lt3A_205 : vector<16xi1>
        %jit3A_207 = arith.constant 5120 : i32
        %broadcast_in_dim3A_208 = vector.broadcast %jit3A_207 : i32 to vector<16xi32>
        %select_n3A_209 = arith.select %and3A_206, %sub3A_199, %broadcast_in_dim3A_208 : vector<16xi1>, vector<16xi32>
        %swap3A_210 = arith.constant 112 : index
        %swap3A_211 = tpu.vector_load %arg12[%swap3A_210] {strides = array<i32>} : memref<256xi32, #tpu.memory_space<vmem>>, vector<16xi32>,
        %swap3A_212 = vector.shape_cast %swap3A_211 : vector<16xi32> to vector<16xi32>
        %swap3A_213 = vector.shape_cast %select_n3A_209 : vector<16xi32> to vector<16xi32>
        tpu.vector_store %arg12[%swap3A_210], %swap3A_213 {strides = array<i32>} : memref<256xi32, #tpu.memory_space<vmem>>, vector<16xi32>,
        %get3A_214 = arith.constant 128 : index
        %get3A_215 = tpu.vector_load %arg9[%get3A_214] {strides = array<i32>} : memref<256xi32, #tpu.memory_space<vmem>>, vector<16xi32>,
        %get3A_216 = vector.shape_cast %get3A_215 : vector<16xi32> to vector<16xi32>
        %sub3A_217 = vector.broadcast %add3A_34 : i32 to vector<16xi32>
        %sub3A_218 = arith.subi %get3A_216, %sub3A_217 : vector<16xi32>
        %ge3A_219 = arith.constant 0 : i32
        %ge3A_220 = vector.broadcast %ge3A_219 : i32 to vector<16xi32>
        %ge3A_221 = arith.cmpi sge, %sub3A_218, %ge3A_220 : vector<16xi32>
        %lt3A_222 = arith.constant 5120 : i32
        %lt3A_223 = vector.broadcast %lt3A_222 : i32 to vector<16xi32>
        %lt3A_224 = arith.cmpi slt, %sub3A_218, %lt3A_223 : vector<16xi32>
        %and3A_225 = arith.andi %ge3A_221, %lt3A_224 : vector<16xi1>
        %jit3A_226 = arith.constant 5120 : i32
        %broadcast_in_dim3A_227 = vector.broadcast %jit3A_226 : i32 to vector<16xi32>
        %select_n3A_228 = arith.select %and3A_225, %sub3A_218, %broadcast_in_dim3A_227 : vector<16xi1>, vector<16xi32>
        %swap3A_229 = arith.constant 128 : index
        %swap3A_230 = tpu.vector_load %arg12[%swap3A_229] {strides = array<i32>} : memref<256xi32, #tpu.memory_space<vmem>>, vector<16xi32>,
        %swap3A_231 = vector.shape_cast %swap3A_230 : vector<16xi32> to vector<16xi32>
        %swap3A_232 = vector.shape_cast %select_n3A_228 : vector<16xi32> to vector<16xi32>
        tpu.vector_store %arg12[%swap3A_229], %swap3A_232 {strides = array<i32>} : memref<256xi32, #tpu.memory_space<vmem>>, vector<16xi32>,
        %get3A_233 = arith.constant 144 : index
        %get3A_234 = tpu.vector_load %arg9[%get3A_233] {strides = array<i32>} : memref<256xi32, #tpu.memory_space<vmem>>, vector<16xi32>,
        %get3A_235 = vector.shape_cast %get3A_234 : vector<16xi32> to vector<16xi32>
        %sub3A_236 = vector.broadcast %add3A_34 : i32 to vector<16xi32>
        %sub3A_237 = arith.subi %get3A_235, %sub3A_236 : vector<16xi32>
        %ge3A_238 = arith.constant 0 : i32
        %ge3A_239 = vector.broadcast %ge3A_238 : i32 to vector<16xi32>
        %ge3A_240 = arith.cmpi sge, %sub3A_237, %ge3A_239 : vector<16xi32>
        %lt3A_241 = arith.constant 5120 : i32
        %lt3A_242 = vector.broadcast %lt3A_241 : i32 to vector<16xi32>
        %lt3A_243 = arith.cmpi slt, %sub3A_237, %lt3A_242 : vector<16xi32>
        %and3A_244 = arith.andi %ge3A_240, %lt3A_243 : vector<16xi1>
        %jit3A_245 = arith.constant 5120 : i32
        %broadcast_in_dim3A_246 = vector.broadcast %jit3A_245 : i32 to vector<16xi32>
        %select_n3A_247 = arith.select %and3A_244, %sub3A_237, %broadcast_in_dim3A_246 : vector<16xi1>, vector<16xi32>
        %swap3A_248 = arith.constant 144 : index
        %swap3A_249 = tpu.vector_load %arg12[%swap3A_248] {strides = array<i32>} : memref<256xi32, #tpu.memory_space<vmem>>, vector<16xi32>,
        %swap3A_250 = vector.shape_cast %swap3A_249 : vector<16xi32> to vector<16xi32>
        %swap3A_251 = vector.shape_cast %select_n3A_247 : vector<16xi32> to vector<16xi32>
        tpu.vector_store %arg12[%swap3A_248], %swap3A_251 {strides = array<i32>} : memref<256xi32, #tpu.memory_space<vmem>>, vector<16xi32>,
        %get3A_252 = arith.constant 160 : index
        %get3A_253 = tpu.vector_load %arg9[%get3A_252] {strides = array<i32>} : memref<256xi32, #tpu.memory_space<vmem>>, vector<16xi32>,
        %get3A_254 = vector.shape_cast %get3A_253 : vector<16xi32> to vector<16xi32>
        %sub3A_255 = vector.broadcast %add3A_34 : i32 to vector<16xi32>
        %sub3A_256 = arith.subi %get3A_254, %sub3A_255 : vector<16xi32>
        %ge3A_257 = arith.constant 0 : i32
        %ge3A_258 = vector.broadcast %ge3A_257 : i32 to vector<16xi32>
        %ge3A_259 = arith.cmpi sge, %sub3A_256, %ge3A_258 : vector<16xi32>
        %lt3A_260 = arith.constant 5120 : i32
        %lt3A_261 = vector.broadcast %lt3A_260 : i32 to vector<16xi32>
        %lt3A_262 = arith.cmpi slt, %sub3A_256, %lt3A_261 : vector<16xi32>
        %and3A_263 = arith.andi %ge3A_259, %lt3A_262 : vector<16xi1>
        %jit3A_264 = arith.constant 5120 : i32
        %broadcast_in_dim3A_265 = vector.broadcast %jit3A_264 : i32 to vector<16xi32>
        %select_n3A_266 = arith.select %and3A_263, %sub3A_256, %broadcast_in_dim3A_265 : vector<16xi1>, vector<16xi32>
        %swap3A_267 = arith.constant 160 : index
        %swap3A_268 = tpu.vector_load %arg12[%swap3A_267] {strides = array<i32>} : memref<256xi32, #tpu.memory_space<vmem>>, vector<16xi32>,
        %swap3A_269 = vector.shape_cast %swap3A_268 : vector<16xi32> to vector<16xi32>
        %swap3A_270 = vector.shape_cast %select_n3A_266 : vector<16xi32> to vector<16xi32>
        tpu.vector_store %arg12[%swap3A_267], %swap3A_270 {strides = array<i32>} : memref<256xi32, #tpu.memory_space<vmem>>, vector<16xi32>,
        %get3A_271 = arith.constant 176 : index
        %get3A_272 = tpu.vector_load %arg9[%get3A_271] {strides = array<i32>} : memref<256xi32, #tpu.memory_space<vmem>>, vector<16xi32>,
        %get3A_273 = vector.shape_cast %get3A_272 : vector<16xi32> to vector<16xi32>
        %sub3A_274 = vector.broadcast %add3A_34 : i32 to vector<16xi32>
        %sub3A_275 = arith.subi %get3A_273, %sub3A_274 : vector<16xi32>
        %ge3A_276 = arith.constant 0 : i32
        %ge3A_277 = vector.broadcast %ge3A_276 : i32 to vector<16xi32>
        %ge3A_278 = arith.cmpi sge, %sub3A_275, %ge3A_277 : vector<16xi32>
        %lt3A_279 = arith.constant 5120 : i32
        %lt3A_280 = vector.broadcast %lt3A_279 : i32 to vector<16xi32>
        %lt3A_281 = arith.cmpi slt, %sub3A_275, %lt3A_280 : vector<16xi32>
        %and3A_282 = arith.andi %ge3A_278, %lt3A_281 : vector<16xi1>
        %jit3A_283 = arith.constant 5120 : i32
        %broadcast_in_dim3A_284 = vector.broadcast %jit3A_283 : i32 to vector<16xi32>
        %select_n3A_285 = arith.select %and3A_282, %sub3A_275, %broadcast_in_dim3A_284 : vector<16xi1>, vector<16xi32>
        %swap3A_286 = arith.constant 176 : index
        %swap3A_287 = tpu.vector_load %arg12[%swap3A_286] {strides = array<i32>} : memref<256xi32, #tpu.memory_space<vmem>>, vector<16xi32>,
        %swap3A_288 = vector.shape_cast %swap3A_287 : vector<16xi32> to vector<16xi32>
        %swap3A_289 = vector.shape_cast %select_n3A_285 : vector<16xi32> to vector<16xi32>
        tpu.vector_store %arg12[%swap3A_286], %swap3A_289 {strides = array<i32>} : memref<256xi32, #tpu.memory_space<vmem>>, vector<16xi32>,
        %get3A_290 = arith.constant 192 : index
        %get3A_291 = tpu.vector_load %arg9[%get3A_290] {strides = array<i32>} : memref<256xi32, #tpu.memory_space<vmem>>, vector<16xi32>,
        %get3A_292 = vector.shape_cast %get3A_291 : vector<16xi32> to vector<16xi32>
        %sub3A_293 = vector.broadcast %add3A_34 : i32 to vector<16xi32>
        %sub3A_294 = arith.subi %get3A_292, %sub3A_293 : vector<16xi32>
        %ge3A_295 = arith.constant 0 : i32
        %ge3A_296 = vector.broadcast %ge3A_295 : i32 to vector<16xi32>
        %ge3A_297 = arith.cmpi sge, %sub3A_294, %ge3A_296 : vector<16xi32>
        %lt3A_298 = arith.constant 5120 : i32
        %lt3A_299 = vector.broadcast %lt3A_298 : i32 to vector<16xi32>
        %lt3A_300 = arith.cmpi slt, %sub3A_294, %lt3A_299 : vector<16xi32>
        %and3A_301 = arith.andi %ge3A_297, %lt3A_300 : vector<16xi1>
        %jit3A_302 = arith.constant 5120 : i32
        %broadcast_in_dim3A_303 = vector.broadcast %jit3A_302 : i32 to vector<16xi32>
        %select_n3A_304 = arith.select %and3A_301, %sub3A_294, %broadcast_in_dim3A_303 : vector<16xi1>, vector<16xi32>
        %swap3A_305 = arith.constant 192 : index
        %swap3A_306 = tpu.vector_load %arg12[%swap3A_305] {strides = array<i32>} : memref<256xi32, #tpu.memory_space<vmem>>, vector<16xi32>,
        %swap3A_307 = vector.shape_cast %swap3A_306 : vector<16xi32> to vector<16xi32>
        %swap3A_308 = vector.shape_cast %select_n3A_304 : vector<16xi32> to vector<16xi32>
        tpu.vector_store %arg12[%swap3A_305], %swap3A_308 {strides = array<i32>} : memref<256xi32, #tpu.memory_space<vmem>>, vector<16xi32>,
        %get3A_309 = arith.constant 208 : index
        %get3A_310 = tpu.vector_load %arg9[%get3A_309] {strides = array<i32>} : memref<256xi32, #tpu.memory_space<vmem>>, vector<16xi32>,
        %get3A_311 = vector.shape_cast %get3A_310 : vector<16xi32> to vector<16xi32>
        %sub3A_312 = vector.broadcast %add3A_34 : i32 to vector<16xi32>
        %sub3A_313 = arith.subi %get3A_311, %sub3A_312 : vector<16xi32>
        %ge3A_314 = arith.constant 0 : i32
        %ge3A_315 = vector.broadcast %ge3A_314 : i32 to vector<16xi32>
        %ge3A_316 = arith.cmpi sge, %sub3A_313, %ge3A_315 : vector<16xi32>
        %lt3A_317 = arith.constant 5120 : i32
        %lt3A_318 = vector.broadcast %lt3A_317 : i32 to vector<16xi32>
        %lt3A_319 = arith.cmpi slt, %sub3A_313, %lt3A_318 : vector<16xi32>
        %and3A_320 = arith.andi %ge3A_316, %lt3A_319 : vector<16xi1>
        %jit3A_321 = arith.constant 5120 : i32
        %broadcast_in_dim3A_322 = vector.broadcast %jit3A_321 : i32 to vector<16xi32>
        %select_n3A_323 = arith.select %and3A_320, %sub3A_313, %broadcast_in_dim3A_322 : vector<16xi1>, vector<16xi32>
        %swap3A_324 = arith.constant 208 : index
        %swap3A_325 = tpu.vector_load %arg12[%swap3A_324] {strides = array<i32>} : memref<256xi32, #tpu.memory_space<vmem>>, vector<16xi32>,
        %swap3A_326 = vector.shape_cast %swap3A_325 : vector<16xi32> to vector<16xi32>
        %swap3A_327 = vector.shape_cast %select_n3A_323 : vector<16xi32> to vector<16xi32>
        tpu.vector_store %arg12[%swap3A_324], %swap3A_327 {strides = array<i32>} : memref<256xi32, #tpu.memory_space<vmem>>, vector<16xi32>,
        %get3A_328 = arith.constant 224 : index
        %get3A_329 = tpu.vector_load %arg9[%get3A_328] {strides = array<i32>} : memref<256xi32, #tpu.memory_space<vmem>>, vector<16xi32>,
        %get3A_330 = vector.shape_cast %get3A_329 : vector<16xi32> to vector<16xi32>
        %sub3A_331 = vector.broadcast %add3A_34 : i32 to vector<16xi32>
        %sub3A_332 = arith.subi %get3A_330, %sub3A_331 : vector<16xi32>
        %ge3A_333 = arith.constant 0 : i32
        %ge3A_334 = vector.broadcast %ge3A_333 : i32 to vector<16xi32>
        %ge3A_335 = arith.cmpi sge, %sub3A_332, %ge3A_334 : vector<16xi32>
        %lt3A_336 = arith.constant 5120 : i32
        %lt3A_337 = vector.broadcast %lt3A_336 : i32 to vector<16xi32>
        %lt3A_338 = arith.cmpi slt, %sub3A_332, %lt3A_337 : vector<16xi32>
        %and3A_339 = arith.andi %ge3A_335, %lt3A_338 : vector<16xi1>
        %jit3A_340 = arith.constant 5120 : i32
        %broadcast_in_dim3A_341 = vector.broadcast %jit3A_340 : i32 to vector<16xi32>
        %select_n3A_342 = arith.select %and3A_339, %sub3A_332, %broadcast_in_dim3A_341 : vector<16xi1>, vector<16xi32>
        %swap3A_343 = arith.constant 224 : index
        %swap3A_344 = tpu.vector_load %arg12[%swap3A_343] {strides = array<i32>} : memref<256xi32, #tpu.memory_space<vmem>>, vector<16xi32>,
        %swap3A_345 = vector.shape_cast %swap3A_344 : vector<16xi32> to vector<16xi32>
        %swap3A_346 = vector.shape_cast %select_n3A_342 : vector<16xi32> to vector<16xi32>
        tpu.vector_store %arg12[%swap3A_343], %swap3A_346 {strides = array<i32>} : memref<256xi32, #tpu.memory_space<vmem>>, vector<16xi32>,
        %get3A_347 = arith.constant 240 : index
        %get3A_348 = tpu.vector_load %arg9[%get3A_347] {strides = array<i32>} : memref<256xi32, #tpu.memory_space<vmem>>, vector<16xi32>,
        %get3A_349 = vector.shape_cast %get3A_348 : vector<16xi32> to vector<16xi32>
        %sub3A_350 = vector.broadcast %add3A_34 : i32 to vector<16xi32>
        %sub3A_351 = arith.subi %get3A_349, %sub3A_350 : vector<16xi32>
        %ge3A_352 = arith.constant 0 : i32
        %ge3A_353 = vector.broadcast %ge3A_352 : i32 to vector<16xi32>
        %ge3A_354 = arith.cmpi sge, %sub3A_351, %ge3A_353 : vector<16xi32>
        %lt3A_355 = arith.constant 5120 : i32
        %lt3A_356 = vector.broadcast %lt3A_355 : i32 to vector<16xi32>
        %lt3A_357 = arith.cmpi slt, %sub3A_351, %lt3A_356 : vector<16xi32>
        %and3A_358 = arith.andi %ge3A_354, %lt3A_357 : vector<16xi1>
        %jit3A_359 = arith.constant 5120 : i32
        %broadcast_in_dim3A_360 = vector.broadcast %jit3A_359 : i32 to vector<16xi32>
        %select_n3A_361 = arith.select %and3A_358, %sub3A_351, %broadcast_in_dim3A_360 : vector<16xi1>, vector<16xi32>
        %swap3A_362 = arith.constant 240 : index
        %swap3A_363 = tpu.vector_load %arg12[%swap3A_362] {strides = array<i32>} : memref<256xi32, #tpu.memory_space<vmem>>, vector<16xi32>,
        %swap3A_364 = vector.shape_cast %swap3A_363 : vector<16xi32> to vector<16xi32>
        %swap3A_365 = vector.shape_cast %select_n3A_361 : vector<16xi32> to vector<16xi32>
        tpu.vector_store %arg12[%swap3A_362], %swap3A_365 {strides = array<i32>} : memref<256xi32, #tpu.memory_space<vmem>>, vector<16xi32>,
        "tpu.region"() ({
          %run_scoped3A = tpu.sem_alloc : memref<!tpu.dma_semaphore, #tpu.memory_space<semaphore_mem>>
          %dma_start3A = arith.constant 0 : i32
          %dma_start3A_366 = arith.constant 0 : i32
          %dma_start3A_367 = tpu.memref_slice %arg16[%dma_start3A, %dma_start3A_366] : memref<5136x128xf32, #tpu.memory_space<vmem_shared>> -> memref<5136x128xf32, #tpu.memory_space<vmem_shared>>
          tpu.enqueue_indirect_dma source(%arg13 : memref<256x128xf32, #tpu.memory_space<vmem>>) target(%dma_start3A_367 : memref<5136x128xf32, #tpu.memory_space<vmem_shared>>) offsets(%arg12 : memref<256xi32, #tpu.memory_space<vmem>>) semaphore(%run_scoped3A : memref<!tpu.dma_semaphore, #tpu.memory_space<semaphore_mem>>) {add = true}
          %dma_wait3A = arith.constant 0 : i32
          %dma_wait3A_368 = arith.constant 0 : i32
          %dma_wait3A_369 = tpu.memref_slice %arg16[%dma_wait3A, %dma_wait3A_368] : memref<5136x128xf32, #tpu.memory_space<vmem_shared>> -> memref<5136x128xf32, #tpu.memory_space<vmem_shared>>
          tpu.wait_indirect_dma semaphore(%run_scoped3A : memref<!tpu.dma_semaphore, #tpu.memory_space<semaphore_mem>>) src(%arg13 : memref<256x128xf32, #tpu.memory_space<vmem>>) dst(%dma_wait3A_369 : memref<5136x128xf32, #tpu.memory_space<vmem_shared>>)
          tpu.yield
        }) : () -> ()
      }
      %scan3A_39 = arith.constant 147 : i32
      %barrier3A_40 = arith.constant 0 : index
      tpu.barrier barrier_id(%barrier3A_40)
      %mul3A_41 = arith.constant 10240 : i32
      %mul3A_42 = arith.muli %add3A_29, %mul3A_41 : i32
      %mul3A_43 = arith.constant 5120 : i32
      %mul3A_44 = arith.muli %arg0, %mul3A_43 : i32
      %add3A_45 = arith.addi %mul3A_42, %mul3A_44 : i32
      %mul3A_46 = arith.constant 320 : i32
      %mul3A_47 = arith.muli %arg1, %mul3A_46 : i32
      %add3A_48 = arith.addi %add3A_45, %mul3A_47 : i32
      %mul3A_49 = arith.constant 320 : i32
      %mul3A_50 = arith.muli %arg1, %mul3A_49 : i32
      "tpu.region"() ({
        %run_scoped3A = tpu.sem_alloc : memref<!tpu.dma_semaphore, #tpu.memory_space<semaphore_mem>>
        %dma_start3A = arith.constant 0 : i32
        %dma_start3A_61 = tpu.memref_slice %arg8[%add3A_48, %dma_start3A] : memref<102400x128xf32, #tpu.memory_space<hbm>> -> memref<320x128xf32, #tpu.memory_space<hbm>>
        %dma_start3A_62 = arith.constant 0 : i32
        %dma_start3A_63 = tpu.memref_slice %arg16[%mul3A_50, %dma_start3A_62] : memref<5136x128xf32, #tpu.memory_space<vmem_shared>> -> memref<320x128xf32, #tpu.memory_space<vmem_shared>>
        tpu.enqueue_dma source(%dma_start3A_63 : memref<320x128xf32, #tpu.memory_space<vmem_shared>>) target(%dma_start3A_61 : memref<320x128xf32, #tpu.memory_space<hbm>>) target_semaphore(%run_scoped3A : memref<!tpu.dma_semaphore, #tpu.memory_space<semaphore_mem>>)
        %dma_wait3A = arith.constant 0 : i32
        %dma_wait3A_64 = tpu.memref_slice %arg8[%add3A_48, %dma_wait3A] : memref<102400x128xf32, #tpu.memory_space<hbm>> -> memref<320x128xf32, #tpu.memory_space<hbm>>
        %dma_wait3A_65 = arith.constant 0 : i32
        %dma_wait3A_66 = tpu.memref_slice %arg16[%mul3A_50, %dma_wait3A_65] : memref<5136x128xf32, #tpu.memory_space<vmem_shared>> -> memref<320x128xf32, #tpu.memory_space<vmem_shared>>
        tpu.wait_dma2 semaphore(%run_scoped3A : memref<!tpu.dma_semaphore, #tpu.memory_space<semaphore_mem>>) src(%dma_wait3A_66 : memref<320x128xf32, #tpu.memory_space<vmem_shared>>) dst(%dma_wait3A_64 : memref<320x128xf32, #tpu.memory_space<hbm>>)
        tpu.yield
      }) : () -> ()
      %barrier3A_51 = arith.constant 0 : index
      tpu.barrier barrier_id(%barrier3A_51)
      %mul3A_52 = arith.constant 320 : i32
      %mul3A_53 = arith.muli %arg1, %mul3A_52 : i32
      %add3A_54 = arith.constant 0 : i32
      %add3A_55 = arith.addi %mul3A_53, %add3A_54 : i32
      "tpu.region"() ({
        %run_scoped3A = tpu.sem_alloc : memref<!tpu.dma_semaphore, #tpu.memory_space<semaphore_mem>>
        %dma_start3A = arith.constant 0 : i32
        %dma_start3A_61 = tpu.memref_slice %arg16[%add3A_55, %dma_start3A] : memref<5136x128xf32, #tpu.memory_space<vmem_shared>> -> memref<160x128xf32, #tpu.memory_space<vmem_shared>>
        %dma_start3A_62 = arith.constant 0 : i32
        %dma_start3A_63 = tpu.memref_slice %arg16[%add3A_55, %dma_start3A_62] : memref<5136x128xf32, #tpu.memory_space<vmem_shared>> -> memref<160x128xf32, #tpu.memory_space<vmem_shared>>
        tpu.enqueue_dma source(%arg15 : memref<160x128xf32, #tpu.memory_space<vmem>>) target(%dma_start3A_63 : memref<160x128xf32, #tpu.memory_space<vmem_shared>>) target_semaphore(%run_scoped3A : memref<!tpu.dma_semaphore, #tpu.memory_space<semaphore_mem>>)
        %dma_wait3A = arith.constant 0 : i32
        %dma_wait3A_64 = tpu.memref_slice %arg16[%add3A_55, %dma_wait3A] : memref<5136x128xf32, #tpu.memory_space<vmem_shared>> -> memref<160x128xf32, #tpu.memory_space<vmem_shared>>
        %dma_wait3A_65 = arith.constant 0 : i32
        %dma_wait3A_66 = tpu.memref_slice %arg16[%add3A_55, %dma_wait3A_65] : memref<5136x128xf32, #tpu.memory_space<vmem_shared>> -> memref<160x128xf32, #tpu.memory_space<vmem_shared>>
        tpu.wait_dma2 semaphore(%run_scoped3A : memref<!tpu.dma_semaphore, #tpu.memory_space<semaphore_mem>>) src(%arg15 : memref<160x128xf32, #tpu.memory_space<vmem>>) dst(%dma_wait3A_66 : memref<160x128xf32, #tpu.memory_space<vmem_shared>>)
        tpu.yield
      }) : () -> ()
      %mul3A_56 = arith.constant 320 : i32
      %mul3A_57 = arith.muli %arg1, %mul3A_56 : i32
      %add3A_58 = arith.constant 160 : i32
      %add3A_59 = arith.addi %mul3A_57, %add3A_58 : i32
      "tpu.region"() ({
        %run_scoped3A = tpu.sem_alloc : memref<!tpu.dma_semaphore, #tpu.memory_space<semaphore_mem>>
        %dma_start3A = arith.constant 0 : i32
        %dma_start3A_61 = tpu.memref_slice %arg16[%add3A_59, %dma_start3A] : memref<5136x128xf32, #tpu.memory_space<vmem_shared>> -> memref<160x128xf32, #tpu.memory_space<vmem_shared>>
        %dma_start3A_62 = arith.constant 0 : i32
        %dma_start3A_63 = tpu.memref_slice %arg16[%add3A_59, %dma_start3A_62] : memref<5136x128xf32, #tpu.memory_space<vmem_shared>> -> memref<160x128xf32, #tpu.memory_space<vmem_shared>>
        tpu.enqueue_dma source(%arg15 : memref<160x128xf32, #tpu.memory_space<vmem>>) target(%dma_start3A_63 : memref<160x128xf32, #tpu.memory_space<vmem_shared>>) target_semaphore(%run_scoped3A : memref<!tpu.dma_semaphore, #tpu.memory_space<semaphore_mem>>)
        %dma_wait3A = arith.constant 0 : i32
        %dma_wait3A_64 = tpu.memref_slice %arg16[%add3A_59, %dma_wait3A] : memref<5136x128xf32, #tpu.memory_space<vmem_shared>> -> memref<160x128xf32, #tpu.memory_space<vmem_shared>>
        %dma_wait3A_65 = arith.constant 0 : i32
        %dma_wait3A_66 = tpu.memref_slice %arg16[%add3A_59, %dma_wait3A_65] : memref<5136x128xf32, #tpu.memory_space<vmem_shared>> -> memref<160x128xf32, #tpu.memory_space<vmem_shared>>
        tpu.wait_dma2 semaphore(%run_scoped3A : memref<!tpu.dma_semaphore, #tpu.memory_space<semaphore_mem>>) src(%arg15 : memref<160x128xf32, #tpu.memory_space<vmem>>) dst(%dma_wait3A_66 : memref<160x128xf32, #tpu.memory_space<vmem_shared>>)
        tpu.yield
      }) : () -> ()
      %barrier3A_60 = arith.constant 0 : index
      tpu.barrier barrier_id(%barrier3A_60)
    }
    %scan3A_24 = arith.constant 10 : i32
    return
  }
}

#map = affine_map<(d0, d1) -> (0)>
#map1 = affine_map<(d0, d1) -> (0, 0)>
module attributes {stable_mosaic.version = 14 : i64} {
  func.func @k(%arg0: i32, %arg1: i32, %arg2: memref<602112xi32, #tpu.memory_space<hbm>>, %arg3: memref<602112xi32, #tpu.memory_space<hbm>>, %arg4: memref<602112xi32, #tpu.memory_space<hbm>>, %arg5: memref<110000x128xf32, #tpu.memory_space<hbm>>, %arg6: memref<4x128xf32, #tpu.memory_space<hbm>>, %arg7: memref<112640x128xf32, #tpu.memory_space<hbm>>, %arg8: memref<112640x128xf32, #tpu.memory_space<hbm>>, %arg9: memref<256xi32, #tpu.memory_space<vmem>>, %arg10: memref<256xi32, #tpu.memory_space<vmem>>, %arg11: memref<256xi32, #tpu.memory_space<vmem>>, %arg12: memref<256xi32, #tpu.memory_space<vmem>>, %arg13: memref<256x128xf32, #tpu.memory_space<vmem>>, %arg14: memref<256x128xf32, #tpu.memory_space<vmem>>, %arg15: memref<160x128xf32, #tpu.memory_space<vmem>>, %arg16: memref<5136x128xf32, #tpu.memory_space<vmem_shared>>, %arg17: memref<!tpu.dma_semaphore, #tpu.memory_space<semaphore_mem>>) attributes {dimension_semantics = [#tpu.dimension_semantics<core_parallel>, #tpu.dimension_semantics<subcore_parallel>], iteration_bounds = array<i64: 2, 16>, scalar_prefetch = 0 : i64, scratch_operands = 9 : i64, tpu.core_type = #tpu.core_type<sc_vector_subcore>, window_params = [{transform_indices = #map}, {transform_indices = #map}, {transform_indices = #map}, {transform_indices = #map1}, {transform_indices = #map1}, {transform_indices = #map1}, {transform_indices = #map1}]} {
    %scan3A = arith.constant 0 : i32
    %scan3A_0 = arith.constant 160 : i32
    %scan3A_1 = arith.addi %scan3A, %scan3A_0 : i32
    %scan3A_2 = arith.constant 1 : i32
    scf.for %scan3A_25 = %scan3A to %scan3A_1 step %scan3A_2  : i32 {
      %mul3A_26 = arith.constant 1 : i32
      %mul3A_27 = arith.muli %scan3A_25, %mul3A_26 : i32
      %add3A_28 = arith.constant 0 : i32
      %add3A_29 = arith.addi %add3A_28, %mul3A_27 : i32
      %broadcast_in_dim3A = arith.constant 0.000000e+00 : f32
      %broadcast_in_dim3A_30 = vector.broadcast %broadcast_in_dim3A : f32 to vector<16xf32>
      %swap3A = arith.index_cast %add3A_29 : i32 to index
      %swap3A_31 = arith.constant 0 : index
      %swap3A_32 = tpu.vector_load %arg15[%swap3A, %swap3A_31] {strides = array<i32>} : memref<160x128xf32, #tpu.memory_space<vmem>>, vector<1x16xf32>,
      %swap3A_33 = vector.shape_cast %swap3A_32 : vector<1x16xf32> to vector<16xf32>
      %swap3A_34 = vector.shape_cast %broadcast_in_dim3A_30 : vector<16xf32> to vector<1x16xf32>
      tpu.vector_store %arg15[%swap3A, %swap3A_31], %swap3A_34 {strides = array<i32>} : memref<160x128xf32, #tpu.memory_space<vmem>>, vector<1x16xf32>,
      %broadcast_in_dim3A_35 = arith.constant 0.000000e+00 : f32
      %broadcast_in_dim3A_36 = vector.broadcast %broadcast_in_dim3A_35 : f32 to vector<16xf32>
      %swap3A_37 = arith.index_cast %add3A_29 : i32 to index
      %swap3A_38 = arith.constant 16 : index
      %swap3A_39 = tpu.vector_load %arg15[%swap3A_37, %swap3A_38] {strides = array<i32>} : memref<160x128xf32, #tpu.memory_space<vmem>>, vector<1x16xf32>,
      %swap3A_40 = vector.shape_cast %swap3A_39 : vector<1x16xf32> to vector<16xf32>
      %swap3A_41 = vector.shape_cast %broadcast_in_dim3A_36 : vector<16xf32> to vector<1x16xf32>
      tpu.vector_store %arg15[%swap3A_37, %swap3A_38], %swap3A_41 {strides = array<i32>} : memref<160x128xf32, #tpu.memory_space<vmem>>, vector<1x16xf32>,
      %broadcast_in_dim3A_42 = arith.constant 0.000000e+00 : f32
      %broadcast_in_dim3A_43 = vector.broadcast %broadcast_in_dim3A_42 : f32 to vector<16xf32>
      %swap3A_44 = arith.index_cast %add3A_29 : i32 to index
      %swap3A_45 = arith.constant 32 : index
      %swap3A_46 = tpu.vector_load %arg15[%swap3A_44, %swap3A_45] {strides = array<i32>} : memref<160x128xf32, #tpu.memory_space<vmem>>, vector<1x16xf32>,
      %swap3A_47 = vector.shape_cast %swap3A_46 : vector<1x16xf32> to vector<16xf32>
      %swap3A_48 = vector.shape_cast %broadcast_in_dim3A_43 : vector<16xf32> to vector<1x16xf32>
      tpu.vector_store %arg15[%swap3A_44, %swap3A_45], %swap3A_48 {strides = array<i32>} : memref<160x128xf32, #tpu.memory_space<vmem>>, vector<1x16xf32>,
      %broadcast_in_dim3A_49 = arith.constant 0.000000e+00 : f32
      %broadcast_in_dim3A_50 = vector.broadcast %broadcast_in_dim3A_49 : f32 to vector<16xf32>
      %swap3A_51 = arith.index_cast %add3A_29 : i32 to index
      %swap3A_52 = arith.constant 48 : index
      %swap3A_53 = tpu.vector_load %arg15[%swap3A_51, %swap3A_52] {strides = array<i32>} : memref<160x128xf32, #tpu.memory_space<vmem>>, vector<1x16xf32>,
      %swap3A_54 = vector.shape_cast %swap3A_53 : vector<1x16xf32> to vector<16xf32>
      %swap3A_55 = vector.shape_cast %broadcast_in_dim3A_50 : vector<16xf32> to vector<1x16xf32>
      tpu.vector_store %arg15[%swap3A_51, %swap3A_52], %swap3A_55 {strides = array<i32>} : memref<160x128xf32, #tpu.memory_space<vmem>>, vector<1x16xf32>,
      %broadcast_in_dim3A_56 = arith.constant 0.000000e+00 : f32
      %broadcast_in_dim3A_57 = vector.broadcast %broadcast_in_dim3A_56 : f32 to vector<16xf32>
      %swap3A_58 = arith.index_cast %add3A_29 : i32 to index
      %swap3A_59 = arith.constant 64 : index
      %swap3A_60 = tpu.vector_load %arg15[%swap3A_58, %swap3A_59] {strides = array<i32>} : memref<160x128xf32, #tpu.memory_space<vmem>>, vector<1x16xf32>,
      %swap3A_61 = vector.shape_cast %swap3A_60 : vector<1x16xf32> to vector<16xf32>
      %swap3A_62 = vector.shape_cast %broadcast_in_dim3A_57 : vector<16xf32> to vector<1x16xf32>
      tpu.vector_store %arg15[%swap3A_58, %swap3A_59], %swap3A_62 {strides = array<i32>} : memref<160x128xf32, #tpu.memory_space<vmem>>, vector<1x16xf32>,
      %broadcast_in_dim3A_63 = arith.constant 0.000000e+00 : f32
      %broadcast_in_dim3A_64 = vector.broadcast %broadcast_in_dim3A_63 : f32 to vector<16xf32>
      %swap3A_65 = arith.index_cast %add3A_29 : i32 to index
      %swap3A_66 = arith.constant 80 : index
      %swap3A_67 = tpu.vector_load %arg15[%swap3A_65, %swap3A_66] {strides = array<i32>} : memref<160x128xf32, #tpu.memory_space<vmem>>, vector<1x16xf32>,
      %swap3A_68 = vector.shape_cast %swap3A_67 : vector<1x16xf32> to vector<16xf32>
      %swap3A_69 = vector.shape_cast %broadcast_in_dim3A_64 : vector<16xf32> to vector<1x16xf32>
      tpu.vector_store %arg15[%swap3A_65, %swap3A_66], %swap3A_69 {strides = array<i32>} : memref<160x128xf32, #tpu.memory_space<vmem>>, vector<1x16xf32>,
      %broadcast_in_dim3A_70 = arith.constant 0.000000e+00 : f32
      %broadcast_in_dim3A_71 = vector.broadcast %broadcast_in_dim3A_70 : f32 to vector<16xf32>
      %swap3A_72 = arith.index_cast %add3A_29 : i32 to index
      %swap3A_73 = arith.constant 96 : index
      %swap3A_74 = tpu.vector_load %arg15[%swap3A_72, %swap3A_73] {strides = array<i32>} : memref<160x128xf32, #tpu.memory_space<vmem>>, vector<1x16xf32>,
      %swap3A_75 = vector.shape_cast %swap3A_74 : vector<1x16xf32> to vector<16xf32>
      %swap3A_76 = vector.shape_cast %broadcast_in_dim3A_71 : vector<16xf32> to vector<1x16xf32>
      tpu.vector_store %arg15[%swap3A_72, %swap3A_73], %swap3A_76 {strides = array<i32>} : memref<160x128xf32, #tpu.memory_space<vmem>>, vector<1x16xf32>,
      %broadcast_in_dim3A_77 = arith.constant 0.000000e+00 : f32
      %broadcast_in_dim3A_78 = vector.broadcast %broadcast_in_dim3A_77 : f32 to vector<16xf32>
      %swap3A_79 = arith.index_cast %add3A_29 : i32 to index
      %swap3A_80 = arith.constant 112 : index
      %swap3A_81 = tpu.vector_load %arg15[%swap3A_79, %swap3A_80] {strides = array<i32>} : memref<160x128xf32, #tpu.memory_space<vmem>>, vector<1x16xf32>,
      %swap3A_82 = vector.shape_cast %swap3A_81 : vector<1x16xf32> to vector<16xf32>
      %swap3A_83 = vector.shape_cast %broadcast_in_dim3A_78 : vector<16xf32> to vector<1x16xf32>
      tpu.vector_store %arg15[%swap3A_79, %swap3A_80], %swap3A_83 {strides = array<i32>} : memref<160x128xf32, #tpu.memory_space<vmem>>, vector<1x16xf32>,
    }
    %scan3A_3 = arith.constant 160 : i32
    %mul3A = arith.constant 320 : i32
    %mul3A_4 = arith.muli %arg1, %mul3A : i32
    %add3A = arith.constant 0 : i32
    %add3A_5 = arith.addi %mul3A_4, %add3A : i32
    "tpu.region"() ({
      %run_scoped3A = tpu.sem_alloc : memref<!tpu.dma_semaphore, #tpu.memory_space<semaphore_mem>>
      %dma_start3A = arith.constant 0 : i32
      %dma_start3A_25 = tpu.memref_slice %arg16[%add3A_5, %dma_start3A] : memref<5136x128xf32, #tpu.memory_space<vmem_shared>> -> memref<160x128xf32, #tpu.memory_space<vmem_shared>>
      %dma_start3A_26 = arith.constant 0 : i32
      %dma_start3A_27 = tpu.memref_slice %arg16[%add3A_5, %dma_start3A_26] : memref<5136x128xf32, #tpu.memory_space<vmem_shared>> -> memref<160x128xf32, #tpu.memory_space<vmem_shared>>
      tpu.enqueue_dma source(%arg15 : memref<160x128xf32, #tpu.memory_space<vmem>>) target(%dma_start3A_27 : memref<160x128xf32, #tpu.memory_space<vmem_shared>>) target_semaphore(%run_scoped3A : memref<!tpu.dma_semaphore, #tpu.memory_space<semaphore_mem>>)
      %dma_wait3A = arith.constant 0 : i32
      %dma_wait3A_28 = tpu.memref_slice %arg16[%add3A_5, %dma_wait3A] : memref<5136x128xf32, #tpu.memory_space<vmem_shared>> -> memref<160x128xf32, #tpu.memory_space<vmem_shared>>
      %dma_wait3A_29 = arith.constant 0 : i32
      %dma_wait3A_30 = tpu.memref_slice %arg16[%add3A_5, %dma_wait3A_29] : memref<5136x128xf32, #tpu.memory_space<vmem_shared>> -> memref<160x128xf32, #tpu.memory_space<vmem_shared>>
      tpu.wait_dma2 semaphore(%run_scoped3A : memref<!tpu.dma_semaphore, #tpu.memory_space<semaphore_mem>>) src(%arg15 : memref<160x128xf32, #tpu.memory_space<vmem>>) dst(%dma_wait3A_30 : memref<160x128xf32, #tpu.memory_space<vmem_shared>>)
      tpu.yield
    }) : () -> ()
    %mul3A_6 = arith.constant 320 : i32
    %mul3A_7 = arith.muli %arg1, %mul3A_6 : i32
    %add3A_8 = arith.constant 160 : i32
    %add3A_9 = arith.addi %mul3A_7, %add3A_8 : i32
    "tpu.region"() ({
      %run_scoped3A = tpu.sem_alloc : memref<!tpu.dma_semaphore, #tpu.memory_space<semaphore_mem>>
      %dma_start3A = arith.constant 0 : i32
      %dma_start3A_25 = tpu.memref_slice %arg16[%add3A_9, %dma_start3A] : memref<5136x128xf32, #tpu.memory_space<vmem_shared>> -> memref<160x128xf32, #tpu.memory_space<vmem_shared>>
      %dma_start3A_26 = arith.constant 0 : i32
      %dma_start3A_27 = tpu.memref_slice %arg16[%add3A_9, %dma_start3A_26] : memref<5136x128xf32, #tpu.memory_space<vmem_shared>> -> memref<160x128xf32, #tpu.memory_space<vmem_shared>>
      tpu.enqueue_dma source(%arg15 : memref<160x128xf32, #tpu.memory_space<vmem>>) target(%dma_start3A_27 : memref<160x128xf32, #tpu.memory_space<vmem_shared>>) target_semaphore(%run_scoped3A : memref<!tpu.dma_semaphore, #tpu.memory_space<semaphore_mem>>)
      %dma_wait3A = arith.constant 0 : i32
      %dma_wait3A_28 = tpu.memref_slice %arg16[%add3A_9, %dma_wait3A] : memref<5136x128xf32, #tpu.memory_space<vmem_shared>> -> memref<160x128xf32, #tpu.memory_space<vmem_shared>>
      %dma_wait3A_29 = arith.constant 0 : i32
      %dma_wait3A_30 = tpu.memref_slice %arg16[%add3A_9, %dma_wait3A_29] : memref<5136x128xf32, #tpu.memory_space<vmem_shared>> -> memref<160x128xf32, #tpu.memory_space<vmem_shared>>
      tpu.wait_dma2 semaphore(%run_scoped3A : memref<!tpu.dma_semaphore, #tpu.memory_space<semaphore_mem>>) src(%arg15 : memref<160x128xf32, #tpu.memory_space<vmem>>) dst(%dma_wait3A_30 : memref<160x128xf32, #tpu.memory_space<vmem_shared>>)
      tpu.yield
    }) : () -> ()
    %barrier3A = arith.constant 0 : index
    tpu.barrier barrier_id(%barrier3A)
    %scan3A_10 = arith.constant 0 : i32
    %scan3A_11 = arith.constant 11 : i32
    %scan3A_12 = arith.addi %scan3A_10, %scan3A_11 : i32
    %scan3A_13 = arith.constant 1 : i32
    scf.for %scan3A_25 = %scan3A_10 to %scan3A_12 step %scan3A_13  : i32 {
      %mul3A_26 = arith.constant 1 : i32
      %mul3A_27 = arith.muli %scan3A_25, %mul3A_26 : i32
      %add3A_28 = arith.constant 0 : i32
      %add3A_29 = arith.addi %add3A_28, %mul3A_27 : i32
      %mul3A_30 = arith.constant 10240 : i32
      %mul3A_31 = arith.muli %add3A_29, %mul3A_30 : i32
      %mul3A_32 = arith.constant 5120 : i32
      %mul3A_33 = arith.muli %arg0, %mul3A_32 : i32
      %add3A_34 = arith.addi %mul3A_31, %mul3A_33 : i32
      %scan3A_35 = arith.constant 0 : i32
      %scan3A_36 = arith.constant 147 : i32
      %scan3A_37 = arith.addi %scan3A_35, %scan3A_36 : i32
      %scan3A_38 = arith.constant 1 : i32
      scf.for %scan3A_61 = %scan3A_35 to %scan3A_37 step %scan3A_38  : i32 {
        %mul3A_62 = arith.constant 1 : i32
        %mul3A_63 = arith.muli %scan3A_61, %mul3A_62 : i32
        %add3A_64 = arith.constant 0 : i32
        %add3A_65 = arith.addi %add3A_64, %mul3A_63 : i32
        %mul3A_66 = arith.constant 37632 : i32
        %mul3A_67 = arith.muli %arg1, %mul3A_66 : i32
        %mul3A_68 = arith.constant 256 : i32
        %mul3A_69 = arith.muli %add3A_65, %mul3A_68 : i32
        %add3A_70 = arith.addi %mul3A_67, %mul3A_69 : i32
        "tpu.region"() ({
          %run_scoped3A = tpu.sem_alloc : memref<!tpu.dma_semaphore, #tpu.memory_space<semaphore_mem>>
          %dma_start3A_381 = tpu.memref_slice %arg2[%add3A_70] : memref<602112xi32, #tpu.memory_space<hbm>> -> memref<256xi32, #tpu.memory_space<hbm>>
          %dma_start3A_382 = tpu.memref_slice %arg2[%add3A_70] : memref<602112xi32, #tpu.memory_space<hbm>> -> memref<256xi32, #tpu.memory_space<hbm>>
          tpu.enqueue_dma source(%dma_start3A_382 : memref<256xi32, #tpu.memory_space<hbm>>) target(%arg9 : memref<256xi32, #tpu.memory_space<vmem>>) target_semaphore(%run_scoped3A : memref<!tpu.dma_semaphore, #tpu.memory_space<semaphore_mem>>)
          %dma_wait3A_383 = tpu.memref_slice %arg2[%add3A_70] : memref<602112xi32, #tpu.memory_space<hbm>> -> memref<256xi32, #tpu.memory_space<hbm>>
          %dma_wait3A_384 = tpu.memref_slice %arg2[%add3A_70] : memref<602112xi32, #tpu.memory_space<hbm>> -> memref<256xi32, #tpu.memory_space<hbm>>
          tpu.wait_dma2 semaphore(%run_scoped3A : memref<!tpu.dma_semaphore, #tpu.memory_space<semaphore_mem>>) src(%dma_wait3A_384 : memref<256xi32, #tpu.memory_space<hbm>>) dst(%arg9 : memref<256xi32, #tpu.memory_space<vmem>>)
          tpu.yield
        }) : () -> ()
        "tpu.region"() ({
          %run_scoped3A = tpu.sem_alloc : memref<!tpu.dma_semaphore, #tpu.memory_space<semaphore_mem>>
          %dma_start3A_381 = tpu.memref_slice %arg3[%add3A_70] : memref<602112xi32, #tpu.memory_space<hbm>> -> memref<256xi32, #tpu.memory_space<hbm>>
          %dma_start3A_382 = tpu.memref_slice %arg3[%add3A_70] : memref<602112xi32, #tpu.memory_space<hbm>> -> memref<256xi32, #tpu.memory_space<hbm>>
          tpu.enqueue_dma source(%dma_start3A_382 : memref<256xi32, #tpu.memory_space<hbm>>) target(%arg10 : memref<256xi32, #tpu.memory_space<vmem>>) target_semaphore(%run_scoped3A : memref<!tpu.dma_semaphore, #tpu.memory_space<semaphore_mem>>)
          %dma_wait3A_383 = tpu.memref_slice %arg3[%add3A_70] : memref<602112xi32, #tpu.memory_space<hbm>> -> memref<256xi32, #tpu.memory_space<hbm>>
          %dma_wait3A_384 = tpu.memref_slice %arg3[%add3A_70] : memref<602112xi32, #tpu.memory_space<hbm>> -> memref<256xi32, #tpu.memory_space<hbm>>
          tpu.wait_dma2 semaphore(%run_scoped3A : memref<!tpu.dma_semaphore, #tpu.memory_space<semaphore_mem>>) src(%dma_wait3A_384 : memref<256xi32, #tpu.memory_space<hbm>>) dst(%arg10 : memref<256xi32, #tpu.memory_space<vmem>>)
          tpu.yield
        }) : () -> ()
        "tpu.region"() ({
          %run_scoped3A = tpu.sem_alloc : memref<!tpu.dma_semaphore, #tpu.memory_space<semaphore_mem>>
          %dma_start3A_381 = tpu.memref_slice %arg4[%add3A_70] : memref<602112xi32, #tpu.memory_space<hbm>> -> memref<256xi32, #tpu.memory_space<hbm>>
          %dma_start3A_382 = tpu.memref_slice %arg4[%add3A_70] : memref<602112xi32, #tpu.memory_space<hbm>> -> memref<256xi32, #tpu.memory_space<hbm>>
          tpu.enqueue_dma source(%dma_start3A_382 : memref<256xi32, #tpu.memory_space<hbm>>) target(%arg11 : memref<256xi32, #tpu.memory_space<vmem>>) target_semaphore(%run_scoped3A : memref<!tpu.dma_semaphore, #tpu.memory_space<semaphore_mem>>)
          %dma_wait3A_383 = tpu.memref_slice %arg4[%add3A_70] : memref<602112xi32, #tpu.memory_space<hbm>> -> memref<256xi32, #tpu.memory_space<hbm>>
          %dma_wait3A_384 = tpu.memref_slice %arg4[%add3A_70] : memref<602112xi32, #tpu.memory_space<hbm>> -> memref<256xi32, #tpu.memory_space<hbm>>
          tpu.wait_dma2 semaphore(%run_scoped3A : memref<!tpu.dma_semaphore, #tpu.memory_space<semaphore_mem>>) src(%dma_wait3A_384 : memref<256xi32, #tpu.memory_space<hbm>>) dst(%arg11 : memref<256xi32, #tpu.memory_space<vmem>>)
          tpu.yield
        }) : () -> ()
        %dma_start3A = arith.constant 0 : i32
        %dma_start3A_71 = arith.constant 0 : i32
        %dma_start3A_72 = tpu.memref_slice %arg5[%dma_start3A, %dma_start3A_71] : memref<110000x128xf32, #tpu.memory_space<hbm>> -> memref<110000x128xf32, #tpu.memory_space<hbm>>
        tpu.enqueue_indirect_dma source(%dma_start3A_72 : memref<110000x128xf32, #tpu.memory_space<hbm>>) target(%arg13 : memref<256x128xf32, #tpu.memory_space<vmem>>) offsets(%arg10 : memref<256xi32, #tpu.memory_space<vmem>>) semaphore(%arg17 : memref<!tpu.dma_semaphore, #tpu.memory_space<semaphore_mem>>)
        %dma_wait3A = arith.constant 0 : i32
        %dma_wait3A_73 = arith.constant 0 : i32
        %dma_wait3A_74 = tpu.memref_slice %arg5[%dma_wait3A, %dma_wait3A_73] : memref<110000x128xf32, #tpu.memory_space<hbm>> -> memref<110000x128xf32, #tpu.memory_space<hbm>>
        tpu.wait_indirect_dma semaphore(%arg17 : memref<!tpu.dma_semaphore, #tpu.memory_space<semaphore_mem>>) src(%dma_wait3A_74 : memref<110000x128xf32, #tpu.memory_space<hbm>>) dst(%arg13 : memref<256x128xf32, #tpu.memory_space<vmem>>)
        %dma_start3A_75 = arith.constant 0 : i32
        %dma_start3A_76 = arith.constant 0 : i32
        %dma_start3A_77 = tpu.memref_slice %arg6[%dma_start3A_75, %dma_start3A_76] : memref<4x128xf32, #tpu.memory_space<hbm>> -> memref<4x128xf32, #tpu.memory_space<hbm>>
        tpu.enqueue_indirect_dma source(%dma_start3A_77 : memref<4x128xf32, #tpu.memory_space<hbm>>) target(%arg14 : memref<256x128xf32, #tpu.memory_space<vmem>>) offsets(%arg11 : memref<256xi32, #tpu.memory_space<vmem>>) semaphore(%arg17 : memref<!tpu.dma_semaphore, #tpu.memory_space<semaphore_mem>>)
        %dma_wait3A_78 = arith.constant 0 : i32
        %dma_wait3A_79 = arith.constant 0 : i32
        %dma_wait3A_80 = tpu.memref_slice %arg6[%dma_wait3A_78, %dma_wait3A_79] : memref<4x128xf32, #tpu.memory_space<hbm>> -> memref<4x128xf32, #tpu.memory_space<hbm>>
        tpu.wait_indirect_dma semaphore(%arg17 : memref<!tpu.dma_semaphore, #tpu.memory_space<semaphore_mem>>) src(%dma_wait3A_80 : memref<4x128xf32, #tpu.memory_space<hbm>>) dst(%arg14 : memref<256x128xf32, #tpu.memory_space<vmem>>)
        %scan3A_81 = arith.constant 0 : i32
        %scan3A_82 = arith.constant 256 : i32
        %scan3A_83 = arith.addi %scan3A_81, %scan3A_82 : i32
        %scan3A_84 = arith.constant 1 : i32
        scf.for %scan3A_381 = %scan3A_81 to %scan3A_83 step %scan3A_84  : i32 {
          %mul3A_382 = arith.constant 1 : i32
          %mul3A_383 = arith.muli %scan3A_381, %mul3A_382 : i32
          %add3A_384 = arith.constant 0 : i32
          %add3A_385 = arith.addi %add3A_384, %mul3A_383 : i32
          %get3A_386 = arith.index_cast %add3A_385 : i32 to index
          %get3A_387 = arith.constant 0 : index
          %get3A_388 = tpu.vector_load %arg13[%get3A_386, %get3A_387] {strides = array<i32>} : memref<256x128xf32, #tpu.memory_space<vmem>>, vector<1x16xf32>,
          %get3A_389 = vector.shape_cast %get3A_388 : vector<1x16xf32> to vector<16xf32>
          %get3A_390 = arith.index_cast %add3A_385 : i32 to index
          %get3A_391 = arith.constant 0 : index
          %get3A_392 = tpu.vector_load %arg14[%get3A_390, %get3A_391] {strides = array<i32>} : memref<256x128xf32, #tpu.memory_space<vmem>>, vector<1x16xf32>,
          %get3A_393 = vector.shape_cast %get3A_392 : vector<1x16xf32> to vector<16xf32>
          %mul3A_394 = arith.mulf %get3A_389, %get3A_393 : vector<16xf32>
          %swap3A_395 = arith.index_cast %add3A_385 : i32 to index
          %swap3A_396 = arith.constant 0 : index
          %swap3A_397 = tpu.vector_load %arg13[%swap3A_395, %swap3A_396] {strides = array<i32>} : memref<256x128xf32, #tpu.memory_space<vmem>>, vector<1x16xf32>,
          %swap3A_398 = vector.shape_cast %swap3A_397 : vector<1x16xf32> to vector<16xf32>
          %swap3A_399 = vector.shape_cast %mul3A_394 : vector<16xf32> to vector<1x16xf32>
          tpu.vector_store %arg13[%swap3A_395, %swap3A_396], %swap3A_399 {strides = array<i32>} : memref<256x128xf32, #tpu.memory_space<vmem>>, vector<1x16xf32>,
          %get3A_400 = arith.index_cast %add3A_385 : i32 to index
          %get3A_401 = arith.constant 16 : index
          %get3A_402 = tpu.vector_load %arg13[%get3A_400, %get3A_401] {strides = array<i32>} : memref<256x128xf32, #tpu.memory_space<vmem>>, vector<1x16xf32>,
          %get3A_403 = vector.shape_cast %get3A_402 : vector<1x16xf32> to vector<16xf32>
          %get3A_404 = arith.index_cast %add3A_385 : i32 to index
          %get3A_405 = arith.constant 16 : index
          %get3A_406 = tpu.vector_load %arg14[%get3A_404, %get3A_405] {strides = array<i32>} : memref<256x128xf32, #tpu.memory_space<vmem>>, vector<1x16xf32>,
          %get3A_407 = vector.shape_cast %get3A_406 : vector<1x16xf32> to vector<16xf32>
          %mul3A_408 = arith.mulf %get3A_403, %get3A_407 : vector<16xf32>
          %swap3A_409 = arith.index_cast %add3A_385 : i32 to index
          %swap3A_410 = arith.constant 16 : index
          %swap3A_411 = tpu.vector_load %arg13[%swap3A_409, %swap3A_410] {strides = array<i32>} : memref<256x128xf32, #tpu.memory_space<vmem>>, vector<1x16xf32>,
          %swap3A_412 = vector.shape_cast %swap3A_411 : vector<1x16xf32> to vector<16xf32>
          %swap3A_413 = vector.shape_cast %mul3A_408 : vector<16xf32> to vector<1x16xf32>
          tpu.vector_store %arg13[%swap3A_409, %swap3A_410], %swap3A_413 {strides = array<i32>} : memref<256x128xf32, #tpu.memory_space<vmem>>, vector<1x16xf32>,
          %get3A_414 = arith.index_cast %add3A_385 : i32 to index
          %get3A_415 = arith.constant 32 : index
          %get3A_416 = tpu.vector_load %arg13[%get3A_414, %get3A_415] {strides = array<i32>} : memref<256x128xf32, #tpu.memory_space<vmem>>, vector<1x16xf32>,
          %get3A_417 = vector.shape_cast %get3A_416 : vector<1x16xf32> to vector<16xf32>
          %get3A_418 = arith.index_cast %add3A_385 : i32 to index
          %get3A_419 = arith.constant 32 : index
          %get3A_420 = tpu.vector_load %arg14[%get3A_418, %get3A_419] {strides = array<i32>} : memref<256x128xf32, #tpu.memory_space<vmem>>, vector<1x16xf32>,
          %get3A_421 = vector.shape_cast %get3A_420 : vector<1x16xf32> to vector<16xf32>
          %mul3A_422 = arith.mulf %get3A_417, %get3A_421 : vector<16xf32>
          %swap3A_423 = arith.index_cast %add3A_385 : i32 to index
          %swap3A_424 = arith.constant 32 : index
          %swap3A_425 = tpu.vector_load %arg13[%swap3A_423, %swap3A_424] {strides = array<i32>} : memref<256x128xf32, #tpu.memory_space<vmem>>, vector<1x16xf32>,
          %swap3A_426 = vector.shape_cast %swap3A_425 : vector<1x16xf32> to vector<16xf32>
          %swap3A_427 = vector.shape_cast %mul3A_422 : vector<16xf32> to vector<1x16xf32>
          tpu.vector_store %arg13[%swap3A_423, %swap3A_424], %swap3A_427 {strides = array<i32>} : memref<256x128xf32, #tpu.memory_space<vmem>>, vector<1x16xf32>,
          %get3A_428 = arith.index_cast %add3A_385 : i32 to index
          %get3A_429 = arith.constant 48 : index
          %get3A_430 = tpu.vector_load %arg13[%get3A_428, %get3A_429] {strides = array<i32>} : memref<256x128xf32, #tpu.memory_space<vmem>>, vector<1x16xf32>,
          %get3A_431 = vector.shape_cast %get3A_430 : vector<1x16xf32> to vector<16xf32>
          %get3A_432 = arith.index_cast %add3A_385 : i32 to index
          %get3A_433 = arith.constant 48 : index
          %get3A_434 = tpu.vector_load %arg14[%get3A_432, %get3A_433] {strides = array<i32>} : memref<256x128xf32, #tpu.memory_space<vmem>>, vector<1x16xf32>,
          %get3A_435 = vector.shape_cast %get3A_434 : vector<1x16xf32> to vector<16xf32>
          %mul3A_436 = arith.mulf %get3A_431, %get3A_435 : vector<16xf32>
          %swap3A_437 = arith.index_cast %add3A_385 : i32 to index
          %swap3A_438 = arith.constant 48 : index
          %swap3A_439 = tpu.vector_load %arg13[%swap3A_437, %swap3A_438] {strides = array<i32>} : memref<256x128xf32, #tpu.memory_space<vmem>>, vector<1x16xf32>,
          %swap3A_440 = vector.shape_cast %swap3A_439 : vector<1x16xf32> to vector<16xf32>
          %swap3A_441 = vector.shape_cast %mul3A_436 : vector<16xf32> to vector<1x16xf32>
          tpu.vector_store %arg13[%swap3A_437, %swap3A_438], %swap3A_441 {strides = array<i32>} : memref<256x128xf32, #tpu.memory_space<vmem>>, vector<1x16xf32>,
          %get3A_442 = arith.index_cast %add3A_385 : i32 to index
          %get3A_443 = arith.constant 64 : index
          %get3A_444 = tpu.vector_load %arg13[%get3A_442, %get3A_443] {strides = array<i32>} : memref<256x128xf32, #tpu.memory_space<vmem>>, vector<1x16xf32>,
          %get3A_445 = vector.shape_cast %get3A_444 : vector<1x16xf32> to vector<16xf32>
          %get3A_446 = arith.index_cast %add3A_385 : i32 to index
          %get3A_447 = arith.constant 64 : index
          %get3A_448 = tpu.vector_load %arg14[%get3A_446, %get3A_447] {strides = array<i32>} : memref<256x128xf32, #tpu.memory_space<vmem>>, vector<1x16xf32>,
          %get3A_449 = vector.shape_cast %get3A_448 : vector<1x16xf32> to vector<16xf32>
          %mul3A_450 = arith.mulf %get3A_445, %get3A_449 : vector<16xf32>
          %swap3A_451 = arith.index_cast %add3A_385 : i32 to index
          %swap3A_452 = arith.constant 64 : index
          %swap3A_453 = tpu.vector_load %arg13[%swap3A_451, %swap3A_452] {strides = array<i32>} : memref<256x128xf32, #tpu.memory_space<vmem>>, vector<1x16xf32>,
          %swap3A_454 = vector.shape_cast %swap3A_453 : vector<1x16xf32> to vector<16xf32>
          %swap3A_455 = vector.shape_cast %mul3A_450 : vector<16xf32> to vector<1x16xf32>
          tpu.vector_store %arg13[%swap3A_451, %swap3A_452], %swap3A_455 {strides = array<i32>} : memref<256x128xf32, #tpu.memory_space<vmem>>, vector<1x16xf32>,
          %get3A_456 = arith.index_cast %add3A_385 : i32 to index
          %get3A_457 = arith.constant 80 : index
          %get3A_458 = tpu.vector_load %arg13[%get3A_456, %get3A_457] {strides = array<i32>} : memref<256x128xf32, #tpu.memory_space<vmem>>, vector<1x16xf32>,
          %get3A_459 = vector.shape_cast %get3A_458 : vector<1x16xf32> to vector<16xf32>
          %get3A_460 = arith.index_cast %add3A_385 : i32 to index
          %get3A_461 = arith.constant 80 : index
          %get3A_462 = tpu.vector_load %arg14[%get3A_460, %get3A_461] {strides = array<i32>} : memref<256x128xf32, #tpu.memory_space<vmem>>, vector<1x16xf32>,
          %get3A_463 = vector.shape_cast %get3A_462 : vector<1x16xf32> to vector<16xf32>
          %mul3A_464 = arith.mulf %get3A_459, %get3A_463 : vector<16xf32>
          %swap3A_465 = arith.index_cast %add3A_385 : i32 to index
          %swap3A_466 = arith.constant 80 : index
          %swap3A_467 = tpu.vector_load %arg13[%swap3A_465, %swap3A_466] {strides = array<i32>} : memref<256x128xf32, #tpu.memory_space<vmem>>, vector<1x16xf32>,
          %swap3A_468 = vector.shape_cast %swap3A_467 : vector<1x16xf32> to vector<16xf32>
          %swap3A_469 = vector.shape_cast %mul3A_464 : vector<16xf32> to vector<1x16xf32>
          tpu.vector_store %arg13[%swap3A_465, %swap3A_466], %swap3A_469 {strides = array<i32>} : memref<256x128xf32, #tpu.memory_space<vmem>>, vector<1x16xf32>,
          %get3A_470 = arith.index_cast %add3A_385 : i32 to index
          %get3A_471 = arith.constant 96 : index
          %get3A_472 = tpu.vector_load %arg13[%get3A_470, %get3A_471] {strides = array<i32>} : memref<256x128xf32, #tpu.memory_space<vmem>>, vector<1x16xf32>,
          %get3A_473 = vector.shape_cast %get3A_472 : vector<1x16xf32> to vector<16xf32>
          %get3A_474 = arith.index_cast %add3A_385 : i32 to index
          %get3A_475 = arith.constant 96 : index
          %get3A_476 = tpu.vector_load %arg14[%get3A_474, %get3A_475] {strides = array<i32>} : memref<256x128xf32, #tpu.memory_space<vmem>>, vector<1x16xf32>,
          %get3A_477 = vector.shape_cast %get3A_476 : vector<1x16xf32> to vector<16xf32>
          %mul3A_478 = arith.mulf %get3A_473, %get3A_477 : vector<16xf32>
          %swap3A_479 = arith.index_cast %add3A_385 : i32 to index
          %swap3A_480 = arith.constant 96 : index
          %swap3A_481 = tpu.vector_load %arg13[%swap3A_479, %swap3A_480] {strides = array<i32>} : memref<256x128xf32, #tpu.memory_space<vmem>>, vector<1x16xf32>,
          %swap3A_482 = vector.shape_cast %swap3A_481 : vector<1x16xf32> to vector<16xf32>
          %swap3A_483 = vector.shape_cast %mul3A_478 : vector<16xf32> to vector<1x16xf32>
          tpu.vector_store %arg13[%swap3A_479, %swap3A_480], %swap3A_483 {strides = array<i32>} : memref<256x128xf32, #tpu.memory_space<vmem>>, vector<1x16xf32>,
          %get3A_484 = arith.index_cast %add3A_385 : i32 to index
          %get3A_485 = arith.constant 112 : index
          %get3A_486 = tpu.vector_load %arg13[%get3A_484, %get3A_485] {strides = array<i32>} : memref<256x128xf32, #tpu.memory_space<vmem>>, vector<1x16xf32>,
          %get3A_487 = vector.shape_cast %get3A_486 : vector<1x16xf32> to vector<16xf32>
          %get3A_488 = arith.index_cast %add3A_385 : i32 to index
          %get3A_489 = arith.constant 112 : index
          %get3A_490 = tpu.vector_load %arg14[%get3A_488, %get3A_489] {strides = array<i32>} : memref<256x128xf32, #tpu.memory_space<vmem>>, vector<1x16xf32>,
          %get3A_491 = vector.shape_cast %get3A_490 : vector<1x16xf32> to vector<16xf32>
          %mul3A_492 = arith.mulf %get3A_487, %get3A_491 : vector<16xf32>
          %swap3A_493 = arith.index_cast %add3A_385 : i32 to index
          %swap3A_494 = arith.constant 112 : index
          %swap3A_495 = tpu.vector_load %arg13[%swap3A_493, %swap3A_494] {strides = array<i32>} : memref<256x128xf32, #tpu.memory_space<vmem>>, vector<1x16xf32>,
          %swap3A_496 = vector.shape_cast %swap3A_495 : vector<1x16xf32> to vector<16xf32>
          %swap3A_497 = vector.shape_cast %mul3A_492 : vector<16xf32> to vector<1x16xf32>
          tpu.vector_store %arg13[%swap3A_493, %swap3A_494], %swap3A_497 {strides = array<i32>} : memref<256x128xf32, #tpu.memory_space<vmem>>, vector<1x16xf32>,
        }
        %scan3A_85 = arith.constant 256 : i32
        %get3A = arith.constant 0 : index
        %get3A_86 = tpu.vector_load %arg9[%get3A] {strides = array<i32>} : memref<256xi32, #tpu.memory_space<vmem>>, vector<16xi32>,
        %get3A_87 = vector.shape_cast %get3A_86 : vector<16xi32> to vector<16xi32>
        %sub3A = vector.broadcast %add3A_34 : i32 to vector<16xi32>
        %sub3A_88 = arith.subi %get3A_87, %sub3A : vector<16xi32>
        %ge3A = arith.constant 0 : i32
        %ge3A_89 = vector.broadcast %ge3A : i32 to vector<16xi32>
        %ge3A_90 = arith.cmpi sge, %sub3A_88, %ge3A_89 : vector<16xi32>
        %lt3A = arith.constant 5120 : i32
        %lt3A_91 = vector.broadcast %lt3A : i32 to vector<16xi32>
        %lt3A_92 = arith.cmpi slt, %sub3A_88, %lt3A_91 : vector<16xi32>
        %and3A = arith.andi %ge3A_90, %lt3A_92 : vector<16xi1>
        %jit3A = arith.constant 5120 : i32
        %broadcast_in_dim3A = vector.broadcast %jit3A : i32 to vector<16xi32>
        %select_n3A = arith.select %and3A, %sub3A_88, %broadcast_in_dim3A : vector<16xi1>, vector<16xi32>
        %swap3A = arith.constant 0 : index
        %swap3A_93 = tpu.vector_load %arg12[%swap3A] {strides = array<i32>} : memref<256xi32, #tpu.memory_space<vmem>>, vector<16xi32>,
        %swap3A_94 = vector.shape_cast %swap3A_93 : vector<16xi32> to vector<16xi32>
        %swap3A_95 = vector.shape_cast %select_n3A : vector<16xi32> to vector<16xi32>
        tpu.vector_store %arg12[%swap3A], %swap3A_95 {strides = array<i32>} : memref<256xi32, #tpu.memory_space<vmem>>, vector<16xi32>,
        %get3A_96 = arith.constant 16 : index
        %get3A_97 = tpu.vector_load %arg9[%get3A_96] {strides = array<i32>} : memref<256xi32, #tpu.memory_space<vmem>>, vector<16xi32>,
        %get3A_98 = vector.shape_cast %get3A_97 : vector<16xi32> to vector<16xi32>
        %sub3A_99 = vector.broadcast %add3A_34 : i32 to vector<16xi32>
        %sub3A_100 = arith.subi %get3A_98, %sub3A_99 : vector<16xi32>
        %ge3A_101 = arith.constant 0 : i32
        %ge3A_102 = vector.broadcast %ge3A_101 : i32 to vector<16xi32>
        %ge3A_103 = arith.cmpi sge, %sub3A_100, %ge3A_102 : vector<16xi32>
        %lt3A_104 = arith.constant 5120 : i32
        %lt3A_105 = vector.broadcast %lt3A_104 : i32 to vector<16xi32>
        %lt3A_106 = arith.cmpi slt, %sub3A_100, %lt3A_105 : vector<16xi32>
        %and3A_107 = arith.andi %ge3A_103, %lt3A_106 : vector<16xi1>
        %jit3A_108 = arith.constant 5120 : i32
        %broadcast_in_dim3A_109 = vector.broadcast %jit3A_108 : i32 to vector<16xi32>
        %select_n3A_110 = arith.select %and3A_107, %sub3A_100, %broadcast_in_dim3A_109 : vector<16xi1>, vector<16xi32>
        %swap3A_111 = arith.constant 16 : index
        %swap3A_112 = tpu.vector_load %arg12[%swap3A_111] {strides = array<i32>} : memref<256xi32, #tpu.memory_space<vmem>>, vector<16xi32>,
        %swap3A_113 = vector.shape_cast %swap3A_112 : vector<16xi32> to vector<16xi32>
        %swap3A_114 = vector.shape_cast %select_n3A_110 : vector<16xi32> to vector<16xi32>
        tpu.vector_store %arg12[%swap3A_111], %swap3A_114 {strides = array<i32>} : memref<256xi32, #tpu.memory_space<vmem>>, vector<16xi32>,
        %get3A_115 = arith.constant 32 : index
        %get3A_116 = tpu.vector_load %arg9[%get3A_115] {strides = array<i32>} : memref<256xi32, #tpu.memory_space<vmem>>, vector<16xi32>,
        %get3A_117 = vector.shape_cast %get3A_116 : vector<16xi32> to vector<16xi32>
        %sub3A_118 = vector.broadcast %add3A_34 : i32 to vector<16xi32>
        %sub3A_119 = arith.subi %get3A_117, %sub3A_118 : vector<16xi32>
        %ge3A_120 = arith.constant 0 : i32
        %ge3A_121 = vector.broadcast %ge3A_120 : i32 to vector<16xi32>
        %ge3A_122 = arith.cmpi sge, %sub3A_119, %ge3A_121 : vector<16xi32>
        %lt3A_123 = arith.constant 5120 : i32
        %lt3A_124 = vector.broadcast %lt3A_123 : i32 to vector<16xi32>
        %lt3A_125 = arith.cmpi slt, %sub3A_119, %lt3A_124 : vector<16xi32>
        %and3A_126 = arith.andi %ge3A_122, %lt3A_125 : vector<16xi1>
        %jit3A_127 = arith.constant 5120 : i32
        %broadcast_in_dim3A_128 = vector.broadcast %jit3A_127 : i32 to vector<16xi32>
        %select_n3A_129 = arith.select %and3A_126, %sub3A_119, %broadcast_in_dim3A_128 : vector<16xi1>, vector<16xi32>
        %swap3A_130 = arith.constant 32 : index
        %swap3A_131 = tpu.vector_load %arg12[%swap3A_130] {strides = array<i32>} : memref<256xi32, #tpu.memory_space<vmem>>, vector<16xi32>,
        %swap3A_132 = vector.shape_cast %swap3A_131 : vector<16xi32> to vector<16xi32>
        %swap3A_133 = vector.shape_cast %select_n3A_129 : vector<16xi32> to vector<16xi32>
        tpu.vector_store %arg12[%swap3A_130], %swap3A_133 {strides = array<i32>} : memref<256xi32, #tpu.memory_space<vmem>>, vector<16xi32>,
        %get3A_134 = arith.constant 48 : index
        %get3A_135 = tpu.vector_load %arg9[%get3A_134] {strides = array<i32>} : memref<256xi32, #tpu.memory_space<vmem>>, vector<16xi32>,
        %get3A_136 = vector.shape_cast %get3A_135 : vector<16xi32> to vector<16xi32>
        %sub3A_137 = vector.broadcast %add3A_34 : i32 to vector<16xi32>
        %sub3A_138 = arith.subi %get3A_136, %sub3A_137 : vector<16xi32>
        %ge3A_139 = arith.constant 0 : i32
        %ge3A_140 = vector.broadcast %ge3A_139 : i32 to vector<16xi32>
        %ge3A_141 = arith.cmpi sge, %sub3A_138, %ge3A_140 : vector<16xi32>
        %lt3A_142 = arith.constant 5120 : i32
        %lt3A_143 = vector.broadcast %lt3A_142 : i32 to vector<16xi32>
        %lt3A_144 = arith.cmpi slt, %sub3A_138, %lt3A_143 : vector<16xi32>
        %and3A_145 = arith.andi %ge3A_141, %lt3A_144 : vector<16xi1>
        %jit3A_146 = arith.constant 5120 : i32
        %broadcast_in_dim3A_147 = vector.broadcast %jit3A_146 : i32 to vector<16xi32>
        %select_n3A_148 = arith.select %and3A_145, %sub3A_138, %broadcast_in_dim3A_147 : vector<16xi1>, vector<16xi32>
        %swap3A_149 = arith.constant 48 : index
        %swap3A_150 = tpu.vector_load %arg12[%swap3A_149] {strides = array<i32>} : memref<256xi32, #tpu.memory_space<vmem>>, vector<16xi32>,
        %swap3A_151 = vector.shape_cast %swap3A_150 : vector<16xi32> to vector<16xi32>
        %swap3A_152 = vector.shape_cast %select_n3A_148 : vector<16xi32> to vector<16xi32>
        tpu.vector_store %arg12[%swap3A_149], %swap3A_152 {strides = array<i32>} : memref<256xi32, #tpu.memory_space<vmem>>, vector<16xi32>,
        %get3A_153 = arith.constant 64 : index
        %get3A_154 = tpu.vector_load %arg9[%get3A_153] {strides = array<i32>} : memref<256xi32, #tpu.memory_space<vmem>>, vector<16xi32>,
        %get3A_155 = vector.shape_cast %get3A_154 : vector<16xi32> to vector<16xi32>
        %sub3A_156 = vector.broadcast %add3A_34 : i32 to vector<16xi32>
        %sub3A_157 = arith.subi %get3A_155, %sub3A_156 : vector<16xi32>
        %ge3A_158 = arith.constant 0 : i32
        %ge3A_159 = vector.broadcast %ge3A_158 : i32 to vector<16xi32>
        %ge3A_160 = arith.cmpi sge, %sub3A_157, %ge3A_159 : vector<16xi32>
        %lt3A_161 = arith.constant 5120 : i32
        %lt3A_162 = vector.broadcast %lt3A_161 : i32 to vector<16xi32>
        %lt3A_163 = arith.cmpi slt, %sub3A_157, %lt3A_162 : vector<16xi32>
        %and3A_164 = arith.andi %ge3A_160, %lt3A_163 : vector<16xi1>
        %jit3A_165 = arith.constant 5120 : i32
        %broadcast_in_dim3A_166 = vector.broadcast %jit3A_165 : i32 to vector<16xi32>
        %select_n3A_167 = arith.select %and3A_164, %sub3A_157, %broadcast_in_dim3A_166 : vector<16xi1>, vector<16xi32>
        %swap3A_168 = arith.constant 64 : index
        %swap3A_169 = tpu.vector_load %arg12[%swap3A_168] {strides = array<i32>} : memref<256xi32, #tpu.memory_space<vmem>>, vector<16xi32>,
        %swap3A_170 = vector.shape_cast %swap3A_169 : vector<16xi32> to vector<16xi32>
        %swap3A_171 = vector.shape_cast %select_n3A_167 : vector<16xi32> to vector<16xi32>
        tpu.vector_store %arg12[%swap3A_168], %swap3A_171 {strides = array<i32>} : memref<256xi32, #tpu.memory_space<vmem>>, vector<16xi32>,
        %get3A_172 = arith.constant 80 : index
        %get3A_173 = tpu.vector_load %arg9[%get3A_172] {strides = array<i32>} : memref<256xi32, #tpu.memory_space<vmem>>, vector<16xi32>,
        %get3A_174 = vector.shape_cast %get3A_173 : vector<16xi32> to vector<16xi32>
        %sub3A_175 = vector.broadcast %add3A_34 : i32 to vector<16xi32>
        %sub3A_176 = arith.subi %get3A_174, %sub3A_175 : vector<16xi32>
        %ge3A_177 = arith.constant 0 : i32
        %ge3A_178 = vector.broadcast %ge3A_177 : i32 to vector<16xi32>
        %ge3A_179 = arith.cmpi sge, %sub3A_176, %ge3A_178 : vector<16xi32>
        %lt3A_180 = arith.constant 5120 : i32
        %lt3A_181 = vector.broadcast %lt3A_180 : i32 to vector<16xi32>
        %lt3A_182 = arith.cmpi slt, %sub3A_176, %lt3A_181 : vector<16xi32>
        %and3A_183 = arith.andi %ge3A_179, %lt3A_182 : vector<16xi1>
        %jit3A_184 = arith.constant 5120 : i32
        %broadcast_in_dim3A_185 = vector.broadcast %jit3A_184 : i32 to vector<16xi32>
        %select_n3A_186 = arith.select %and3A_183, %sub3A_176, %broadcast_in_dim3A_185 : vector<16xi1>, vector<16xi32>
        %swap3A_187 = arith.constant 80 : index
        %swap3A_188 = tpu.vector_load %arg12[%swap3A_187] {strides = array<i32>} : memref<256xi32, #tpu.memory_space<vmem>>, vector<16xi32>,
        %swap3A_189 = vector.shape_cast %swap3A_188 : vector<16xi32> to vector<16xi32>
        %swap3A_190 = vector.shape_cast %select_n3A_186 : vector<16xi32> to vector<16xi32>
        tpu.vector_store %arg12[%swap3A_187], %swap3A_190 {strides = array<i32>} : memref<256xi32, #tpu.memory_space<vmem>>, vector<16xi32>,
        %get3A_191 = arith.constant 96 : index
        %get3A_192 = tpu.vector_load %arg9[%get3A_191] {strides = array<i32>} : memref<256xi32, #tpu.memory_space<vmem>>, vector<16xi32>,
        %get3A_193 = vector.shape_cast %get3A_192 : vector<16xi32> to vector<16xi32>
        %sub3A_194 = vector.broadcast %add3A_34 : i32 to vector<16xi32>
        %sub3A_195 = arith.subi %get3A_193, %sub3A_194 : vector<16xi32>
        %ge3A_196 = arith.constant 0 : i32
        %ge3A_197 = vector.broadcast %ge3A_196 : i32 to vector<16xi32>
        %ge3A_198 = arith.cmpi sge, %sub3A_195, %ge3A_197 : vector<16xi32>
        %lt3A_199 = arith.constant 5120 : i32
        %lt3A_200 = vector.broadcast %lt3A_199 : i32 to vector<16xi32>
        %lt3A_201 = arith.cmpi slt, %sub3A_195, %lt3A_200 : vector<16xi32>
        %and3A_202 = arith.andi %ge3A_198, %lt3A_201 : vector<16xi1>
        %jit3A_203 = arith.constant 5120 : i32
        %broadcast_in_dim3A_204 = vector.broadcast %jit3A_203 : i32 to vector<16xi32>
        %select_n3A_205 = arith.select %and3A_202, %sub3A_195, %broadcast_in_dim3A_204 : vector<16xi1>, vector<16xi32>
        %swap3A_206 = arith.constant 96 : index
        %swap3A_207 = tpu.vector_load %arg12[%swap3A_206] {strides = array<i32>} : memref<256xi32, #tpu.memory_space<vmem>>, vector<16xi32>,
        %swap3A_208 = vector.shape_cast %swap3A_207 : vector<16xi32> to vector<16xi32>
        %swap3A_209 = vector.shape_cast %select_n3A_205 : vector<16xi32> to vector<16xi32>
        tpu.vector_store %arg12[%swap3A_206], %swap3A_209 {strides = array<i32>} : memref<256xi32, #tpu.memory_space<vmem>>, vector<16xi32>,
        %get3A_210 = arith.constant 112 : index
        %get3A_211 = tpu.vector_load %arg9[%get3A_210] {strides = array<i32>} : memref<256xi32, #tpu.memory_space<vmem>>, vector<16xi32>,
        %get3A_212 = vector.shape_cast %get3A_211 : vector<16xi32> to vector<16xi32>
        %sub3A_213 = vector.broadcast %add3A_34 : i32 to vector<16xi32>
        %sub3A_214 = arith.subi %get3A_212, %sub3A_213 : vector<16xi32>
        %ge3A_215 = arith.constant 0 : i32
        %ge3A_216 = vector.broadcast %ge3A_215 : i32 to vector<16xi32>
        %ge3A_217 = arith.cmpi sge, %sub3A_214, %ge3A_216 : vector<16xi32>
        %lt3A_218 = arith.constant 5120 : i32
        %lt3A_219 = vector.broadcast %lt3A_218 : i32 to vector<16xi32>
        %lt3A_220 = arith.cmpi slt, %sub3A_214, %lt3A_219 : vector<16xi32>
        %and3A_221 = arith.andi %ge3A_217, %lt3A_220 : vector<16xi1>
        %jit3A_222 = arith.constant 5120 : i32
        %broadcast_in_dim3A_223 = vector.broadcast %jit3A_222 : i32 to vector<16xi32>
        %select_n3A_224 = arith.select %and3A_221, %sub3A_214, %broadcast_in_dim3A_223 : vector<16xi1>, vector<16xi32>
        %swap3A_225 = arith.constant 112 : index
        %swap3A_226 = tpu.vector_load %arg12[%swap3A_225] {strides = array<i32>} : memref<256xi32, #tpu.memory_space<vmem>>, vector<16xi32>,
        %swap3A_227 = vector.shape_cast %swap3A_226 : vector<16xi32> to vector<16xi32>
        %swap3A_228 = vector.shape_cast %select_n3A_224 : vector<16xi32> to vector<16xi32>
        tpu.vector_store %arg12[%swap3A_225], %swap3A_228 {strides = array<i32>} : memref<256xi32, #tpu.memory_space<vmem>>, vector<16xi32>,
        %get3A_229 = arith.constant 128 : index
        %get3A_230 = tpu.vector_load %arg9[%get3A_229] {strides = array<i32>} : memref<256xi32, #tpu.memory_space<vmem>>, vector<16xi32>,
        %get3A_231 = vector.shape_cast %get3A_230 : vector<16xi32> to vector<16xi32>
        %sub3A_232 = vector.broadcast %add3A_34 : i32 to vector<16xi32>
        %sub3A_233 = arith.subi %get3A_231, %sub3A_232 : vector<16xi32>
        %ge3A_234 = arith.constant 0 : i32
        %ge3A_235 = vector.broadcast %ge3A_234 : i32 to vector<16xi32>
        %ge3A_236 = arith.cmpi sge, %sub3A_233, %ge3A_235 : vector<16xi32>
        %lt3A_237 = arith.constant 5120 : i32
        %lt3A_238 = vector.broadcast %lt3A_237 : i32 to vector<16xi32>
        %lt3A_239 = arith.cmpi slt, %sub3A_233, %lt3A_238 : vector<16xi32>
        %and3A_240 = arith.andi %ge3A_236, %lt3A_239 : vector<16xi1>
        %jit3A_241 = arith.constant 5120 : i32
        %broadcast_in_dim3A_242 = vector.broadcast %jit3A_241 : i32 to vector<16xi32>
        %select_n3A_243 = arith.select %and3A_240, %sub3A_233, %broadcast_in_dim3A_242 : vector<16xi1>, vector<16xi32>
        %swap3A_244 = arith.constant 128 : index
        %swap3A_245 = tpu.vector_load %arg12[%swap3A_244] {strides = array<i32>} : memref<256xi32, #tpu.memory_space<vmem>>, vector<16xi32>,
        %swap3A_246 = vector.shape_cast %swap3A_245 : vector<16xi32> to vector<16xi32>
        %swap3A_247 = vector.shape_cast %select_n3A_243 : vector<16xi32> to vector<16xi32>
        tpu.vector_store %arg12[%swap3A_244], %swap3A_247 {strides = array<i32>} : memref<256xi32, #tpu.memory_space<vmem>>, vector<16xi32>,
        %get3A_248 = arith.constant 144 : index
        %get3A_249 = tpu.vector_load %arg9[%get3A_248] {strides = array<i32>} : memref<256xi32, #tpu.memory_space<vmem>>, vector<16xi32>,
        %get3A_250 = vector.shape_cast %get3A_249 : vector<16xi32> to vector<16xi32>
        %sub3A_251 = vector.broadcast %add3A_34 : i32 to vector<16xi32>
        %sub3A_252 = arith.subi %get3A_250, %sub3A_251 : vector<16xi32>
        %ge3A_253 = arith.constant 0 : i32
        %ge3A_254 = vector.broadcast %ge3A_253 : i32 to vector<16xi32>
        %ge3A_255 = arith.cmpi sge, %sub3A_252, %ge3A_254 : vector<16xi32>
        %lt3A_256 = arith.constant 5120 : i32
        %lt3A_257 = vector.broadcast %lt3A_256 : i32 to vector<16xi32>
        %lt3A_258 = arith.cmpi slt, %sub3A_252, %lt3A_257 : vector<16xi32>
        %and3A_259 = arith.andi %ge3A_255, %lt3A_258 : vector<16xi1>
        %jit3A_260 = arith.constant 5120 : i32
        %broadcast_in_dim3A_261 = vector.broadcast %jit3A_260 : i32 to vector<16xi32>
        %select_n3A_262 = arith.select %and3A_259, %sub3A_252, %broadcast_in_dim3A_261 : vector<16xi1>, vector<16xi32>
        %swap3A_263 = arith.constant 144 : index
        %swap3A_264 = tpu.vector_load %arg12[%swap3A_263] {strides = array<i32>} : memref<256xi32, #tpu.memory_space<vmem>>, vector<16xi32>,
        %swap3A_265 = vector.shape_cast %swap3A_264 : vector<16xi32> to vector<16xi32>
        %swap3A_266 = vector.shape_cast %select_n3A_262 : vector<16xi32> to vector<16xi32>
        tpu.vector_store %arg12[%swap3A_263], %swap3A_266 {strides = array<i32>} : memref<256xi32, #tpu.memory_space<vmem>>, vector<16xi32>,
        %get3A_267 = arith.constant 160 : index
        %get3A_268 = tpu.vector_load %arg9[%get3A_267] {strides = array<i32>} : memref<256xi32, #tpu.memory_space<vmem>>, vector<16xi32>,
        %get3A_269 = vector.shape_cast %get3A_268 : vector<16xi32> to vector<16xi32>
        %sub3A_270 = vector.broadcast %add3A_34 : i32 to vector<16xi32>
        %sub3A_271 = arith.subi %get3A_269, %sub3A_270 : vector<16xi32>
        %ge3A_272 = arith.constant 0 : i32
        %ge3A_273 = vector.broadcast %ge3A_272 : i32 to vector<16xi32>
        %ge3A_274 = arith.cmpi sge, %sub3A_271, %ge3A_273 : vector<16xi32>
        %lt3A_275 = arith.constant 5120 : i32
        %lt3A_276 = vector.broadcast %lt3A_275 : i32 to vector<16xi32>
        %lt3A_277 = arith.cmpi slt, %sub3A_271, %lt3A_276 : vector<16xi32>
        %and3A_278 = arith.andi %ge3A_274, %lt3A_277 : vector<16xi1>
        %jit3A_279 = arith.constant 5120 : i32
        %broadcast_in_dim3A_280 = vector.broadcast %jit3A_279 : i32 to vector<16xi32>
        %select_n3A_281 = arith.select %and3A_278, %sub3A_271, %broadcast_in_dim3A_280 : vector<16xi1>, vector<16xi32>
        %swap3A_282 = arith.constant 160 : index
        %swap3A_283 = tpu.vector_load %arg12[%swap3A_282] {strides = array<i32>} : memref<256xi32, #tpu.memory_space<vmem>>, vector<16xi32>,
        %swap3A_284 = vector.shape_cast %swap3A_283 : vector<16xi32> to vector<16xi32>
        %swap3A_285 = vector.shape_cast %select_n3A_281 : vector<16xi32> to vector<16xi32>
        tpu.vector_store %arg12[%swap3A_282], %swap3A_285 {strides = array<i32>} : memref<256xi32, #tpu.memory_space<vmem>>, vector<16xi32>,
        %get3A_286 = arith.constant 176 : index
        %get3A_287 = tpu.vector_load %arg9[%get3A_286] {strides = array<i32>} : memref<256xi32, #tpu.memory_space<vmem>>, vector<16xi32>,
        %get3A_288 = vector.shape_cast %get3A_287 : vector<16xi32> to vector<16xi32>
        %sub3A_289 = vector.broadcast %add3A_34 : i32 to vector<16xi32>
        %sub3A_290 = arith.subi %get3A_288, %sub3A_289 : vector<16xi32>
        %ge3A_291 = arith.constant 0 : i32
        %ge3A_292 = vector.broadcast %ge3A_291 : i32 to vector<16xi32>
        %ge3A_293 = arith.cmpi sge, %sub3A_290, %ge3A_292 : vector<16xi32>
        %lt3A_294 = arith.constant 5120 : i32
        %lt3A_295 = vector.broadcast %lt3A_294 : i32 to vector<16xi32>
        %lt3A_296 = arith.cmpi slt, %sub3A_290, %lt3A_295 : vector<16xi32>
        %and3A_297 = arith.andi %ge3A_293, %lt3A_296 : vector<16xi1>
        %jit3A_298 = arith.constant 5120 : i32
        %broadcast_in_dim3A_299 = vector.broadcast %jit3A_298 : i32 to vector<16xi32>
        %select_n3A_300 = arith.select %and3A_297, %sub3A_290, %broadcast_in_dim3A_299 : vector<16xi1>, vector<16xi32>
        %swap3A_301 = arith.constant 176 : index
        %swap3A_302 = tpu.vector_load %arg12[%swap3A_301] {strides = array<i32>} : memref<256xi32, #tpu.memory_space<vmem>>, vector<16xi32>,
        %swap3A_303 = vector.shape_cast %swap3A_302 : vector<16xi32> to vector<16xi32>
        %swap3A_304 = vector.shape_cast %select_n3A_300 : vector<16xi32> to vector<16xi32>
        tpu.vector_store %arg12[%swap3A_301], %swap3A_304 {strides = array<i32>} : memref<256xi32, #tpu.memory_space<vmem>>, vector<16xi32>,
        %get3A_305 = arith.constant 192 : index
        %get3A_306 = tpu.vector_load %arg9[%get3A_305] {strides = array<i32>} : memref<256xi32, #tpu.memory_space<vmem>>, vector<16xi32>,
        %get3A_307 = vector.shape_cast %get3A_306 : vector<16xi32> to vector<16xi32>
        %sub3A_308 = vector.broadcast %add3A_34 : i32 to vector<16xi32>
        %sub3A_309 = arith.subi %get3A_307, %sub3A_308 : vector<16xi32>
        %ge3A_310 = arith.constant 0 : i32
        %ge3A_311 = vector.broadcast %ge3A_310 : i32 to vector<16xi32>
        %ge3A_312 = arith.cmpi sge, %sub3A_309, %ge3A_311 : vector<16xi32>
        %lt3A_313 = arith.constant 5120 : i32
        %lt3A_314 = vector.broadcast %lt3A_313 : i32 to vector<16xi32>
        %lt3A_315 = arith.cmpi slt, %sub3A_309, %lt3A_314 : vector<16xi32>
        %and3A_316 = arith.andi %ge3A_312, %lt3A_315 : vector<16xi1>
        %jit3A_317 = arith.constant 5120 : i32
        %broadcast_in_dim3A_318 = vector.broadcast %jit3A_317 : i32 to vector<16xi32>
        %select_n3A_319 = arith.select %and3A_316, %sub3A_309, %broadcast_in_dim3A_318 : vector<16xi1>, vector<16xi32>
        %swap3A_320 = arith.constant 192 : index
        %swap3A_321 = tpu.vector_load %arg12[%swap3A_320] {strides = array<i32>} : memref<256xi32, #tpu.memory_space<vmem>>, vector<16xi32>,
        %swap3A_322 = vector.shape_cast %swap3A_321 : vector<16xi32> to vector<16xi32>
        %swap3A_323 = vector.shape_cast %select_n3A_319 : vector<16xi32> to vector<16xi32>
        tpu.vector_store %arg12[%swap3A_320], %swap3A_323 {strides = array<i32>} : memref<256xi32, #tpu.memory_space<vmem>>, vector<16xi32>,
        %get3A_324 = arith.constant 208 : index
        %get3A_325 = tpu.vector_load %arg9[%get3A_324] {strides = array<i32>} : memref<256xi32, #tpu.memory_space<vmem>>, vector<16xi32>,
        %get3A_326 = vector.shape_cast %get3A_325 : vector<16xi32> to vector<16xi32>
        %sub3A_327 = vector.broadcast %add3A_34 : i32 to vector<16xi32>
        %sub3A_328 = arith.subi %get3A_326, %sub3A_327 : vector<16xi32>
        %ge3A_329 = arith.constant 0 : i32
        %ge3A_330 = vector.broadcast %ge3A_329 : i32 to vector<16xi32>
        %ge3A_331 = arith.cmpi sge, %sub3A_328, %ge3A_330 : vector<16xi32>
        %lt3A_332 = arith.constant 5120 : i32
        %lt3A_333 = vector.broadcast %lt3A_332 : i32 to vector<16xi32>
        %lt3A_334 = arith.cmpi slt, %sub3A_328, %lt3A_333 : vector<16xi32>
        %and3A_335 = arith.andi %ge3A_331, %lt3A_334 : vector<16xi1>
        %jit3A_336 = arith.constant 5120 : i32
        %broadcast_in_dim3A_337 = vector.broadcast %jit3A_336 : i32 to vector<16xi32>
        %select_n3A_338 = arith.select %and3A_335, %sub3A_328, %broadcast_in_dim3A_337 : vector<16xi1>, vector<16xi32>
        %swap3A_339 = arith.constant 208 : index
        %swap3A_340 = tpu.vector_load %arg12[%swap3A_339] {strides = array<i32>} : memref<256xi32, #tpu.memory_space<vmem>>, vector<16xi32>,
        %swap3A_341 = vector.shape_cast %swap3A_340 : vector<16xi32> to vector<16xi32>
        %swap3A_342 = vector.shape_cast %select_n3A_338 : vector<16xi32> to vector<16xi32>
        tpu.vector_store %arg12[%swap3A_339], %swap3A_342 {strides = array<i32>} : memref<256xi32, #tpu.memory_space<vmem>>, vector<16xi32>,
        %get3A_343 = arith.constant 224 : index
        %get3A_344 = tpu.vector_load %arg9[%get3A_343] {strides = array<i32>} : memref<256xi32, #tpu.memory_space<vmem>>, vector<16xi32>,
        %get3A_345 = vector.shape_cast %get3A_344 : vector<16xi32> to vector<16xi32>
        %sub3A_346 = vector.broadcast %add3A_34 : i32 to vector<16xi32>
        %sub3A_347 = arith.subi %get3A_345, %sub3A_346 : vector<16xi32>
        %ge3A_348 = arith.constant 0 : i32
        %ge3A_349 = vector.broadcast %ge3A_348 : i32 to vector<16xi32>
        %ge3A_350 = arith.cmpi sge, %sub3A_347, %ge3A_349 : vector<16xi32>
        %lt3A_351 = arith.constant 5120 : i32
        %lt3A_352 = vector.broadcast %lt3A_351 : i32 to vector<16xi32>
        %lt3A_353 = arith.cmpi slt, %sub3A_347, %lt3A_352 : vector<16xi32>
        %and3A_354 = arith.andi %ge3A_350, %lt3A_353 : vector<16xi1>
        %jit3A_355 = arith.constant 5120 : i32
        %broadcast_in_dim3A_356 = vector.broadcast %jit3A_355 : i32 to vector<16xi32>
        %select_n3A_357 = arith.select %and3A_354, %sub3A_347, %broadcast_in_dim3A_356 : vector<16xi1>, vector<16xi32>
        %swap3A_358 = arith.constant 224 : index
        %swap3A_359 = tpu.vector_load %arg12[%swap3A_358] {strides = array<i32>} : memref<256xi32, #tpu.memory_space<vmem>>, vector<16xi32>,
        %swap3A_360 = vector.shape_cast %swap3A_359 : vector<16xi32> to vector<16xi32>
        %swap3A_361 = vector.shape_cast %select_n3A_357 : vector<16xi32> to vector<16xi32>
        tpu.vector_store %arg12[%swap3A_358], %swap3A_361 {strides = array<i32>} : memref<256xi32, #tpu.memory_space<vmem>>, vector<16xi32>,
        %get3A_362 = arith.constant 240 : index
        %get3A_363 = tpu.vector_load %arg9[%get3A_362] {strides = array<i32>} : memref<256xi32, #tpu.memory_space<vmem>>, vector<16xi32>,
        %get3A_364 = vector.shape_cast %get3A_363 : vector<16xi32> to vector<16xi32>
        %sub3A_365 = vector.broadcast %add3A_34 : i32 to vector<16xi32>
        %sub3A_366 = arith.subi %get3A_364, %sub3A_365 : vector<16xi32>
        %ge3A_367 = arith.constant 0 : i32
        %ge3A_368 = vector.broadcast %ge3A_367 : i32 to vector<16xi32>
        %ge3A_369 = arith.cmpi sge, %sub3A_366, %ge3A_368 : vector<16xi32>
        %lt3A_370 = arith.constant 5120 : i32
        %lt3A_371 = vector.broadcast %lt3A_370 : i32 to vector<16xi32>
        %lt3A_372 = arith.cmpi slt, %sub3A_366, %lt3A_371 : vector<16xi32>
        %and3A_373 = arith.andi %ge3A_369, %lt3A_372 : vector<16xi1>
        %jit3A_374 = arith.constant 5120 : i32
        %broadcast_in_dim3A_375 = vector.broadcast %jit3A_374 : i32 to vector<16xi32>
        %select_n3A_376 = arith.select %and3A_373, %sub3A_366, %broadcast_in_dim3A_375 : vector<16xi1>, vector<16xi32>
        %swap3A_377 = arith.constant 240 : index
        %swap3A_378 = tpu.vector_load %arg12[%swap3A_377] {strides = array<i32>} : memref<256xi32, #tpu.memory_space<vmem>>, vector<16xi32>,
        %swap3A_379 = vector.shape_cast %swap3A_378 : vector<16xi32> to vector<16xi32>
        %swap3A_380 = vector.shape_cast %select_n3A_376 : vector<16xi32> to vector<16xi32>
        tpu.vector_store %arg12[%swap3A_377], %swap3A_380 {strides = array<i32>} : memref<256xi32, #tpu.memory_space<vmem>>, vector<16xi32>,
        "tpu.region"() ({
          %run_scoped3A = tpu.sem_alloc : memref<!tpu.dma_semaphore, #tpu.memory_space<semaphore_mem>>
          %dma_start3A_381 = arith.constant 0 : i32
          %dma_start3A_382 = arith.constant 0 : i32
          %dma_start3A_383 = tpu.memref_slice %arg16[%dma_start3A_381, %dma_start3A_382] : memref<5136x128xf32, #tpu.memory_space<vmem_shared>> -> memref<5136x128xf32, #tpu.memory_space<vmem_shared>>
          tpu.enqueue_indirect_dma source(%arg13 : memref<256x128xf32, #tpu.memory_space<vmem>>) target(%dma_start3A_383 : memref<5136x128xf32, #tpu.memory_space<vmem_shared>>) offsets(%arg12 : memref<256xi32, #tpu.memory_space<vmem>>) semaphore(%run_scoped3A : memref<!tpu.dma_semaphore, #tpu.memory_space<semaphore_mem>>) {add = true}
          %dma_wait3A_384 = arith.constant 0 : i32
          %dma_wait3A_385 = arith.constant 0 : i32
          %dma_wait3A_386 = tpu.memref_slice %arg16[%dma_wait3A_384, %dma_wait3A_385] : memref<5136x128xf32, #tpu.memory_space<vmem_shared>> -> memref<5136x128xf32, #tpu.memory_space<vmem_shared>>
          tpu.wait_indirect_dma semaphore(%run_scoped3A : memref<!tpu.dma_semaphore, #tpu.memory_space<semaphore_mem>>) src(%arg13 : memref<256x128xf32, #tpu.memory_space<vmem>>) dst(%dma_wait3A_386 : memref<5136x128xf32, #tpu.memory_space<vmem_shared>>)
          tpu.yield
        }) : () -> ()
      }
      %scan3A_39 = arith.constant 147 : i32
      %barrier3A_40 = arith.constant 0 : index
      tpu.barrier barrier_id(%barrier3A_40)
      %mul3A_41 = arith.constant 10240 : i32
      %mul3A_42 = arith.muli %add3A_29, %mul3A_41 : i32
      %mul3A_43 = arith.constant 5120 : i32
      %mul3A_44 = arith.muli %arg0, %mul3A_43 : i32
      %add3A_45 = arith.addi %mul3A_42, %mul3A_44 : i32
      %mul3A_46 = arith.constant 320 : i32
      %mul3A_47 = arith.muli %arg1, %mul3A_46 : i32
      %add3A_48 = arith.addi %add3A_45, %mul3A_47 : i32
      %mul3A_49 = arith.constant 320 : i32
      %mul3A_50 = arith.muli %arg1, %mul3A_49 : i32
      "tpu.region"() ({
        %run_scoped3A = tpu.sem_alloc : memref<!tpu.dma_semaphore, #tpu.memory_space<semaphore_mem>>
        %dma_start3A = arith.constant 0 : i32
        %dma_start3A_61 = tpu.memref_slice %arg7[%add3A_48, %dma_start3A] : memref<112640x128xf32, #tpu.memory_space<hbm>> -> memref<320x128xf32, #tpu.memory_space<hbm>>
        %dma_start3A_62 = arith.constant 0 : i32
        %dma_start3A_63 = tpu.memref_slice %arg16[%mul3A_50, %dma_start3A_62] : memref<5136x128xf32, #tpu.memory_space<vmem_shared>> -> memref<320x128xf32, #tpu.memory_space<vmem_shared>>
        tpu.enqueue_dma source(%dma_start3A_63 : memref<320x128xf32, #tpu.memory_space<vmem_shared>>) target(%dma_start3A_61 : memref<320x128xf32, #tpu.memory_space<hbm>>) target_semaphore(%run_scoped3A : memref<!tpu.dma_semaphore, #tpu.memory_space<semaphore_mem>>)
        %dma_wait3A = arith.constant 0 : i32
        %dma_wait3A_64 = tpu.memref_slice %arg7[%add3A_48, %dma_wait3A] : memref<112640x128xf32, #tpu.memory_space<hbm>> -> memref<320x128xf32, #tpu.memory_space<hbm>>
        %dma_wait3A_65 = arith.constant 0 : i32
        %dma_wait3A_66 = tpu.memref_slice %arg16[%mul3A_50, %dma_wait3A_65] : memref<5136x128xf32, #tpu.memory_space<vmem_shared>> -> memref<320x128xf32, #tpu.memory_space<vmem_shared>>
        tpu.wait_dma2 semaphore(%run_scoped3A : memref<!tpu.dma_semaphore, #tpu.memory_space<semaphore_mem>>) src(%dma_wait3A_66 : memref<320x128xf32, #tpu.memory_space<vmem_shared>>) dst(%dma_wait3A_64 : memref<320x128xf32, #tpu.memory_space<hbm>>)
        tpu.yield
      }) : () -> ()
      %barrier3A_51 = arith.constant 0 : index
      tpu.barrier barrier_id(%barrier3A_51)
      %mul3A_52 = arith.constant 320 : i32
      %mul3A_53 = arith.muli %arg1, %mul3A_52 : i32
      %add3A_54 = arith.constant 0 : i32
      %add3A_55 = arith.addi %mul3A_53, %add3A_54 : i32
      "tpu.region"() ({
        %run_scoped3A = tpu.sem_alloc : memref<!tpu.dma_semaphore, #tpu.memory_space<semaphore_mem>>
        %dma_start3A = arith.constant 0 : i32
        %dma_start3A_61 = tpu.memref_slice %arg16[%add3A_55, %dma_start3A] : memref<5136x128xf32, #tpu.memory_space<vmem_shared>> -> memref<160x128xf32, #tpu.memory_space<vmem_shared>>
        %dma_start3A_62 = arith.constant 0 : i32
        %dma_start3A_63 = tpu.memref_slice %arg16[%add3A_55, %dma_start3A_62] : memref<5136x128xf32, #tpu.memory_space<vmem_shared>> -> memref<160x128xf32, #tpu.memory_space<vmem_shared>>
        tpu.enqueue_dma source(%arg15 : memref<160x128xf32, #tpu.memory_space<vmem>>) target(%dma_start3A_63 : memref<160x128xf32, #tpu.memory_space<vmem_shared>>) target_semaphore(%run_scoped3A : memref<!tpu.dma_semaphore, #tpu.memory_space<semaphore_mem>>)
        %dma_wait3A = arith.constant 0 : i32
        %dma_wait3A_64 = tpu.memref_slice %arg16[%add3A_55, %dma_wait3A] : memref<5136x128xf32, #tpu.memory_space<vmem_shared>> -> memref<160x128xf32, #tpu.memory_space<vmem_shared>>
        %dma_wait3A_65 = arith.constant 0 : i32
        %dma_wait3A_66 = tpu.memref_slice %arg16[%add3A_55, %dma_wait3A_65] : memref<5136x128xf32, #tpu.memory_space<vmem_shared>> -> memref<160x128xf32, #tpu.memory_space<vmem_shared>>
        tpu.wait_dma2 semaphore(%run_scoped3A : memref<!tpu.dma_semaphore, #tpu.memory_space<semaphore_mem>>) src(%arg15 : memref<160x128xf32, #tpu.memory_space<vmem>>) dst(%dma_wait3A_66 : memref<160x128xf32, #tpu.memory_space<vmem_shared>>)
        tpu.yield
      }) : () -> ()
      %mul3A_56 = arith.constant 320 : i32
      %mul3A_57 = arith.muli %arg1, %mul3A_56 : i32
      %add3A_58 = arith.constant 160 : i32
      %add3A_59 = arith.addi %mul3A_57, %add3A_58 : i32
      "tpu.region"() ({
        %run_scoped3A = tpu.sem_alloc : memref<!tpu.dma_semaphore, #tpu.memory_space<semaphore_mem>>
        %dma_start3A = arith.constant 0 : i32
        %dma_start3A_61 = tpu.memref_slice %arg16[%add3A_59, %dma_start3A] : memref<5136x128xf32, #tpu.memory_space<vmem_shared>> -> memref<160x128xf32, #tpu.memory_space<vmem_shared>>
        %dma_start3A_62 = arith.constant 0 : i32
        %dma_start3A_63 = tpu.memref_slice %arg16[%add3A_59, %dma_start3A_62] : memref<5136x128xf32, #tpu.memory_space<vmem_shared>> -> memref<160x128xf32, #tpu.memory_space<vmem_shared>>
        tpu.enqueue_dma source(%arg15 : memref<160x128xf32, #tpu.memory_space<vmem>>) target(%dma_start3A_63 : memref<160x128xf32, #tpu.memory_space<vmem_shared>>) target_semaphore(%run_scoped3A : memref<!tpu.dma_semaphore, #tpu.memory_space<semaphore_mem>>)
        %dma_wait3A = arith.constant 0 : i32
        %dma_wait3A_64 = tpu.memref_slice %arg16[%add3A_59, %dma_wait3A] : memref<5136x128xf32, #tpu.memory_space<vmem_shared>> -> memref<160x128xf32, #tpu.memory_space<vmem_shared>>
        %dma_wait3A_65 = arith.constant 0 : i32
        %dma_wait3A_66 = tpu.memref_slice %arg16[%add3A_59, %dma_wait3A_65] : memref<5136x128xf32, #tpu.memory_space<vmem_shared>> -> memref<160x128xf32, #tpu.memory_space<vmem_shared>>
        tpu.wait_dma2 semaphore(%run_scoped3A : memref<!tpu.dma_semaphore, #tpu.memory_space<semaphore_mem>>) src(%arg15 : memref<160x128xf32, #tpu.memory_space<vmem>>) dst(%dma_wait3A_66 : memref<160x128xf32, #tpu.memory_space<vmem_shared>>)
        tpu.yield
      }) : () -> ()
      %barrier3A_60 = arith.constant 0 : index
      tpu.barrier barrier_id(%barrier3A_60)
    }
    %scan3A_14 = arith.constant 11 : i32
    %scan3A_15 = arith.constant 0 : i32
    %scan3A_16 = arith.constant 256 : i32
    %scan3A_17 = arith.addi %scan3A_15, %scan3A_16 : i32
    %scan3A_18 = arith.constant 1 : i32
    scf.for %scan3A_25 = %scan3A_15 to %scan3A_17 step %scan3A_18  : i32 {
      %mul3A_26 = arith.constant 1 : i32
      %mul3A_27 = arith.muli %scan3A_25, %mul3A_26 : i32
      %add3A_28 = arith.constant 0 : i32
      %add3A_29 = arith.addi %add3A_28, %mul3A_27 : i32
      %broadcast_in_dim3A = arith.constant 1.000000e+00 : f32
      %broadcast_in_dim3A_30 = vector.broadcast %broadcast_in_dim3A : f32 to vector<16xf32>
      %swap3A = arith.index_cast %add3A_29 : i32 to index
      %swap3A_31 = arith.constant 0 : index
      %swap3A_32 = tpu.vector_load %arg13[%swap3A, %swap3A_31] {strides = array<i32>} : memref<256x128xf32, #tpu.memory_space<vmem>>, vector<1x16xf32>,
      %swap3A_33 = vector.shape_cast %swap3A_32 : vector<1x16xf32> to vector<16xf32>
      %swap3A_34 = vector.shape_cast %broadcast_in_dim3A_30 : vector<16xf32> to vector<1x16xf32>
      tpu.vector_store %arg13[%swap3A, %swap3A_31], %swap3A_34 {strides = array<i32>} : memref<256x128xf32, #tpu.memory_space<vmem>>, vector<1x16xf32>,
      %broadcast_in_dim3A_35 = arith.constant 1.000000e+00 : f32
      %broadcast_in_dim3A_36 = vector.broadcast %broadcast_in_dim3A_35 : f32 to vector<16xf32>
      %swap3A_37 = arith.index_cast %add3A_29 : i32 to index
      %swap3A_38 = arith.constant 16 : index
      %swap3A_39 = tpu.vector_load %arg13[%swap3A_37, %swap3A_38] {strides = array<i32>} : memref<256x128xf32, #tpu.memory_space<vmem>>, vector<1x16xf32>,
      %swap3A_40 = vector.shape_cast %swap3A_39 : vector<1x16xf32> to vector<16xf32>
      %swap3A_41 = vector.shape_cast %broadcast_in_dim3A_36 : vector<16xf32> to vector<1x16xf32>
      tpu.vector_store %arg13[%swap3A_37, %swap3A_38], %swap3A_41 {strides = array<i32>} : memref<256x128xf32, #tpu.memory_space<vmem>>, vector<1x16xf32>,
      %broadcast_in_dim3A_42 = arith.constant 1.000000e+00 : f32
      %broadcast_in_dim3A_43 = vector.broadcast %broadcast_in_dim3A_42 : f32 to vector<16xf32>
      %swap3A_44 = arith.index_cast %add3A_29 : i32 to index
      %swap3A_45 = arith.constant 32 : index
      %swap3A_46 = tpu.vector_load %arg13[%swap3A_44, %swap3A_45] {strides = array<i32>} : memref<256x128xf32, #tpu.memory_space<vmem>>, vector<1x16xf32>,
      %swap3A_47 = vector.shape_cast %swap3A_46 : vector<1x16xf32> to vector<16xf32>
      %swap3A_48 = vector.shape_cast %broadcast_in_dim3A_43 : vector<16xf32> to vector<1x16xf32>
      tpu.vector_store %arg13[%swap3A_44, %swap3A_45], %swap3A_48 {strides = array<i32>} : memref<256x128xf32, #tpu.memory_space<vmem>>, vector<1x16xf32>,
      %broadcast_in_dim3A_49 = arith.constant 1.000000e+00 : f32
      %broadcast_in_dim3A_50 = vector.broadcast %broadcast_in_dim3A_49 : f32 to vector<16xf32>
      %swap3A_51 = arith.index_cast %add3A_29 : i32 to index
      %swap3A_52 = arith.constant 48 : index
      %swap3A_53 = tpu.vector_load %arg13[%swap3A_51, %swap3A_52] {strides = array<i32>} : memref<256x128xf32, #tpu.memory_space<vmem>>, vector<1x16xf32>,
      %swap3A_54 = vector.shape_cast %swap3A_53 : vector<1x16xf32> to vector<16xf32>
      %swap3A_55 = vector.shape_cast %broadcast_in_dim3A_50 : vector<16xf32> to vector<1x16xf32>
      tpu.vector_store %arg13[%swap3A_51, %swap3A_52], %swap3A_55 {strides = array<i32>} : memref<256x128xf32, #tpu.memory_space<vmem>>, vector<1x16xf32>,
      %broadcast_in_dim3A_56 = arith.constant 1.000000e+00 : f32
      %broadcast_in_dim3A_57 = vector.broadcast %broadcast_in_dim3A_56 : f32 to vector<16xf32>
      %swap3A_58 = arith.index_cast %add3A_29 : i32 to index
      %swap3A_59 = arith.constant 64 : index
      %swap3A_60 = tpu.vector_load %arg13[%swap3A_58, %swap3A_59] {strides = array<i32>} : memref<256x128xf32, #tpu.memory_space<vmem>>, vector<1x16xf32>,
      %swap3A_61 = vector.shape_cast %swap3A_60 : vector<1x16xf32> to vector<16xf32>
      %swap3A_62 = vector.shape_cast %broadcast_in_dim3A_57 : vector<16xf32> to vector<1x16xf32>
      tpu.vector_store %arg13[%swap3A_58, %swap3A_59], %swap3A_62 {strides = array<i32>} : memref<256x128xf32, #tpu.memory_space<vmem>>, vector<1x16xf32>,
      %broadcast_in_dim3A_63 = arith.constant 1.000000e+00 : f32
      %broadcast_in_dim3A_64 = vector.broadcast %broadcast_in_dim3A_63 : f32 to vector<16xf32>
      %swap3A_65 = arith.index_cast %add3A_29 : i32 to index
      %swap3A_66 = arith.constant 80 : index
      %swap3A_67 = tpu.vector_load %arg13[%swap3A_65, %swap3A_66] {strides = array<i32>} : memref<256x128xf32, #tpu.memory_space<vmem>>, vector<1x16xf32>,
      %swap3A_68 = vector.shape_cast %swap3A_67 : vector<1x16xf32> to vector<16xf32>
      %swap3A_69 = vector.shape_cast %broadcast_in_dim3A_64 : vector<16xf32> to vector<1x16xf32>
      tpu.vector_store %arg13[%swap3A_65, %swap3A_66], %swap3A_69 {strides = array<i32>} : memref<256x128xf32, #tpu.memory_space<vmem>>, vector<1x16xf32>,
      %broadcast_in_dim3A_70 = arith.constant 1.000000e+00 : f32
      %broadcast_in_dim3A_71 = vector.broadcast %broadcast_in_dim3A_70 : f32 to vector<16xf32>
      %swap3A_72 = arith.index_cast %add3A_29 : i32 to index
      %swap3A_73 = arith.constant 96 : index
      %swap3A_74 = tpu.vector_load %arg13[%swap3A_72, %swap3A_73] {strides = array<i32>} : memref<256x128xf32, #tpu.memory_space<vmem>>, vector<1x16xf32>,
      %swap3A_75 = vector.shape_cast %swap3A_74 : vector<1x16xf32> to vector<16xf32>
      %swap3A_76 = vector.shape_cast %broadcast_in_dim3A_71 : vector<16xf32> to vector<1x16xf32>
      tpu.vector_store %arg13[%swap3A_72, %swap3A_73], %swap3A_76 {strides = array<i32>} : memref<256x128xf32, #tpu.memory_space<vmem>>, vector<1x16xf32>,
      %broadcast_in_dim3A_77 = arith.constant 1.000000e+00 : f32
      %broadcast_in_dim3A_78 = vector.broadcast %broadcast_in_dim3A_77 : f32 to vector<16xf32>
      %swap3A_79 = arith.index_cast %add3A_29 : i32 to index
      %swap3A_80 = arith.constant 112 : index
      %swap3A_81 = tpu.vector_load %arg13[%swap3A_79, %swap3A_80] {strides = array<i32>} : memref<256x128xf32, #tpu.memory_space<vmem>>, vector<1x16xf32>,
      %swap3A_82 = vector.shape_cast %swap3A_81 : vector<1x16xf32> to vector<16xf32>
      %swap3A_83 = vector.shape_cast %broadcast_in_dim3A_78 : vector<16xf32> to vector<1x16xf32>
      tpu.vector_store %arg13[%swap3A_79, %swap3A_80], %swap3A_83 {strides = array<i32>} : memref<256x128xf32, #tpu.memory_space<vmem>>, vector<1x16xf32>,
    }
    %scan3A_19 = arith.constant 256 : i32
    %scan3A_20 = arith.constant 0 : i32
    %scan3A_21 = arith.constant 11 : i32
    %scan3A_22 = arith.addi %scan3A_20, %scan3A_21 : i32
    %scan3A_23 = arith.constant 1 : i32
    scf.for %scan3A_25 = %scan3A_20 to %scan3A_22 step %scan3A_23  : i32 {
      %mul3A_26 = arith.constant 1 : i32
      %mul3A_27 = arith.muli %scan3A_25, %mul3A_26 : i32
      %add3A_28 = arith.constant 0 : i32
      %add3A_29 = arith.addi %add3A_28, %mul3A_27 : i32
      %mul3A_30 = arith.constant 10240 : i32
      %mul3A_31 = arith.muli %add3A_29, %mul3A_30 : i32
      %mul3A_32 = arith.constant 5120 : i32
      %mul3A_33 = arith.muli %arg0, %mul3A_32 : i32
      %add3A_34 = arith.addi %mul3A_31, %mul3A_33 : i32
      %scan3A_35 = arith.constant 0 : i32
      %scan3A_36 = arith.constant 147 : i32
      %scan3A_37 = arith.addi %scan3A_35, %scan3A_36 : i32
      %scan3A_38 = arith.constant 1 : i32
      scf.for %scan3A_61 = %scan3A_35 to %scan3A_37 step %scan3A_38  : i32 {
        %mul3A_62 = arith.constant 1 : i32
        %mul3A_63 = arith.muli %scan3A_61, %mul3A_62 : i32
        %add3A_64 = arith.constant 0 : i32
        %add3A_65 = arith.addi %add3A_64, %mul3A_63 : i32
        %mul3A_66 = arith.constant 37632 : i32
        %mul3A_67 = arith.muli %arg1, %mul3A_66 : i32
        %mul3A_68 = arith.constant 256 : i32
        %mul3A_69 = arith.muli %add3A_65, %mul3A_68 : i32
        %add3A_70 = arith.addi %mul3A_67, %mul3A_69 : i32
        "tpu.region"() ({
          %run_scoped3A = tpu.sem_alloc : memref<!tpu.dma_semaphore, #tpu.memory_space<semaphore_mem>>
          %dma_start3A = tpu.memref_slice %arg2[%add3A_70] : memref<602112xi32, #tpu.memory_space<hbm>> -> memref<256xi32, #tpu.memory_space<hbm>>
          %dma_start3A_366 = tpu.memref_slice %arg2[%add3A_70] : memref<602112xi32, #tpu.memory_space<hbm>> -> memref<256xi32, #tpu.memory_space<hbm>>
          tpu.enqueue_dma source(%dma_start3A_366 : memref<256xi32, #tpu.memory_space<hbm>>) target(%arg9 : memref<256xi32, #tpu.memory_space<vmem>>) target_semaphore(%run_scoped3A : memref<!tpu.dma_semaphore, #tpu.memory_space<semaphore_mem>>)
          %dma_wait3A = tpu.memref_slice %arg2[%add3A_70] : memref<602112xi32, #tpu.memory_space<hbm>> -> memref<256xi32, #tpu.memory_space<hbm>>
          %dma_wait3A_367 = tpu.memref_slice %arg2[%add3A_70] : memref<602112xi32, #tpu.memory_space<hbm>> -> memref<256xi32, #tpu.memory_space<hbm>>
          tpu.wait_dma2 semaphore(%run_scoped3A : memref<!tpu.dma_semaphore, #tpu.memory_space<semaphore_mem>>) src(%dma_wait3A_367 : memref<256xi32, #tpu.memory_space<hbm>>) dst(%arg9 : memref<256xi32, #tpu.memory_space<vmem>>)
          tpu.yield
        }) : () -> ()
        %get3A = arith.constant 0 : index
        %get3A_71 = tpu.vector_load %arg9[%get3A] {strides = array<i32>} : memref<256xi32, #tpu.memory_space<vmem>>, vector<16xi32>,
        %get3A_72 = vector.shape_cast %get3A_71 : vector<16xi32> to vector<16xi32>
        %sub3A = vector.broadcast %add3A_34 : i32 to vector<16xi32>
        %sub3A_73 = arith.subi %get3A_72, %sub3A : vector<16xi32>
        %ge3A = arith.constant 0 : i32
        %ge3A_74 = vector.broadcast %ge3A : i32 to vector<16xi32>
        %ge3A_75 = arith.cmpi sge, %sub3A_73, %ge3A_74 : vector<16xi32>
        %lt3A = arith.constant 5120 : i32
        %lt3A_76 = vector.broadcast %lt3A : i32 to vector<16xi32>
        %lt3A_77 = arith.cmpi slt, %sub3A_73, %lt3A_76 : vector<16xi32>
        %and3A = arith.andi %ge3A_75, %lt3A_77 : vector<16xi1>
        %jit3A = arith.constant 5120 : i32
        %broadcast_in_dim3A = vector.broadcast %jit3A : i32 to vector<16xi32>
        %select_n3A = arith.select %and3A, %sub3A_73, %broadcast_in_dim3A : vector<16xi1>, vector<16xi32>
        %swap3A = arith.constant 0 : index
        %swap3A_78 = tpu.vector_load %arg12[%swap3A] {strides = array<i32>} : memref<256xi32, #tpu.memory_space<vmem>>, vector<16xi32>,
        %swap3A_79 = vector.shape_cast %swap3A_78 : vector<16xi32> to vector<16xi32>
        %swap3A_80 = vector.shape_cast %select_n3A : vector<16xi32> to vector<16xi32>
        tpu.vector_store %arg12[%swap3A], %swap3A_80 {strides = array<i32>} : memref<256xi32, #tpu.memory_space<vmem>>, vector<16xi32>,
        %get3A_81 = arith.constant 16 : index
        %get3A_82 = tpu.vector_load %arg9[%get3A_81] {strides = array<i32>} : memref<256xi32, #tpu.memory_space<vmem>>, vector<16xi32>,
        %get3A_83 = vector.shape_cast %get3A_82 : vector<16xi32> to vector<16xi32>
        %sub3A_84 = vector.broadcast %add3A_34 : i32 to vector<16xi32>
        %sub3A_85 = arith.subi %get3A_83, %sub3A_84 : vector<16xi32>
        %ge3A_86 = arith.constant 0 : i32
        %ge3A_87 = vector.broadcast %ge3A_86 : i32 to vector<16xi32>
        %ge3A_88 = arith.cmpi sge, %sub3A_85, %ge3A_87 : vector<16xi32>
        %lt3A_89 = arith.constant 5120 : i32
        %lt3A_90 = vector.broadcast %lt3A_89 : i32 to vector<16xi32>
        %lt3A_91 = arith.cmpi slt, %sub3A_85, %lt3A_90 : vector<16xi32>
        %and3A_92 = arith.andi %ge3A_88, %lt3A_91 : vector<16xi1>
        %jit3A_93 = arith.constant 5120 : i32
        %broadcast_in_dim3A_94 = vector.broadcast %jit3A_93 : i32 to vector<16xi32>
        %select_n3A_95 = arith.select %and3A_92, %sub3A_85, %broadcast_in_dim3A_94 : vector<16xi1>, vector<16xi32>
        %swap3A_96 = arith.constant 16 : index
        %swap3A_97 = tpu.vector_load %arg12[%swap3A_96] {strides = array<i32>} : memref<256xi32, #tpu.memory_space<vmem>>, vector<16xi32>,
        %swap3A_98 = vector.shape_cast %swap3A_97 : vector<16xi32> to vector<16xi32>
        %swap3A_99 = vector.shape_cast %select_n3A_95 : vector<16xi32> to vector<16xi32>
        tpu.vector_store %arg12[%swap3A_96], %swap3A_99 {strides = array<i32>} : memref<256xi32, #tpu.memory_space<vmem>>, vector<16xi32>,
        %get3A_100 = arith.constant 32 : index
        %get3A_101 = tpu.vector_load %arg9[%get3A_100] {strides = array<i32>} : memref<256xi32, #tpu.memory_space<vmem>>, vector<16xi32>,
        %get3A_102 = vector.shape_cast %get3A_101 : vector<16xi32> to vector<16xi32>
        %sub3A_103 = vector.broadcast %add3A_34 : i32 to vector<16xi32>
        %sub3A_104 = arith.subi %get3A_102, %sub3A_103 : vector<16xi32>
        %ge3A_105 = arith.constant 0 : i32
        %ge3A_106 = vector.broadcast %ge3A_105 : i32 to vector<16xi32>
        %ge3A_107 = arith.cmpi sge, %sub3A_104, %ge3A_106 : vector<16xi32>
        %lt3A_108 = arith.constant 5120 : i32
        %lt3A_109 = vector.broadcast %lt3A_108 : i32 to vector<16xi32>
        %lt3A_110 = arith.cmpi slt, %sub3A_104, %lt3A_109 : vector<16xi32>
        %and3A_111 = arith.andi %ge3A_107, %lt3A_110 : vector<16xi1>
        %jit3A_112 = arith.constant 5120 : i32
        %broadcast_in_dim3A_113 = vector.broadcast %jit3A_112 : i32 to vector<16xi32>
        %select_n3A_114 = arith.select %and3A_111, %sub3A_104, %broadcast_in_dim3A_113 : vector<16xi1>, vector<16xi32>
        %swap3A_115 = arith.constant 32 : index
        %swap3A_116 = tpu.vector_load %arg12[%swap3A_115] {strides = array<i32>} : memref<256xi32, #tpu.memory_space<vmem>>, vector<16xi32>,
        %swap3A_117 = vector.shape_cast %swap3A_116 : vector<16xi32> to vector<16xi32>
        %swap3A_118 = vector.shape_cast %select_n3A_114 : vector<16xi32> to vector<16xi32>
        tpu.vector_store %arg12[%swap3A_115], %swap3A_118 {strides = array<i32>} : memref<256xi32, #tpu.memory_space<vmem>>, vector<16xi32>,
        %get3A_119 = arith.constant 48 : index
        %get3A_120 = tpu.vector_load %arg9[%get3A_119] {strides = array<i32>} : memref<256xi32, #tpu.memory_space<vmem>>, vector<16xi32>,
        %get3A_121 = vector.shape_cast %get3A_120 : vector<16xi32> to vector<16xi32>
        %sub3A_122 = vector.broadcast %add3A_34 : i32 to vector<16xi32>
        %sub3A_123 = arith.subi %get3A_121, %sub3A_122 : vector<16xi32>
        %ge3A_124 = arith.constant 0 : i32
        %ge3A_125 = vector.broadcast %ge3A_124 : i32 to vector<16xi32>
        %ge3A_126 = arith.cmpi sge, %sub3A_123, %ge3A_125 : vector<16xi32>
        %lt3A_127 = arith.constant 5120 : i32
        %lt3A_128 = vector.broadcast %lt3A_127 : i32 to vector<16xi32>
        %lt3A_129 = arith.cmpi slt, %sub3A_123, %lt3A_128 : vector<16xi32>
        %and3A_130 = arith.andi %ge3A_126, %lt3A_129 : vector<16xi1>
        %jit3A_131 = arith.constant 5120 : i32
        %broadcast_in_dim3A_132 = vector.broadcast %jit3A_131 : i32 to vector<16xi32>
        %select_n3A_133 = arith.select %and3A_130, %sub3A_123, %broadcast_in_dim3A_132 : vector<16xi1>, vector<16xi32>
        %swap3A_134 = arith.constant 48 : index
        %swap3A_135 = tpu.vector_load %arg12[%swap3A_134] {strides = array<i32>} : memref<256xi32, #tpu.memory_space<vmem>>, vector<16xi32>,
        %swap3A_136 = vector.shape_cast %swap3A_135 : vector<16xi32> to vector<16xi32>
        %swap3A_137 = vector.shape_cast %select_n3A_133 : vector<16xi32> to vector<16xi32>
        tpu.vector_store %arg12[%swap3A_134], %swap3A_137 {strides = array<i32>} : memref<256xi32, #tpu.memory_space<vmem>>, vector<16xi32>,
        %get3A_138 = arith.constant 64 : index
        %get3A_139 = tpu.vector_load %arg9[%get3A_138] {strides = array<i32>} : memref<256xi32, #tpu.memory_space<vmem>>, vector<16xi32>,
        %get3A_140 = vector.shape_cast %get3A_139 : vector<16xi32> to vector<16xi32>
        %sub3A_141 = vector.broadcast %add3A_34 : i32 to vector<16xi32>
        %sub3A_142 = arith.subi %get3A_140, %sub3A_141 : vector<16xi32>
        %ge3A_143 = arith.constant 0 : i32
        %ge3A_144 = vector.broadcast %ge3A_143 : i32 to vector<16xi32>
        %ge3A_145 = arith.cmpi sge, %sub3A_142, %ge3A_144 : vector<16xi32>
        %lt3A_146 = arith.constant 5120 : i32
        %lt3A_147 = vector.broadcast %lt3A_146 : i32 to vector<16xi32>
        %lt3A_148 = arith.cmpi slt, %sub3A_142, %lt3A_147 : vector<16xi32>
        %and3A_149 = arith.andi %ge3A_145, %lt3A_148 : vector<16xi1>
        %jit3A_150 = arith.constant 5120 : i32
        %broadcast_in_dim3A_151 = vector.broadcast %jit3A_150 : i32 to vector<16xi32>
        %select_n3A_152 = arith.select %and3A_149, %sub3A_142, %broadcast_in_dim3A_151 : vector<16xi1>, vector<16xi32>
        %swap3A_153 = arith.constant 64 : index
        %swap3A_154 = tpu.vector_load %arg12[%swap3A_153] {strides = array<i32>} : memref<256xi32, #tpu.memory_space<vmem>>, vector<16xi32>,
        %swap3A_155 = vector.shape_cast %swap3A_154 : vector<16xi32> to vector<16xi32>
        %swap3A_156 = vector.shape_cast %select_n3A_152 : vector<16xi32> to vector<16xi32>
        tpu.vector_store %arg12[%swap3A_153], %swap3A_156 {strides = array<i32>} : memref<256xi32, #tpu.memory_space<vmem>>, vector<16xi32>,
        %get3A_157 = arith.constant 80 : index
        %get3A_158 = tpu.vector_load %arg9[%get3A_157] {strides = array<i32>} : memref<256xi32, #tpu.memory_space<vmem>>, vector<16xi32>,
        %get3A_159 = vector.shape_cast %get3A_158 : vector<16xi32> to vector<16xi32>
        %sub3A_160 = vector.broadcast %add3A_34 : i32 to vector<16xi32>
        %sub3A_161 = arith.subi %get3A_159, %sub3A_160 : vector<16xi32>
        %ge3A_162 = arith.constant 0 : i32
        %ge3A_163 = vector.broadcast %ge3A_162 : i32 to vector<16xi32>
        %ge3A_164 = arith.cmpi sge, %sub3A_161, %ge3A_163 : vector<16xi32>
        %lt3A_165 = arith.constant 5120 : i32
        %lt3A_166 = vector.broadcast %lt3A_165 : i32 to vector<16xi32>
        %lt3A_167 = arith.cmpi slt, %sub3A_161, %lt3A_166 : vector<16xi32>
        %and3A_168 = arith.andi %ge3A_164, %lt3A_167 : vector<16xi1>
        %jit3A_169 = arith.constant 5120 : i32
        %broadcast_in_dim3A_170 = vector.broadcast %jit3A_169 : i32 to vector<16xi32>
        %select_n3A_171 = arith.select %and3A_168, %sub3A_161, %broadcast_in_dim3A_170 : vector<16xi1>, vector<16xi32>
        %swap3A_172 = arith.constant 80 : index
        %swap3A_173 = tpu.vector_load %arg12[%swap3A_172] {strides = array<i32>} : memref<256xi32, #tpu.memory_space<vmem>>, vector<16xi32>,
        %swap3A_174 = vector.shape_cast %swap3A_173 : vector<16xi32> to vector<16xi32>
        %swap3A_175 = vector.shape_cast %select_n3A_171 : vector<16xi32> to vector<16xi32>
        tpu.vector_store %arg12[%swap3A_172], %swap3A_175 {strides = array<i32>} : memref<256xi32, #tpu.memory_space<vmem>>, vector<16xi32>,
        %get3A_176 = arith.constant 96 : index
        %get3A_177 = tpu.vector_load %arg9[%get3A_176] {strides = array<i32>} : memref<256xi32, #tpu.memory_space<vmem>>, vector<16xi32>,
        %get3A_178 = vector.shape_cast %get3A_177 : vector<16xi32> to vector<16xi32>
        %sub3A_179 = vector.broadcast %add3A_34 : i32 to vector<16xi32>
        %sub3A_180 = arith.subi %get3A_178, %sub3A_179 : vector<16xi32>
        %ge3A_181 = arith.constant 0 : i32
        %ge3A_182 = vector.broadcast %ge3A_181 : i32 to vector<16xi32>
        %ge3A_183 = arith.cmpi sge, %sub3A_180, %ge3A_182 : vector<16xi32>
        %lt3A_184 = arith.constant 5120 : i32
        %lt3A_185 = vector.broadcast %lt3A_184 : i32 to vector<16xi32>
        %lt3A_186 = arith.cmpi slt, %sub3A_180, %lt3A_185 : vector<16xi32>
        %and3A_187 = arith.andi %ge3A_183, %lt3A_186 : vector<16xi1>
        %jit3A_188 = arith.constant 5120 : i32
        %broadcast_in_dim3A_189 = vector.broadcast %jit3A_188 : i32 to vector<16xi32>
        %select_n3A_190 = arith.select %and3A_187, %sub3A_180, %broadcast_in_dim3A_189 : vector<16xi1>, vector<16xi32>
        %swap3A_191 = arith.constant 96 : index
        %swap3A_192 = tpu.vector_load %arg12[%swap3A_191] {strides = array<i32>} : memref<256xi32, #tpu.memory_space<vmem>>, vector<16xi32>,
        %swap3A_193 = vector.shape_cast %swap3A_192 : vector<16xi32> to vector<16xi32>
        %swap3A_194 = vector.shape_cast %select_n3A_190 : vector<16xi32> to vector<16xi32>
        tpu.vector_store %arg12[%swap3A_191], %swap3A_194 {strides = array<i32>} : memref<256xi32, #tpu.memory_space<vmem>>, vector<16xi32>,
        %get3A_195 = arith.constant 112 : index
        %get3A_196 = tpu.vector_load %arg9[%get3A_195] {strides = array<i32>} : memref<256xi32, #tpu.memory_space<vmem>>, vector<16xi32>,
        %get3A_197 = vector.shape_cast %get3A_196 : vector<16xi32> to vector<16xi32>
        %sub3A_198 = vector.broadcast %add3A_34 : i32 to vector<16xi32>
        %sub3A_199 = arith.subi %get3A_197, %sub3A_198 : vector<16xi32>
        %ge3A_200 = arith.constant 0 : i32
        %ge3A_201 = vector.broadcast %ge3A_200 : i32 to vector<16xi32>
        %ge3A_202 = arith.cmpi sge, %sub3A_199, %ge3A_201 : vector<16xi32>
        %lt3A_203 = arith.constant 5120 : i32
        %lt3A_204 = vector.broadcast %lt3A_203 : i32 to vector<16xi32>
        %lt3A_205 = arith.cmpi slt, %sub3A_199, %lt3A_204 : vector<16xi32>
        %and3A_206 = arith.andi %ge3A_202, %lt3A_205 : vector<16xi1>
        %jit3A_207 = arith.constant 5120 : i32
        %broadcast_in_dim3A_208 = vector.broadcast %jit3A_207 : i32 to vector<16xi32>
        %select_n3A_209 = arith.select %and3A_206, %sub3A_199, %broadcast_in_dim3A_208 : vector<16xi1>, vector<16xi32>
        %swap3A_210 = arith.constant 112 : index
        %swap3A_211 = tpu.vector_load %arg12[%swap3A_210] {strides = array<i32>} : memref<256xi32, #tpu.memory_space<vmem>>, vector<16xi32>,
        %swap3A_212 = vector.shape_cast %swap3A_211 : vector<16xi32> to vector<16xi32>
        %swap3A_213 = vector.shape_cast %select_n3A_209 : vector<16xi32> to vector<16xi32>
        tpu.vector_store %arg12[%swap3A_210], %swap3A_213 {strides = array<i32>} : memref<256xi32, #tpu.memory_space<vmem>>, vector<16xi32>,
        %get3A_214 = arith.constant 128 : index
        %get3A_215 = tpu.vector_load %arg9[%get3A_214] {strides = array<i32>} : memref<256xi32, #tpu.memory_space<vmem>>, vector<16xi32>,
        %get3A_216 = vector.shape_cast %get3A_215 : vector<16xi32> to vector<16xi32>
        %sub3A_217 = vector.broadcast %add3A_34 : i32 to vector<16xi32>
        %sub3A_218 = arith.subi %get3A_216, %sub3A_217 : vector<16xi32>
        %ge3A_219 = arith.constant 0 : i32
        %ge3A_220 = vector.broadcast %ge3A_219 : i32 to vector<16xi32>
        %ge3A_221 = arith.cmpi sge, %sub3A_218, %ge3A_220 : vector<16xi32>
        %lt3A_222 = arith.constant 5120 : i32
        %lt3A_223 = vector.broadcast %lt3A_222 : i32 to vector<16xi32>
        %lt3A_224 = arith.cmpi slt, %sub3A_218, %lt3A_223 : vector<16xi32>
        %and3A_225 = arith.andi %ge3A_221, %lt3A_224 : vector<16xi1>
        %jit3A_226 = arith.constant 5120 : i32
        %broadcast_in_dim3A_227 = vector.broadcast %jit3A_226 : i32 to vector<16xi32>
        %select_n3A_228 = arith.select %and3A_225, %sub3A_218, %broadcast_in_dim3A_227 : vector<16xi1>, vector<16xi32>
        %swap3A_229 = arith.constant 128 : index
        %swap3A_230 = tpu.vector_load %arg12[%swap3A_229] {strides = array<i32>} : memref<256xi32, #tpu.memory_space<vmem>>, vector<16xi32>,
        %swap3A_231 = vector.shape_cast %swap3A_230 : vector<16xi32> to vector<16xi32>
        %swap3A_232 = vector.shape_cast %select_n3A_228 : vector<16xi32> to vector<16xi32>
        tpu.vector_store %arg12[%swap3A_229], %swap3A_232 {strides = array<i32>} : memref<256xi32, #tpu.memory_space<vmem>>, vector<16xi32>,
        %get3A_233 = arith.constant 144 : index
        %get3A_234 = tpu.vector_load %arg9[%get3A_233] {strides = array<i32>} : memref<256xi32, #tpu.memory_space<vmem>>, vector<16xi32>,
        %get3A_235 = vector.shape_cast %get3A_234 : vector<16xi32> to vector<16xi32>
        %sub3A_236 = vector.broadcast %add3A_34 : i32 to vector<16xi32>
        %sub3A_237 = arith.subi %get3A_235, %sub3A_236 : vector<16xi32>
        %ge3A_238 = arith.constant 0 : i32
        %ge3A_239 = vector.broadcast %ge3A_238 : i32 to vector<16xi32>
        %ge3A_240 = arith.cmpi sge, %sub3A_237, %ge3A_239 : vector<16xi32>
        %lt3A_241 = arith.constant 5120 : i32
        %lt3A_242 = vector.broadcast %lt3A_241 : i32 to vector<16xi32>
        %lt3A_243 = arith.cmpi slt, %sub3A_237, %lt3A_242 : vector<16xi32>
        %and3A_244 = arith.andi %ge3A_240, %lt3A_243 : vector<16xi1>
        %jit3A_245 = arith.constant 5120 : i32
        %broadcast_in_dim3A_246 = vector.broadcast %jit3A_245 : i32 to vector<16xi32>
        %select_n3A_247 = arith.select %and3A_244, %sub3A_237, %broadcast_in_dim3A_246 : vector<16xi1>, vector<16xi32>
        %swap3A_248 = arith.constant 144 : index
        %swap3A_249 = tpu.vector_load %arg12[%swap3A_248] {strides = array<i32>} : memref<256xi32, #tpu.memory_space<vmem>>, vector<16xi32>,
        %swap3A_250 = vector.shape_cast %swap3A_249 : vector<16xi32> to vector<16xi32>
        %swap3A_251 = vector.shape_cast %select_n3A_247 : vector<16xi32> to vector<16xi32>
        tpu.vector_store %arg12[%swap3A_248], %swap3A_251 {strides = array<i32>} : memref<256xi32, #tpu.memory_space<vmem>>, vector<16xi32>,
        %get3A_252 = arith.constant 160 : index
        %get3A_253 = tpu.vector_load %arg9[%get3A_252] {strides = array<i32>} : memref<256xi32, #tpu.memory_space<vmem>>, vector<16xi32>,
        %get3A_254 = vector.shape_cast %get3A_253 : vector<16xi32> to vector<16xi32>
        %sub3A_255 = vector.broadcast %add3A_34 : i32 to vector<16xi32>
        %sub3A_256 = arith.subi %get3A_254, %sub3A_255 : vector<16xi32>
        %ge3A_257 = arith.constant 0 : i32
        %ge3A_258 = vector.broadcast %ge3A_257 : i32 to vector<16xi32>
        %ge3A_259 = arith.cmpi sge, %sub3A_256, %ge3A_258 : vector<16xi32>
        %lt3A_260 = arith.constant 5120 : i32
        %lt3A_261 = vector.broadcast %lt3A_260 : i32 to vector<16xi32>
        %lt3A_262 = arith.cmpi slt, %sub3A_256, %lt3A_261 : vector<16xi32>
        %and3A_263 = arith.andi %ge3A_259, %lt3A_262 : vector<16xi1>
        %jit3A_264 = arith.constant 5120 : i32
        %broadcast_in_dim3A_265 = vector.broadcast %jit3A_264 : i32 to vector<16xi32>
        %select_n3A_266 = arith.select %and3A_263, %sub3A_256, %broadcast_in_dim3A_265 : vector<16xi1>, vector<16xi32>
        %swap3A_267 = arith.constant 160 : index
        %swap3A_268 = tpu.vector_load %arg12[%swap3A_267] {strides = array<i32>} : memref<256xi32, #tpu.memory_space<vmem>>, vector<16xi32>,
        %swap3A_269 = vector.shape_cast %swap3A_268 : vector<16xi32> to vector<16xi32>
        %swap3A_270 = vector.shape_cast %select_n3A_266 : vector<16xi32> to vector<16xi32>
        tpu.vector_store %arg12[%swap3A_267], %swap3A_270 {strides = array<i32>} : memref<256xi32, #tpu.memory_space<vmem>>, vector<16xi32>,
        %get3A_271 = arith.constant 176 : index
        %get3A_272 = tpu.vector_load %arg9[%get3A_271] {strides = array<i32>} : memref<256xi32, #tpu.memory_space<vmem>>, vector<16xi32>,
        %get3A_273 = vector.shape_cast %get3A_272 : vector<16xi32> to vector<16xi32>
        %sub3A_274 = vector.broadcast %add3A_34 : i32 to vector<16xi32>
        %sub3A_275 = arith.subi %get3A_273, %sub3A_274 : vector<16xi32>
        %ge3A_276 = arith.constant 0 : i32
        %ge3A_277 = vector.broadcast %ge3A_276 : i32 to vector<16xi32>
        %ge3A_278 = arith.cmpi sge, %sub3A_275, %ge3A_277 : vector<16xi32>
        %lt3A_279 = arith.constant 5120 : i32
        %lt3A_280 = vector.broadcast %lt3A_279 : i32 to vector<16xi32>
        %lt3A_281 = arith.cmpi slt, %sub3A_275, %lt3A_280 : vector<16xi32>
        %and3A_282 = arith.andi %ge3A_278, %lt3A_281 : vector<16xi1>
        %jit3A_283 = arith.constant 5120 : i32
        %broadcast_in_dim3A_284 = vector.broadcast %jit3A_283 : i32 to vector<16xi32>
        %select_n3A_285 = arith.select %and3A_282, %sub3A_275, %broadcast_in_dim3A_284 : vector<16xi1>, vector<16xi32>
        %swap3A_286 = arith.constant 176 : index
        %swap3A_287 = tpu.vector_load %arg12[%swap3A_286] {strides = array<i32>} : memref<256xi32, #tpu.memory_space<vmem>>, vector<16xi32>,
        %swap3A_288 = vector.shape_cast %swap3A_287 : vector<16xi32> to vector<16xi32>
        %swap3A_289 = vector.shape_cast %select_n3A_285 : vector<16xi32> to vector<16xi32>
        tpu.vector_store %arg12[%swap3A_286], %swap3A_289 {strides = array<i32>} : memref<256xi32, #tpu.memory_space<vmem>>, vector<16xi32>,
        %get3A_290 = arith.constant 192 : index
        %get3A_291 = tpu.vector_load %arg9[%get3A_290] {strides = array<i32>} : memref<256xi32, #tpu.memory_space<vmem>>, vector<16xi32>,
        %get3A_292 = vector.shape_cast %get3A_291 : vector<16xi32> to vector<16xi32>
        %sub3A_293 = vector.broadcast %add3A_34 : i32 to vector<16xi32>
        %sub3A_294 = arith.subi %get3A_292, %sub3A_293 : vector<16xi32>
        %ge3A_295 = arith.constant 0 : i32
        %ge3A_296 = vector.broadcast %ge3A_295 : i32 to vector<16xi32>
        %ge3A_297 = arith.cmpi sge, %sub3A_294, %ge3A_296 : vector<16xi32>
        %lt3A_298 = arith.constant 5120 : i32
        %lt3A_299 = vector.broadcast %lt3A_298 : i32 to vector<16xi32>
        %lt3A_300 = arith.cmpi slt, %sub3A_294, %lt3A_299 : vector<16xi32>
        %and3A_301 = arith.andi %ge3A_297, %lt3A_300 : vector<16xi1>
        %jit3A_302 = arith.constant 5120 : i32
        %broadcast_in_dim3A_303 = vector.broadcast %jit3A_302 : i32 to vector<16xi32>
        %select_n3A_304 = arith.select %and3A_301, %sub3A_294, %broadcast_in_dim3A_303 : vector<16xi1>, vector<16xi32>
        %swap3A_305 = arith.constant 192 : index
        %swap3A_306 = tpu.vector_load %arg12[%swap3A_305] {strides = array<i32>} : memref<256xi32, #tpu.memory_space<vmem>>, vector<16xi32>,
        %swap3A_307 = vector.shape_cast %swap3A_306 : vector<16xi32> to vector<16xi32>
        %swap3A_308 = vector.shape_cast %select_n3A_304 : vector<16xi32> to vector<16xi32>
        tpu.vector_store %arg12[%swap3A_305], %swap3A_308 {strides = array<i32>} : memref<256xi32, #tpu.memory_space<vmem>>, vector<16xi32>,
        %get3A_309 = arith.constant 208 : index
        %get3A_310 = tpu.vector_load %arg9[%get3A_309] {strides = array<i32>} : memref<256xi32, #tpu.memory_space<vmem>>, vector<16xi32>,
        %get3A_311 = vector.shape_cast %get3A_310 : vector<16xi32> to vector<16xi32>
        %sub3A_312 = vector.broadcast %add3A_34 : i32 to vector<16xi32>
        %sub3A_313 = arith.subi %get3A_311, %sub3A_312 : vector<16xi32>
        %ge3A_314 = arith.constant 0 : i32
        %ge3A_315 = vector.broadcast %ge3A_314 : i32 to vector<16xi32>
        %ge3A_316 = arith.cmpi sge, %sub3A_313, %ge3A_315 : vector<16xi32>
        %lt3A_317 = arith.constant 5120 : i32
        %lt3A_318 = vector.broadcast %lt3A_317 : i32 to vector<16xi32>
        %lt3A_319 = arith.cmpi slt, %sub3A_313, %lt3A_318 : vector<16xi32>
        %and3A_320 = arith.andi %ge3A_316, %lt3A_319 : vector<16xi1>
        %jit3A_321 = arith.constant 5120 : i32
        %broadcast_in_dim3A_322 = vector.broadcast %jit3A_321 : i32 to vector<16xi32>
        %select_n3A_323 = arith.select %and3A_320, %sub3A_313, %broadcast_in_dim3A_322 : vector<16xi1>, vector<16xi32>
        %swap3A_324 = arith.constant 208 : index
        %swap3A_325 = tpu.vector_load %arg12[%swap3A_324] {strides = array<i32>} : memref<256xi32, #tpu.memory_space<vmem>>, vector<16xi32>,
        %swap3A_326 = vector.shape_cast %swap3A_325 : vector<16xi32> to vector<16xi32>
        %swap3A_327 = vector.shape_cast %select_n3A_323 : vector<16xi32> to vector<16xi32>
        tpu.vector_store %arg12[%swap3A_324], %swap3A_327 {strides = array<i32>} : memref<256xi32, #tpu.memory_space<vmem>>, vector<16xi32>,
        %get3A_328 = arith.constant 224 : index
        %get3A_329 = tpu.vector_load %arg9[%get3A_328] {strides = array<i32>} : memref<256xi32, #tpu.memory_space<vmem>>, vector<16xi32>,
        %get3A_330 = vector.shape_cast %get3A_329 : vector<16xi32> to vector<16xi32>
        %sub3A_331 = vector.broadcast %add3A_34 : i32 to vector<16xi32>
        %sub3A_332 = arith.subi %get3A_330, %sub3A_331 : vector<16xi32>
        %ge3A_333 = arith.constant 0 : i32
        %ge3A_334 = vector.broadcast %ge3A_333 : i32 to vector<16xi32>
        %ge3A_335 = arith.cmpi sge, %sub3A_332, %ge3A_334 : vector<16xi32>
        %lt3A_336 = arith.constant 5120 : i32
        %lt3A_337 = vector.broadcast %lt3A_336 : i32 to vector<16xi32>
        %lt3A_338 = arith.cmpi slt, %sub3A_332, %lt3A_337 : vector<16xi32>
        %and3A_339 = arith.andi %ge3A_335, %lt3A_338 : vector<16xi1>
        %jit3A_340 = arith.constant 5120 : i32
        %broadcast_in_dim3A_341 = vector.broadcast %jit3A_340 : i32 to vector<16xi32>
        %select_n3A_342 = arith.select %and3A_339, %sub3A_332, %broadcast_in_dim3A_341 : vector<16xi1>, vector<16xi32>
        %swap3A_343 = arith.constant 224 : index
        %swap3A_344 = tpu.vector_load %arg12[%swap3A_343] {strides = array<i32>} : memref<256xi32, #tpu.memory_space<vmem>>, vector<16xi32>,
        %swap3A_345 = vector.shape_cast %swap3A_344 : vector<16xi32> to vector<16xi32>
        %swap3A_346 = vector.shape_cast %select_n3A_342 : vector<16xi32> to vector<16xi32>
        tpu.vector_store %arg12[%swap3A_343], %swap3A_346 {strides = array<i32>} : memref<256xi32, #tpu.memory_space<vmem>>, vector<16xi32>,
        %get3A_347 = arith.constant 240 : index
        %get3A_348 = tpu.vector_load %arg9[%get3A_347] {strides = array<i32>} : memref<256xi32, #tpu.memory_space<vmem>>, vector<16xi32>,
        %get3A_349 = vector.shape_cast %get3A_348 : vector<16xi32> to vector<16xi32>
        %sub3A_350 = vector.broadcast %add3A_34 : i32 to vector<16xi32>
        %sub3A_351 = arith.subi %get3A_349, %sub3A_350 : vector<16xi32>
        %ge3A_352 = arith.constant 0 : i32
        %ge3A_353 = vector.broadcast %ge3A_352 : i32 to vector<16xi32>
        %ge3A_354 = arith.cmpi sge, %sub3A_351, %ge3A_353 : vector<16xi32>
        %lt3A_355 = arith.constant 5120 : i32
        %lt3A_356 = vector.broadcast %lt3A_355 : i32 to vector<16xi32>
        %lt3A_357 = arith.cmpi slt, %sub3A_351, %lt3A_356 : vector<16xi32>
        %and3A_358 = arith.andi %ge3A_354, %lt3A_357 : vector<16xi1>
        %jit3A_359 = arith.constant 5120 : i32
        %broadcast_in_dim3A_360 = vector.broadcast %jit3A_359 : i32 to vector<16xi32>
        %select_n3A_361 = arith.select %and3A_358, %sub3A_351, %broadcast_in_dim3A_360 : vector<16xi1>, vector<16xi32>
        %swap3A_362 = arith.constant 240 : index
        %swap3A_363 = tpu.vector_load %arg12[%swap3A_362] {strides = array<i32>} : memref<256xi32, #tpu.memory_space<vmem>>, vector<16xi32>,
        %swap3A_364 = vector.shape_cast %swap3A_363 : vector<16xi32> to vector<16xi32>
        %swap3A_365 = vector.shape_cast %select_n3A_361 : vector<16xi32> to vector<16xi32>
        tpu.vector_store %arg12[%swap3A_362], %swap3A_365 {strides = array<i32>} : memref<256xi32, #tpu.memory_space<vmem>>, vector<16xi32>,
        "tpu.region"() ({
          %run_scoped3A = tpu.sem_alloc : memref<!tpu.dma_semaphore, #tpu.memory_space<semaphore_mem>>
          %dma_start3A = arith.constant 0 : i32
          %dma_start3A_366 = arith.constant 0 : i32
          %dma_start3A_367 = tpu.memref_slice %arg16[%dma_start3A, %dma_start3A_366] : memref<5136x128xf32, #tpu.memory_space<vmem_shared>> -> memref<5136x128xf32, #tpu.memory_space<vmem_shared>>
          tpu.enqueue_indirect_dma source(%arg13 : memref<256x128xf32, #tpu.memory_space<vmem>>) target(%dma_start3A_367 : memref<5136x128xf32, #tpu.memory_space<vmem_shared>>) offsets(%arg12 : memref<256xi32, #tpu.memory_space<vmem>>) semaphore(%run_scoped3A : memref<!tpu.dma_semaphore, #tpu.memory_space<semaphore_mem>>) {add = true}
          %dma_wait3A = arith.constant 0 : i32
          %dma_wait3A_368 = arith.constant 0 : i32
          %dma_wait3A_369 = tpu.memref_slice %arg16[%dma_wait3A, %dma_wait3A_368] : memref<5136x128xf32, #tpu.memory_space<vmem_shared>> -> memref<5136x128xf32, #tpu.memory_space<vmem_shared>>
          tpu.wait_indirect_dma semaphore(%run_scoped3A : memref<!tpu.dma_semaphore, #tpu.memory_space<semaphore_mem>>) src(%arg13 : memref<256x128xf32, #tpu.memory_space<vmem>>) dst(%dma_wait3A_369 : memref<5136x128xf32, #tpu.memory_space<vmem_shared>>)
          tpu.yield
        }) : () -> ()
      }
      %scan3A_39 = arith.constant 147 : i32
      %barrier3A_40 = arith.constant 0 : index
      tpu.barrier barrier_id(%barrier3A_40)
      %mul3A_41 = arith.constant 10240 : i32
      %mul3A_42 = arith.muli %add3A_29, %mul3A_41 : i32
      %mul3A_43 = arith.constant 5120 : i32
      %mul3A_44 = arith.muli %arg0, %mul3A_43 : i32
      %add3A_45 = arith.addi %mul3A_42, %mul3A_44 : i32
      %mul3A_46 = arith.constant 320 : i32
      %mul3A_47 = arith.muli %arg1, %mul3A_46 : i32
      %add3A_48 = arith.addi %add3A_45, %mul3A_47 : i32
      %mul3A_49 = arith.constant 320 : i32
      %mul3A_50 = arith.muli %arg1, %mul3A_49 : i32
      "tpu.region"() ({
        %run_scoped3A = tpu.sem_alloc : memref<!tpu.dma_semaphore, #tpu.memory_space<semaphore_mem>>
        %dma_start3A = arith.constant 0 : i32
        %dma_start3A_61 = tpu.memref_slice %arg8[%add3A_48, %dma_start3A] : memref<112640x128xf32, #tpu.memory_space<hbm>> -> memref<320x128xf32, #tpu.memory_space<hbm>>
        %dma_start3A_62 = arith.constant 0 : i32
        %dma_start3A_63 = tpu.memref_slice %arg16[%mul3A_50, %dma_start3A_62] : memref<5136x128xf32, #tpu.memory_space<vmem_shared>> -> memref<320x128xf32, #tpu.memory_space<vmem_shared>>
        tpu.enqueue_dma source(%dma_start3A_63 : memref<320x128xf32, #tpu.memory_space<vmem_shared>>) target(%dma_start3A_61 : memref<320x128xf32, #tpu.memory_space<hbm>>) target_semaphore(%run_scoped3A : memref<!tpu.dma_semaphore, #tpu.memory_space<semaphore_mem>>)
        %dma_wait3A = arith.constant 0 : i32
        %dma_wait3A_64 = tpu.memref_slice %arg8[%add3A_48, %dma_wait3A] : memref<112640x128xf32, #tpu.memory_space<hbm>> -> memref<320x128xf32, #tpu.memory_space<hbm>>
        %dma_wait3A_65 = arith.constant 0 : i32
        %dma_wait3A_66 = tpu.memref_slice %arg16[%mul3A_50, %dma_wait3A_65] : memref<5136x128xf32, #tpu.memory_space<vmem_shared>> -> memref<320x128xf32, #tpu.memory_space<vmem_shared>>
        tpu.wait_dma2 semaphore(%run_scoped3A : memref<!tpu.dma_semaphore, #tpu.memory_space<semaphore_mem>>) src(%dma_wait3A_66 : memref<320x128xf32, #tpu.memory_space<vmem_shared>>) dst(%dma_wait3A_64 : memref<320x128xf32, #tpu.memory_space<hbm>>)
        tpu.yield
      }) : () -> ()
      %barrier3A_51 = arith.constant 0 : index
      tpu.barrier barrier_id(%barrier3A_51)
      %mul3A_52 = arith.constant 320 : i32
      %mul3A_53 = arith.muli %arg1, %mul3A_52 : i32
      %add3A_54 = arith.constant 0 : i32
      %add3A_55 = arith.addi %mul3A_53, %add3A_54 : i32
      "tpu.region"() ({
        %run_scoped3A = tpu.sem_alloc : memref<!tpu.dma_semaphore, #tpu.memory_space<semaphore_mem>>
        %dma_start3A = arith.constant 0 : i32
        %dma_start3A_61 = tpu.memref_slice %arg16[%add3A_55, %dma_start3A] : memref<5136x128xf32, #tpu.memory_space<vmem_shared>> -> memref<160x128xf32, #tpu.memory_space<vmem_shared>>
        %dma_start3A_62 = arith.constant 0 : i32
        %dma_start3A_63 = tpu.memref_slice %arg16[%add3A_55, %dma_start3A_62] : memref<5136x128xf32, #tpu.memory_space<vmem_shared>> -> memref<160x128xf32, #tpu.memory_space<vmem_shared>>
        tpu.enqueue_dma source(%arg15 : memref<160x128xf32, #tpu.memory_space<vmem>>) target(%dma_start3A_63 : memref<160x128xf32, #tpu.memory_space<vmem_shared>>) target_semaphore(%run_scoped3A : memref<!tpu.dma_semaphore, #tpu.memory_space<semaphore_mem>>)
        %dma_wait3A = arith.constant 0 : i32
        %dma_wait3A_64 = tpu.memref_slice %arg16[%add3A_55, %dma_wait3A] : memref<5136x128xf32, #tpu.memory_space<vmem_shared>> -> memref<160x128xf32, #tpu.memory_space<vmem_shared>>
        %dma_wait3A_65 = arith.constant 0 : i32
        %dma_wait3A_66 = tpu.memref_slice %arg16[%add3A_55, %dma_wait3A_65] : memref<5136x128xf32, #tpu.memory_space<vmem_shared>> -> memref<160x128xf32, #tpu.memory_space<vmem_shared>>
        tpu.wait_dma2 semaphore(%run_scoped3A : memref<!tpu.dma_semaphore, #tpu.memory_space<semaphore_mem>>) src(%arg15 : memref<160x128xf32, #tpu.memory_space<vmem>>) dst(%dma_wait3A_66 : memref<160x128xf32, #tpu.memory_space<vmem_shared>>)
        tpu.yield
      }) : () -> ()
      %mul3A_56 = arith.constant 320 : i32
      %mul3A_57 = arith.muli %arg1, %mul3A_56 : i32
      %add3A_58 = arith.constant 160 : i32
      %add3A_59 = arith.addi %mul3A_57, %add3A_58 : i32
      "tpu.region"() ({
        %run_scoped3A = tpu.sem_alloc : memref<!tpu.dma_semaphore, #tpu.memory_space<semaphore_mem>>
        %dma_start3A = arith.constant 0 : i32
        %dma_start3A_61 = tpu.memref_slice %arg16[%add3A_59, %dma_start3A] : memref<5136x128xf32, #tpu.memory_space<vmem_shared>> -> memref<160x128xf32, #tpu.memory_space<vmem_shared>>
        %dma_start3A_62 = arith.constant 0 : i32
        %dma_start3A_63 = tpu.memref_slice %arg16[%add3A_59, %dma_start3A_62] : memref<5136x128xf32, #tpu.memory_space<vmem_shared>> -> memref<160x128xf32, #tpu.memory_space<vmem_shared>>
        tpu.enqueue_dma source(%arg15 : memref<160x128xf32, #tpu.memory_space<vmem>>) target(%dma_start3A_63 : memref<160x128xf32, #tpu.memory_space<vmem_shared>>) target_semaphore(%run_scoped3A : memref<!tpu.dma_semaphore, #tpu.memory_space<semaphore_mem>>)
        %dma_wait3A = arith.constant 0 : i32
        %dma_wait3A_64 = tpu.memref_slice %arg16[%add3A_59, %dma_wait3A] : memref<5136x128xf32, #tpu.memory_space<vmem_shared>> -> memref<160x128xf32, #tpu.memory_space<vmem_shared>>
        %dma_wait3A_65 = arith.constant 0 : i32
        %dma_wait3A_66 = tpu.memref_slice %arg16[%add3A_59, %dma_wait3A_65] : memref<5136x128xf32, #tpu.memory_space<vmem_shared>> -> memref<160x128xf32, #tpu.memory_space<vmem_shared>>
        tpu.wait_dma2 semaphore(%run_scoped3A : memref<!tpu.dma_semaphore, #tpu.memory_space<semaphore_mem>>) src(%arg15 : memref<160x128xf32, #tpu.memory_space<vmem>>) dst(%dma_wait3A_66 : memref<160x128xf32, #tpu.memory_space<vmem_shared>>)
        tpu.yield
      }) : () -> ()
      %barrier3A_60 = arith.constant 0 : index
      tpu.barrier barrier_id(%barrier3A_60)
    }
    %scan3A_24 = arith.constant 11 : i32
    return
  }
}

module attributes {stable_mosaic.version = 14 : i64} {
  func.func @_divide_kernel(%arg0: i32, %arg1: memref<320x128xf32, #tpu.memory_space<vmem>>, %arg2: memref<320x128xf32, #tpu.memory_space<vmem>>, %arg3: memref<320x128xf32, #tpu.memory_space<vmem>>) attributes {dimension_semantics = [#tpu.dimension_semantics<arbitrary>], iteration_bounds = array<i64: 352>, scalar_prefetch = 0 : i64, scratch_operands = 0 : i64, tpu.core_type = #tpu.core_type<tc>, window_params = [{transform_indices = @transform_0, window_bounds = array<i64: 320, 128>}, {transform_indices = @transform_1, window_bounds = array<i64: 320, 128>}, {transform_indices = @transform_2, window_bounds = array<i64: 320, 128>}]} {
    %get3A = arith.constant 0 : index
    %get3A_0 = arith.constant 0 : index
    %get3A_1 = vector.load %arg2[%get3A, %get3A_0] : memref<320x128xf32, #tpu.memory_space<vmem>>, vector<320x1xf32>
    %max3A = arith.constant 1.000000e+00 : f32
    %max3A_2 = vector.broadcast %max3A : f32 to vector<320x1xf32>
    %max3A_3 = arith.maximumf %get3A_1, %max3A_2 : vector<320x1xf32>
    %get3A_4 = arith.constant 0 : index
    %get3A_5 = arith.constant 0 : index
    %get3A_6 = vector.load %arg1[%get3A_4, %get3A_5] : memref<320x128xf32, #tpu.memory_space<vmem>>, vector<320x128xf32>
    %div3A = vector.broadcast %max3A_3 : vector<320x1xf32> to vector<320x128xf32>
    %div3A_7 = arith.divf %get3A_6, %div3A : vector<320x128xf32>
    %swap3A = arith.constant 0 : index
    %swap3A_8 = arith.constant 0 : index
    %swap3A_9 = vector.load %arg3[%swap3A, %swap3A_8] : memref<320x128xf32, #tpu.memory_space<vmem>>, vector<320x128xf32>
    tpu.vector_store %arg3[%swap3A, %swap3A_8], %div3A_7 {strides = array<i32>} : memref<320x128xf32, #tpu.memory_space<vmem>>, vector<320x128xf32>,
    return
  }
  func.func @transform_0(%arg0: i32) -> (i32, i32) {
    %c0_i32 = arith.constant 0 : i32
    %c0_i32_0 = arith.constant 0 : i32
    return %arg0, %c0_i32 : i32, i32
  }
  func.func @transform_1(%arg0: i32) -> (i32, i32) {
    %c0_i32 = arith.constant 0 : i32
    %c0_i32_0 = arith.constant 0 : i32
    return %arg0, %c0_i32 : i32, i32
  }
  func.func @transform_2(%arg0: i32) -> (i32, i32) {
    %c0_i32 = arith.constant 0 : i32
    %c0_i32_0 = arith.constant 0 : i32
    return %arg0, %c0_i32 : i32, i32
  }
}

module attributes {stable_mosaic.version = 14 : i64} {
  func.func @_divide_kernel(%arg0: i32, %arg1: memref<320x128xf32, #tpu.memory_space<vmem>>, %arg2: memref<320x128xf32, #tpu.memory_space<vmem>>, %arg3: memref<320x128xf32, #tpu.memory_space<vmem>>) attributes {dimension_semantics = [#tpu.dimension_semantics<arbitrary>], iteration_bounds = array<i64: 320>, scalar_prefetch = 0 : i64, scratch_operands = 0 : i64, tpu.core_type = #tpu.core_type<tc>, window_params = [{transform_indices = @transform_0, window_bounds = array<i64: 320, 128>}, {transform_indices = @transform_1, window_bounds = array<i64: 320, 128>}, {transform_indices = @transform_2, window_bounds = array<i64: 320, 128>}]} {
    %get3A = arith.constant 0 : index
    %get3A_0 = arith.constant 0 : index
    %get3A_1 = vector.load %arg2[%get3A, %get3A_0] : memref<320x128xf32, #tpu.memory_space<vmem>>, vector<320x1xf32>
    %max3A = arith.constant 1.000000e+00 : f32
    %max3A_2 = vector.broadcast %max3A : f32 to vector<320x1xf32>
    %max3A_3 = arith.maximumf %get3A_1, %max3A_2 : vector<320x1xf32>
    %get3A_4 = arith.constant 0 : index
    %get3A_5 = arith.constant 0 : index
    %get3A_6 = vector.load %arg1[%get3A_4, %get3A_5] : memref<320x128xf32, #tpu.memory_space<vmem>>, vector<320x128xf32>
    %div3A = vector.broadcast %max3A_3 : vector<320x1xf32> to vector<320x128xf32>
    %div3A_7 = arith.divf %get3A_6, %div3A : vector<320x128xf32>
    %swap3A = arith.constant 0 : index
    %swap3A_8 = arith.constant 0 : index
    %swap3A_9 = vector.load %arg3[%swap3A, %swap3A_8] : memref<320x128xf32, #tpu.memory_space<vmem>>, vector<320x128xf32>
    tpu.vector_store %arg3[%swap3A, %swap3A_8], %div3A_7 {strides = array<i32>} : memref<320x128xf32, #tpu.memory_space<vmem>>, vector<320x128xf32>,
    return
  }
  func.func @transform_0(%arg0: i32) -> (i32, i32) {
    %c0_i32 = arith.constant 0 : i32
    %c0_i32_0 = arith.constant 0 : i32
    return %arg0, %c0_i32 : i32, i32
  }
  func.func @transform_1(%arg0: i32) -> (i32, i32) {
    %c0_i32 = arith.constant 0 : i32
    %c0_i32_0 = arith.constant 0 : i32
    return %arg0, %c0_i32 : i32, i32
  }
  func.func @transform_2(%arg0: i32) -> (i32, i32) {
    %c0_i32 = arith.constant 0 : i32
    %c0_i32_0 = arith.constant 0 : i32
    return %arg0, %c0_i32 : i32, i32
  }
}

</mosaic_0001>

<sc_bundles>
// kernel: kernel.6.cloned.1.call-start
scs
__scs_entry_jumppad:
0x0: {  	(pc) =	sbr.rel $0x88, $3  }
0x1: {  	(tag) =	ssettag $0x0;
	lr =	simm.s32 $0x1  }
0x2: {  	[smem:$0x3F99] =	sst lr;
	_ =	strace $0xD0000000  }
0x3: {  	_ = 	snop  }
0x4: {  	_ = 	snop  }
0x5: {  	_ = 	snop  }
0x6: {  	_ = 	snop  }
0x7: {  	_ = 	snop  }
__scs_overlays_trampoline_lowered:
0x8: {  	[smem:$0x3FA8] =	sst s0  }
0x9: {  	[smem:$0x3FA9] =	sst s1  }
0xa: {  	[smem:$0x3FAA] =	sst s2  }
0xb: {  	[smem:$0x3FAB] =	sst s3  }
0xc: {  	[smem:$0x3FAC] =	sst s4  }
0xd: {  	[smem:$0x3FAD] =	sst s5  }
0xe: {  	[smem:$0x3FAE] =	sst s6  }
0xf: {  	[smem:$0x3FAF] =	sst s7  }
0x10: {  	[smem:$0x3FB0] =	sst s8  }
0x11: {  	[smem:$0x3FB1] =	sst s9;
	s0 =	simm.s32 @!p0 $0x0  }
0x12: {  	s1 =	sld [smem:$0x3F97];
	s0 =	simm.s32 @p0 $0x1  }
0x13: {  	[smem:$0x3FB2] =	sst s0;
	s0 =	simm.s32 @!p1 $0x0  }
0x14: {  	s2 =	sld [smem:$0x3F96];
	s0 =	simm.s32 @p1 $0x1  }
0x15: {  	[smem:$0x3FB3] =	sst s0;
	s0 =	simm.s32 @!p2 $0x0  }
0x16: {  	s3 =	sld [smem:$0x3FDB];
	s0 =	simm.s32 @p2 $0x1  }
0x17: {  	s4 =	simm.s32 $0x1BF5;
	[smem:$0x3FB5] =	sst s0  }
0x18: {  	s0 =	sld [smem:$0x3F98];
	_ =	swait.ge [sflag:s4], $0x0  }
0x19: {  	s7 =	sld [smem:$0x3F99]  }
0x1a: {  	s8 =	sadd.s32 $0xFFFFE003, lr  }
0x1b: {  	s9 =	sadd.s32 $0xFFFFFEF7, lr;
	s5 =	simm.s32 $0xFFFFFFFF;
	p2 =	slt.u32 s8, $0xFFFFF086  }
0x1c: {  	p1 =	slt.u32 s9, $0xF7A;
	s5 =	simm.s32 @!p2 $0x0  }
0x1d: {  	s5 =	simm.s32 @p1 $0x1;
	p0 =	seq.s32 s7, s2  }
0x1e: {  	s7 =	smul.u32 @!p0 $0xF7A, s2;
	p2 =	seq.s32 @!p0 s5, $0x0  }
0x1f: {  	s9 =	smul.u32 $0xF7A, s1;
	s8 =	simm.s32 @!p0 $0x1BF5;
	p2 =	por !p2, p0  }
0x20: {  	[sflag:s8] =	ssyncset.s32 @!p0 $0xFFFFF086;
	s6 =	sadd.s32 @!p0 s3, s7;
	s7 =	simm.s32 @!p0 $0x108  }
0x21: {  	s3 =	sadd.s32 s3, s9;
	s6 =	sadd.s32 @!p0 $0x88, s6;
	s7 =	simm.s32 @p2 $0x1082  }
0x22: {  	[simem:s7], [sflag:s8] =	dma.local @!p0 [hbm:s6], $0xF7A  }
0x23: {  	s9 =	sor.u32 $0xD0000000, s2;
	s6 =	simm.s32 $0x108;
	_ =	swait.ge @!p0 [sflag:s8], $0x0  }
0x24: {  	s3 =	sadd.s32 $0x88, s3;
	s6 =	simm.s32 @!p1 $0x1082;
	[sflag:s4] =	ssyncset.s32 $0xFFFFF086  }
0x25: {  	[simem:s6], [sflag:s4] =	dma.local [hbm:s3], $0xF7A  }
0x26: {  	[smem:$0x3F99] =	sst s1;
	(tag) =	ssettag s2;
	_ =	strace s9  }
0x27: {  	s1 =	sld [smem:$0x3FA9]  }
0x28: {  	s2 =	sld [smem:$0x3FAA]  }
0x29: {  	s4 =	sld [smem:$0x3FAC]  }
0x2a: {  	p0 =	seq.s32 s5, $0x0;
	s5 =	sld [smem:$0x3FAD]  }
0x2b: {  	s6 =	sld [smem:$0x3FAE]  }
0x2c: {  	s7 =	sld [smem:$0x3FAF]  }
0x2d: {  	s3 =	simm.s32 $0x108;
	s8 =	sld [smem:$0x3FB0]  }
0x2e: {  	s3 =	simm.s32 @!p0 $0x1082;
	s9 =	sld [smem:$0x3FB1]  }
0x2f: {  	lr =	sadd.s32 s0, s3;
	s0 =	sld [smem:$0x3FA8]  }
0x30: {  	s3 =	sld [smem:$0x3FAB]  }
0x31: {  	[smem:$0x3FB4] =	sst s10  }
0x32: {  	s10 =	sld [smem:$0x3FB2];
	_ =	sdelay $0x3  }
0x33: {  	p0 =	seq.s32 s10, $0x1;
	s10 =	sld [smem:$0x3FB4];
	_ =	sdelay $0x3  }
0x34: {  	[smem:$0x3FB4] =	sst s10  }
0x35: {  	s10 =	sld [smem:$0x3FB3];
	_ =	sdelay $0x3  }
0x36: {  	p1 =	seq.s32 s10, $0x1;
	s10 =	sld [smem:$0x3FB4];
	_ =	sdelay $0x3  }
0x37: {  	[smem:$0x3FB4] =	sst s10  }
0x38: {  	s10 =	sld [smem:$0x3FB5]  }
0x39: {  	_ = 	snop;
	(pc) =	sbr.ind lr, $3  }
0x3a: {  	_ = 	snop  }
0x3b: {  	_ = 	snop  }
0x3c: {  	p2 =	seq.s32 s10, $0x1;
	s10 =	sld [smem:$0x3FB4]  }
0x3d: {  	_ =	shalt  }
0x3e: {  	_ =	shalt  }
0x3f: {  	_ =	shalt  }
0x40: {  	_ =	shalt  }
0x41: {  	_ =	shalt  }
0x42: {  	_ =	shalt  }
0x43: {  	_ =	shalt  }
0x44: {  	_ =	shalt  }
0x45: {  	_ =	shalt  }
0x46: {  	_ =	shalt  }
0x47: {  	_ =	shalt  }
0x48: {  	_ =	shalt  }
0x49: {  	_ =	shalt  }
0x4a: {  	_ =	shalt  }
0x4b: {  	_ =	shalt  }
0x4c: {  	_ =	shalt  }
0x4d: {  	_ =	shalt  }
0x4e: {  	_ =	shalt  }
0x4f: {  	_ =	shalt  }
0x50: {  	_ =	shalt  }
0x51: {  	_ =	shalt  }
0x52: {  	_ =	shalt  }
0x53: {  	_ =	shalt  }
0x54: {  	_ =	shalt  }
0x55: {  	_ =	shalt  }
0x56: {  	_ =	shalt  }
0x57: {  	_ =	shalt  }
0x58: {  	_ =	shalt  }
0x59: {  	_ =	shalt  }
0x5a: {  	_ =	shalt  }
0x5b: {  	_ =	shalt  }
0x5c: {  	_ =	shalt  }
0x5d: {  	_ =	shalt  }
0x5e: {  	_ =	shalt  }
0x5f: {  	_ =	shalt  }
0x60: {  	_ =	shalt  }
0x61: {  	_ =	shalt  }
0x62: {  	_ =	shalt  }
0x63: {  	_ =	shalt  }
0x64: {  	_ =	shalt  }
0x65: {  	_ =	shalt  }
0x66: {  	_ =	shalt  }
0x67: {  	_ =	shalt  }
0x68: {  	_ =	shalt  }
0x69: {  	_ =	shalt  }
0x6a: {  	_ =	shalt  }
0x6b: {  	_ =	shalt  }
0x6c: {  	_ =	shalt  }
0x6d: {  	_ =	shalt  }
0x6e: {  	_ =	shalt  }
0x6f: {  	_ =	shalt  }
0x70: {  	_ =	shalt  }
0x71: {  	_ =	shalt  }
0x72: {  	_ =	shalt  }
0x73: {  	_ =	shalt  }
0x74: {  	_ =	shalt  }
0x75: {  	_ =	shalt  }
0x76: {  	_ =	shalt  }
0x77: {  	_ =	shalt  }
0x78: {  	_ =	shalt  }
0x79: {  	_ =	shalt  }
0x7a: {  	_ =	shalt  }
0x7b: {  	_ =	shalt  }
0x7c: {  	_ =	shalt  }
0x7d: {  	_ =	shalt  }
0x7e: {  	_ =	shalt  }
0x7f: {  	_ =	shalt  }
0x80: {  	_ =	shalt  }
0x81: {  	_ =	shalt  }
0x82: {  	_ =	shalt  }
0x83: {  	_ =	shalt  }
0x84: {  	_ =	shalt  }
0x85: {  	_ =	shalt  }
0x86: {  	_ =	shalt  }
0x87: {  	_ =	shalt  }
.Lfunc_end0:
.L_simem_size_0:
called_computation_lowered:
.L_overlay_start_0:
0x88: {  	s2 =	sld [smem:$0x3FD9]  }
0x89: {  	s3 =	sld [smem:$0x3FFE];
	_ =	sdelay $0x1  }
0x8a: {  	s1 =	srdreg.scid  }
0x8b: {  	s0 =	sand.u32 $0x1, s1  }
0x8c: {  	s15 =	sshll.u32 s0, $0xA;
	s2 =	sadd.s32 s3, s2  }
0x8d: {  	s2 =	sadd.s32 s2, s15  }
0x8e: {  	[smem:$0x3FC0] =	sst s2  }
0x8f: {  	_ = 	snop  }
0x90: {  	s4 =	sld [smem:$0x3FD0];
	_ =	sdelay $0x1  }
0x91: {  	s2 =	sld [smem:$0x3FC9]  }
0x92: {  	s5 =	simm.s32 $0xB;
	s6 =	simm.s32 $0x10;
	s16 =	sld [smem:$0x3FC3]  }
0x93: {  	[smem:s6], [sflag:s5] =	dma.local [hbm:s4], $0x1  }
0x94: {  	_ =	swait.eq [sflag:s5], $0x1  }
0x95: {  	[sflag:s5] =	ssyncset.done $0x0  }
0x96: {  	[sflag:s5] =	ssyncadd.s32 $0xFFFFFFFF  }
0x97: {  	s17 =	sld [smem:$0x10];
	(tm) =	ssettm $0x1  }
0x98: {  	s18 =	sld [smem:$0x3FFB];
	_ =	sdelay $0x3  }
0x99: {  	_ =	strace s18  }
0x9a: {  	s4 =	sld [smem:$0x3FFC];
	_ =	sdelay $0x3  }
0x9b: {  	_ =	strace s4  }
0x9c: {  	s4 =	sld [smem:$0x3FFD];
	_ =	sdelay $0x3  }
0x9d: {  	_ =	strace s4  }
0x9e: {  	_ =	strace $0x8FFFFFFF  }
0x9f: {  	s19 =	sld [smem:$0x3FDB];
	_ =	sdelay $0x1  }
0xa0: {  	s20 =	simm.s32 $_scs_section_size  }
0xa1: {  	s7 =	simm.s32 $_size__tile_overlayer_lowered;
	s8 =	simm.s32 $_tile_overlayer_lowered  }
0xa2: {  	s9 =	simm.s32 $0x1BFF;
	s21 =	sshll.u32 s8, $0x1;
	s6 =	sadd.s32 s20, s19  }
0xa3: {  	s22 =	simm.s32 $0x0;
	s7 =	sshll.u32 s7, $0x1;
	s8 =	sadd.s32 s21, s6  }
0xa4: {  	[timem:s22], [sflag:s9] =	dma.local [hbm:s8], s7  }
0xa5: {  	_ =	swait.ge [sflag:s9], s7  }
0xa6: {  	s7 =	ssub.s32 $0x0, s7;
	[sflag:s9] =	ssyncset.done $0x0  }
0xa7: {  	[sflag:s9] =	ssyncadd.s32 s7;
	_ =	sdelay $0x1  }
0xa8: {  	s23 =	simm.s32 $0x1B8B  }
0xa9: {  	_ =	swait.ge [sflag:s23], $0x1  }
0xaa: {  	[sflag:s23] =	ssyncset.done $0x0  }
0xab: {  	[sflag:s23] =	ssyncadd.s32 $0xFFFFFFFF  }
0xac: {  	s7 =	sld [smem:$0x0]  }
0xad: {  	s8 =	sand.u32 $0xFFFFFFFE, s1  }
0xae: {  	p0 =	sne.s32 s1, s8  }
0xaf: {  	s8 =	sshll.u32 @p0 s8, $0xE  }
0xb0: {  	s8 =	sadd.s32 @p0 $0x11B8D, s8;
	s9 =	sshll.u32 @p0 s7, $0x11  }
0xb1: {  	s8 =	sor.u32 @p0 s9, s8  }
0xb2: {  	[sflag:s8] =	ssyncadd.remote.s32 @p0 $0x1;
	_ =	sdelay $0x1  }
0xb3: {  	s8 =	simm.s32 @p0 $0x1B8D  }
0xb4: {  	_ =	swait.eq @p0 [sflag:s8], $0x1  }
0xb5: {  	[sflag:s8] =	ssyncadd.s32 @p0 $0xFFFFFFFF  }
0xb6: {  	s9 =	sshll.u32 @!p0 s1, $0xE  }
0xb7: {  	s9 =	sor.u32 @!p0 $0x4000, s9;
	s8 =	simm.s32 @!p0 $0x1B8D  }
0xb8: {  	s7 =	sshll.u32 @!p0 s7, $0x11;
	s9 =	sadd.s32 @!p0 $0x11B8D, s9;
	_ =	swait.eq @!p0 [sflag:s8], $0x1  }
0xb9: {  	s7 =	sor.u32 @!p0 s7, s9;
	[sflag:s8] =	ssyncadd.s32 @!p0 $0xFFFFFFFF  }
0xba: {  	s25 =	simm.s32 $0x1B8E;
	s24 =	sld [smem:$0x3FFE];
	[sflag:s7] =	ssyncadd.remote.s32 @!p0 $0x1  }
0xbb: {  	s26 =	simm.s32 $execute0_lowered;
	[smem:$0x3FD2] =	sst s25  }
0xbc: {  	s8 =	sshll.u32 s26, $0x1;
	_ =	strace $0x80000049;
	[dreg:$0x1] =	wrdreg $0xFFFFFFFF  }
0xbd: {  	s28 =	simm.s32 $_size_execute0_lowered;
	s6 =	sadd.s32 s6, s8;
	[dreg:$0x0] =	wrdreg $0x0  }
0xbe: {  	s8 =	sshll.u32 s28, $0x1;
	[dreg:$0x2] =	wrdreg s6  }
0xbf: {  	[dreg:$0x3] =	wrdreg s8  }
0xc0: {  	[dreg:$0x4] =	wrdreg $0xC0  }
0xc1: {  	_ =	task [dreg:s22], $0x5FFFF  }
0xc2: {  	[dreg:$0x1] =	wrdreg $0xFFFFFFFF  }
0xc3: {  	[dreg:$0x0] =	wrdreg $0x60  }
0xc4: {  	[dreg:$0x2] =	wrdreg s17  }
0xc5: {  	[dreg:$0x3] =	wrdreg s24  }
0xc6: {  	[dreg:$0x4] =	wrdreg s2  }
0xc7: {  	[dreg:$0x5] =	wrdreg s16  }
0xc8: {  	[dreg:$0x6] =	wrdreg $0x154000  }
0xc9: {  	[dreg:$0x7] =	wrdreg $0x9  }
0xca: {  	_ =	task.clear_ibuf [dreg:s22], $0x8FFFF;
	_ =	strace $0x90000049  }
0xcb: {  	s29 =	simm.s32 $0x9;
	_ =	strace $0x8000004B  }
0xcc: {  	_ =	swait.ge [sflag:s29], $0x1  }
0xcd: {  	[sflag:s29] =	ssyncadd.s32 $0xFFFFFFFF  }
0xce: {  	_ =	strace $0x9000004B  }
0xcf: {  	_ =	sfence  }
0xd0: {  	s30 =	sld [smem:$0x0];
	_ =	sdelay $0x2  }
0xd1: {  	s31 =	sshll.u32 s1, $0xD;
	s1 =	sshrl.u32 s1, $0x2  }
0xd2: {  	s3 =	sand.u32 $0x4000, s31;
	s1 =	sadd.s32 s1, s30  }
0xd3: {  	s0 =	sor.u32 s3, s0;
	s1 =	sshll.u32 s1, $0x11  }
0xd4: {  	s0 =	sor.u32 s1, s0  }
0xd5: {  	s0 =	sadd.s32 $0x8F2B, s0  }
0xd6: {  	[sflag:s0] =	ssyncadd.remote.s32 $0x1  }
0xd7: {  	_ =	sfence.sel $0xFFFF  }
0xd8: {  	[dreg:$0x0] =	wrdreg $0xFFFFFFFF;
	(pc) =	sbr.abs _section_cstart, $3  }
0xd9: {  	[dreg:$0x1] =	wrdreg $0xFFFFFFFF  }
0xda: {  	_ =	task.clear_ibuf [dreg:s22], $0x2FFFF;
	_ =	strace $0x9FFFFFFF  }
0xdb: {  	(tm) =	ssettm $0x7FFFFFFF  }
tec
execute0_lowered:
.L_overlay_start_1:
0x0: {  	(tag) =	ssettag $0x1  }
0x1: {  	s1 =	rddreg [dreg:$0x0]  }
0x2: {  	s0 =	rddreg [dreg:$0x1]  }
0x3: {  	s2 =	rddreg [dreg:$0x2]  }
0x4: {  	s3 =	rddreg [dreg:$0x3]  }
0x5: {  	s4 =	rddreg [dreg:$0x4]  }
0x6: {  	s6 =	simm.s32 $0x0;
	s5 =	stileid.u32;
	s11 =	srdreg.scid  }
0x7: {  	s18 =	simm.s32 $0x10400;
	s19 =	simm.s32 $0x2;
	s20 =	simm.s32 $0x100  }
0x8: {  	s21 =	simm.s32 $0x200;
	s22 =	simm.s32 $0x400;
	s23 =	simm.s32 $0x1  }
0x9: {  	s24 =	simm.s32 $0x8400;
	s25 =	simm.s32 $0x300;
	[smem:$0x7FF] =	sst s6  }
0xa: {  	s7 =	sadd.s32 $0x3A9A00, s0;
	s8 =	sadd.s32 $0x3BC000, s0;
	s12 =	smul.u32 $0x28000, s5  }
0xb: {  	s9 =	sadd.s32 $0x3CE600, s0;
	s30 =	sand.u32 $0x1, s11;
	s11 =	smul.u32 $0x140, s5  }
0xc: {  	s10 =	sadd.s32 $0x55E600, s0;
	s16 =	smul.u32 $0x1260, s5;
	s13 =	ssub.s32 $0x2, s30  }
0xd: {  	s15 =	smul.u32 $0x9300, s5;
	s12 =	sshrl.u32 s12, $0x2;
	s14 =	sshrl.u32 s13, $0x1  }
0xe: {  	_ =	strace $0x8000004A;
	s12 =	sadd.s32 s12, s4;
	s17 =	ssub.s32 s13, s14  }
0xf: {  	s14 =	smul.u32 $0x1400, s30;
	s13 =	sadd.s32 $0x5000, s12;
	s31 =	smax.u32 s17, $0x1  }
0x10: {  	v0 =	vimm.f32 $0.0e+00;
	v1 =	vimm.f32 $1.000000000e+00;
	s17 =	sadd.s32 s16, s1;
	s16 =	simm.s32 $0x0;
	[dreg:$0x6] =	wrdreg s31  }
.LBB2_1:
0x11: {  	[dreg:$0x7] =	wrdreg s16;
	s0 =	simm.s32 $0x0;
	s16 =	simm.s32 $0x200  }
.LBB2_2:
0x12: {  	p0 =	sne.s32 s16, $0x13E00;
	[tilespmem:s0+$0x10470] =	vst v0  }
0x13: {  	[tilespmem:s0+$0x10400] =	vst v0  }
0x14: {  	[tilespmem:s0+$0x10410] =	vst v0  }
.Ltmp0:
0x15: {  	[tilespmem:s0+$0x10420] =	vst v0;
	(pc) =	sbr.rel @p0 .LBB2_2-.Ltmp0, $4  }
0x16: {  	[tilespmem:s0+$0x10430] =	vst v0  }
0x17: {  	[tilespmem:s0+$0x10440] =	vst v0  }
0x18: {  	[tilespmem:s0+$0x10450] =	vst v0  }
0x19: {  	[tilespmem:s0+$0x10460] =	vst v0;
	s0 =	sshra.s32 s16, $0x2;
	s16 =	sadd.s32 $0x200, s16  }
0x1a: {  	[tilespmem:s0+$0x10470] =	vst v0  }
0x1b: {  	[tilespmem:s0+$0x10400] =	vst v0  }
0x1c: {  	[tilespmem:s0+$0x10410] =	vst v0  }
0x1d: {  	[tilespmem:s0+$0x10420] =	vst v0  }
0x1e: {  	[tilespmem:s0+$0x10430] =	vst v0  }
0x1f: {  	[tilespmem:s0+$0x10440] =	vst v0  }
0x20: {  	[tilespmem:s0+$0x10450] =	vst v0  }
0x21: {  	[tilespmem:s0+$0x10460] =	vst v0  }
0x22: {  	[spmem:s12] =	stream.linear.scatter [tilespmem:s18], [sflag:$0x2], $0x5000, $0x38;
	[tilespmem:$0x1F480] =	vst v63  }
0x23: {  	_ =	swait.ge [sflag:s19], $0x5000  }
0x24: {  	[sflag:s19] =	ssyncset.done $0x0  }
0x25: {  	[sflag:s19] =	ssyncadd.s32 $0xFFFFB000  }
0x26: {  	[spmem:s13] =	stream.linear.scatter [tilespmem:s18], [sflag:$0x2], $0x5000, $0x38;
	[tilespmem:$0x1F480] =	vst v63  }
0x27: {  	_ =	swait.ge [sflag:s19], $0x5000  }
0x28: {  	[sflag:s19] =	ssyncset.done $0x0  }
0x29: {  	[sflag:s19] =	ssyncadd.s32 $0xFFFFB000  }
0x2a: {  	s31 =	simm.s32 $0x0;
	[bflag:$0x0] =	sbarrier.arrive $0xFFFF  }
.LBB2_4:
0x2b: {  	s0 =	smul.u32 $0x2800, s31;
	_ =	sdelay $0x1  }
0x2c: {  	s28 =	sadd.s32 s14, s0  }
0x2d: {  	s29 =	simm.s32 $0x0;
	v2 =	vmov s28  }
.LBB2_5:
0x2e: {  	s0 =	sshll.u32 s29, $0x8  }
0x2f: {  	s0 =	sadd.s32 s15, s0  }
0x30: {  	s0 =	sshrl.u32 s0, $0x3  }
0x31: {  	s26 =	simm.s32 $0x0;
	s16 =	sadd.s32 s1, s0  }
0x32: {  	[tilespmem:s26], [sflag:$0x2] =	stream.linear.gather [hbm4b:s16+s26], $0x100, $0x38;
	[tilespmem:$0x1F480] =	vst v63  }
0x33: {  	_ =	swait.ge [sflag:s19], $0x100  }
0x34: {  	[sflag:s19] =	ssyncset.done $0x0  }
0x35: {  	s30 =	sadd.s32 s7, s0;
	[sflag:s19] =	ssyncadd.s32 $0xFFFFFF00  }
0x36: {  	[tilespmem:s20], [sflag:$0x2] =	stream.linear.gather [hbm4b:s30+s26], $0x100, $0x38;
	[tilespmem:$0x1F480] =	vst v63  }
0x37: {  	_ =	swait.ge [sflag:s19], $0x100  }
0x38: {  	[sflag:s19] =	ssyncset.done $0x0  }
0x39: {  	s0 =	sadd.s32 s8, s0;
	[sflag:s19] =	ssyncadd.s32 $0xFFFFFF00  }
0x3a: {  	[tilespmem:s21], [sflag:$0x2] =	stream.linear.gather [hbm4b:s0+s26], $0x100, $0x38;
	[tilespmem:$0x1F480] =	vst v63  }
0x3b: {  	_ =	swait.ge [sflag:s19], $0x100  }
0x3c: {  	[sflag:s19] =	ssyncset.done $0x0  }
0x3d: {  	[sflag:s19] =	ssyncadd.s32 $0xFFFFFF00  }
0x3e: {  	[tilespmem:s22], [sflag:$0x1] =	stream.indirect.gather [hbm4b:s2+s20], $0x80, s20, s20, $0xb8;
	[tilespmem:$0x1F480] =	vst v63  }
0x3f: {  	_ =	swait.ge [sflag:s23], $0x8000  }
0x40: {  	[sflag:s23] =	ssyncset.done $0x0  }
0x41: {  	[sflag:s23] =	ssyncadd.s32 $0xFFFF8000  }
0x42: {  	[tilespmem:s24], [sflag:$0x1] =	stream.indirect.gather [hbm4b:s3+s20], $0x80, s21, s20, $0xb8;
	[tilespmem:$0x1F480] =	vst v63  }
0x43: {  	_ =	swait.ge [sflag:s23], $0x8000  }
0x44: {  	[sflag:s23] =	ssyncset.done $0x0  }
0x45: {  	s0 =	simm.s32 $0x0;
	[sflag:s23] =	ssyncadd.s32 $0xFFFF8000  }
0x46: {  	v10 =	vld [tilespmem:s0+$0x8400]  }
0x47: {  	v14 =	vld [tilespmem:s0+$0x8410]  }
0x48: {  	v8 =	vld [tilespmem:s0+$0x8420]  }
0x49: {  	v7 =	vld [tilespmem:s0+$0x8430]  }
0x4a: {  	v6 =	vld [tilespmem:s0+$0x8440]  }
0x4b: {  	v5 =	vld [tilespmem:s0+$0x8450]  }
0x4c: {  	v4 =	vld [tilespmem:s0+$0x8460]  }
0x4d: {  	v3 =	vld [tilespmem:s0+$0x8470]  }
0x4e: {  	v15 =	vld [tilespmem:s0+$0x400]  }
0x4f: {  	v16 =	vld [tilespmem:s0+$0x410]  }
0x50: {  	v13 =	vld [tilespmem:s0+$0x420]  }
0x51: {  	v12 =	vld [tilespmem:s0+$0x430]  }
0x52: {  	v11 =	vld [tilespmem:s0+$0x440]  }
0x53: {  	v9 =	vld [tilespmem:s0+$0x450];
	v15 =	vmul.f32 v10, v15  }
0x54: {  	s16 =	simm.s32 $0x200;
	v14 =	vmul.f32 v14, v16;
	v10 =	vld [tilespmem:s0+$0x460]  }
.LBB2_6:
0x55: {  	s26 =	sshra.s32 s16, $0x2;
	p0 =	sne.s32 s16, $0x1FE00;
	[tilespmem:s0+$0x400] =	vst v15;
	v8 =	vmul.f32 v8, v13;
	v13 =	vld [tilespmem:s0+$0x470]  }
0x56: {  	v15 =	vld [tilespmem:s26+$0x8400];
	[tilespmem:s0+$0x410] =	vst v14;
	v7 =	vmul.f32 v7, v12  }
0x57: {  	v14 =	vld [tilespmem:s26+$0x8410];
	[tilespmem:s0+$0x420] =	vst v8;
	v6 =	vmul.f32 v6, v11  }
0x58: {  	v8 =	vld [tilespmem:s26+$0x8420];
	[tilespmem:s0+$0x430] =	vst v7;
	v5 =	vmul.f32 v5, v9  }
0x59: {  	v7 =	vld [tilespmem:s26+$0x8430];
	[tilespmem:s0+$0x440] =	vst v6;
	v4 =	vmul.f32 v4, v10  }
0x5a: {  	v6 =	vld [tilespmem:s26+$0x8440];
	[tilespmem:s0+$0x450] =	vst v5;
	v3 =	vmul.f32 v3, v13  }
0x5b: {  	v5 =	vld [tilespmem:s26+$0x8450];
	[tilespmem:s0+$0x460] =	vst v4  }
0x5c: {  	v4 =	vld [tilespmem:s26+$0x8460];
	[tilespmem:s0+$0x470] =	vst v3;
	s0 =	smov.u32 s26  }
0x5d: {  	v3 =	vld [tilespmem:s0+$0x8470]  }
0x5e: {  	v9 =	vld [tilespmem:s0+$0x400]  }
0x5f: {  	v10 =	vld [tilespmem:s0+$0x410]  }
.Ltmp1:
0x60: {  	v13 =	vld [tilespmem:s0+$0x420];
	(pc) =	sbr.rel @p0 .LBB2_6-.Ltmp1, $4  }
0x61: {  	v12 =	vld [tilespmem:s0+$0x430]  }
0x62: {  	v11 =	vld [tilespmem:s0+$0x440]  }
0x63: {  	v15 =	vmul.f32 v15, v9;
	v9 =	vld [tilespmem:s0+$0x450]  }
0x64: {  	s16 =	sadd.s32 $0x200, s16;
	v14 =	vmul.f32 v14, v10;
	v10 =	vld [tilespmem:s0+$0x460]  }
0x65: {  	[tilespmem:s0+$0x400] =	vst v15;
	v8 =	vmul.f32 v8, v13;
	v39 =	vld [tilespmem:s0+$0x470]  }
0x66: {  	[tilespmem:s0+$0x410] =	vst v14;
	v7 =	vmul.f32 v7, v12  }
0x67: {  	[tilespmem:s0+$0x420] =	vst v8;
	v6 =	vmul.f32 v6, v11  }
0x68: {  	[tilespmem:s0+$0x430] =	vst v7;
	v5 =	vmul.f32 v5, v9  }
0x69: {  	[tilespmem:s0+$0x440] =	vst v6;
	v4 =	vmul.f32 v4, v10  }
0x6a: {  	[tilespmem:s0+$0x450] =	vst v5;
	v3 =	vmul.f32 v3, v39  }
0x6b: {  	[tilespmem:s0+$0x460] =	vst v4  }
0x6c: {  	[tilespmem:s0+$0x470] =	vst v3  }
0x6d: {  	v3 =	vld [tilespmem:$0x0]  }
0x6e: {  	v4 =	vld [tilespmem:$0x10]  }
0x6f: {  	v5 =	vld [tilespmem:$0x20]  }
0x70: {  	v6 =	vld [tilespmem:$0x30]  }
0x71: {  	v7 =	vld [tilespmem:$0x40]  }
0x72: {  	v8 =	vld [tilespmem:$0x50];
	v3 =	vsub.s32 v3, v2  }
0x73: {  	v40 =	vld [tilespmem:$0x60];
	v4 =	vsub.s32 v4, v2;
	v3 =	vmin.u32 v3, $0x1400  }
0x74: {  	v42 =	vld [tilespmem:$0x70];
	v41 =	vsub.s32 v5, v2;
	[tilespmem:$0x300] =	vst v3;
	v3 =	vmin.u32 v4, $0x1400  }
0x75: {  	v44 =	vld [tilespmem:$0x80];
	v43 =	vsub.s32 v6, v2;
	[tilespmem:$0x310] =	vst v3;
	v3 =	vmin.u32 v41, $0x1400  }
0x76: {  	v46 =	vld [tilespmem:$0x90];
	v45 =	vsub.s32 v7, v2;
	[tilespmem:$0x320] =	vst v3;
	v3 =	vmin.u32 v43, $0x1400  }
0x77: {  	v48 =	vld [tilespmem:$0xA0];
	v47 =	vsub.s32 v8, v2;
	[tilespmem:$0x330] =	vst v3;
	v3 =	vmin.u32 v45, $0x1400  }
0x78: {  	v50 =	vld [tilespmem:$0xB0];
	v49 =	vsub.s32 v40, v2;
	[tilespmem:$0x340] =	vst v3;
	v3 =	vmin.u32 v47, $0x1400  }
0x79: {  	v52 =	vld [tilespmem:$0xC0];
	v51 =	vsub.s32 v42, v2;
	[tilespmem:$0x350] =	vst v3;
	v3 =	vmin.u32 v49, $0x1400  }
0x7a: {  	v54 =	vld [tilespmem:$0xD0];
	v53 =	vsub.s32 v44, v2;
	[tilespmem:$0x360] =	vst v3;
	v3 =	vmin.u32 v51, $0x1400  }
0x7b: {  	v56 =	vld [tilespmem:$0xE0];
	v55 =	vsub.s32 v46, v2;
	[tilespmem:$0x370] =	vst v3;
	v3 =	vmin.u32 v53, $0x1400  }
0x7c: {  	v58 =	vld [tilespmem:$0xF0];
	v57 =	vsub.s32 v48, v2;
	[tilespmem:$0x380] =	vst v3;
	v3 =	vmin.u32 v55, $0x1400  }
0x7d: {  	v59 =	vsub.s32 v50, v2;
	[tilespmem:$0x390] =	vst v3;
	v3 =	vmin.u32 v57, $0x1400  }
0x7e: {  	v60 =	vsub.s32 v52, v2;
	[tilespmem:$0x3A0] =	vst v3;
	v3 =	vmin.u32 v59, $0x1400  }
0x7f: {  	v61 =	vsub.s32 v54, v2;
	[tilespmem:$0x3B0] =	vst v3;
	v3 =	vmin.u32 v60, $0x1400  }
0x80: {  	v62 =	vsub.s32 v56, v2;
	[tilespmem:$0x3C0] =	vst v3;
	v3 =	vmin.u32 v61, $0x1400  }
0x81: {  	s29 =	sadd.s32 $0x1, s29;
	v63 =	vsub.s32 v58, v2;
	[tilespmem:$0x3D0] =	vst v3;
	v3 =	vmin.u32 v62, $0x1400  }
0x82: {  	p0 =	sne.s32 s29, $0x93;
	[tilespmem:$0x3E0] =	vst v3;
	v3 =	vmin.u32 v63, $0x1400  }
.Ltmp2:
0x83: {  	[tilespmem:$0x3F0] =	vst v3;
	(pc) =	sbr.rel @p0 .LBB2_5-.Ltmp2, $4  }
0x84: {  	[spmem:s4] =	stream.indirect.scatter.add.f32 [tilespmem:s22], [sflag:$0x2], $0x80, s25, s20, $0xb8;
	[tilespmem:$0x1F480] =	vst v63  }
0x85: {  	_ =	swait.ge [sflag:s19], $0x8000  }
0x86: {  	[sflag:s19] =	ssyncset.done $0x0  }
0x87: {  	[sflag:s19] =	ssyncadd.s32 $0xFFFF8000  }
0x88: {  	s0 =	sadd.s32 s11, s28  }
0x89: {  	[bflag:$0x0] =	sbarrier.arrive $0xFFFF;
	s16 =	sshll.u32 s5, $0x6;
	s0 =	sshll.u32 s0, $0x4  }
0x8a: {  	s29 =	sshrl.u32 s12, $0x3;
	s28 =	sor.u32 $0x1C02, s16;
	s0 =	sadd.s32 s9, s0  }
0x8b: {  	[hbm:s0], [sflag:s28] =	dma.local [spmem:s29], $0x1400  }
0x8c: {  	_ =	swait.ge [sflag:s19], $0x1400  }
0x8d: {  	[sflag:s19] =	ssyncset.done $0x0  }
0x8e: {  	[sflag:s19] =	ssyncadd.s32 $0xFFFFEC00  }
0x8f: {  	[bflag:$0x0] =	sbarrier.arrive $0xFFFF  }
0x90: {  	[spmem:s12] =	stream.linear.scatter [tilespmem:s18], [sflag:$0x2], $0x5000, $0x38;
	[tilespmem:$0x1F480] =	vst v63  }
0x91: {  	_ =	swait.ge [sflag:s19], $0x5000  }
0x92: {  	s31 =	sadd.s32 $0x1, s31;
	[sflag:s19] =	ssyncset.done $0x0  }
0x93: {  	p0 =	sne.s32 s31, $0xA;
	[sflag:s19] =	ssyncadd.s32 $0xFFFFB000  }
0x94: {  	[spmem:s13] =	stream.linear.scatter [tilespmem:s18], [sflag:$0x2], $0x5000, $0x38;
	[tilespmem:$0x1F480] =	vst v63  }
.Ltmp3:
0x95: {  	_ =	swait.ge [sflag:s19], $0x5000;
	(pc) =	sbr.rel @p0 .LBB2_4-.Ltmp3, $4  }
0x96: {  	[sflag:s19] =	ssyncset.done $0x0  }
0x97: {  	[sflag:s19] =	ssyncadd.s32 $0xFFFFB000  }
0x98: {  	[bflag:$0x0] =	sbarrier.arrive $0xFFFF  }
0x99: {  	s30 =	simm.s32 $0x0  }
0x9a: {  	s0 =	sshra.s32 s30, $0x2;
	s16 =	sadd.s32 $0x200, s30  }
.LBB2_10:
0x9b: {  	p0 =	sne.s32 s16, $0x1FE00;
	[tilespmem:s0+$0x470] =	vst v1  }
0x9c: {  	[tilespmem:s0+$0x400] =	vst v1  }
0x9d: {  	[tilespmem:s0+$0x410] =	vst v1  }
.Ltmp4:
0x9e: {  	[tilespmem:s0+$0x420] =	vst v1;
	(pc) =	sbr.rel @p0 .LBB2_10-.Ltmp4, $4  }
0x9f: {  	[tilespmem:s0+$0x430] =	vst v1  }
0xa0: {  	[tilespmem:s0+$0x440] =	vst v1  }
0xa1: {  	[tilespmem:s0+$0x450] =	vst v1  }
0xa2: {  	[tilespmem:s0+$0x460] =	vst v1;
	s0 =	sshra.s32 s16, $0x2;
	s16 =	sadd.s32 $0x200, s16  }
0xa3: {  	[tilespmem:s0+$0x470] =	vst v1  }
0xa4: {  	[tilespmem:s0+$0x400] =	vst v1  }
0xa5: {  	[tilespmem:s0+$0x410] =	vst v1  }
0xa6: {  	[tilespmem:s0+$0x420] =	vst v1  }
0xa7: {  	[tilespmem:s0+$0x430] =	vst v1  }
0xa8: {  	[tilespmem:s0+$0x440] =	vst v1  }
0xa9: {  	[tilespmem:s0+$0x450] =	vst v1  }
0xaa: {  	[tilespmem:s0+$0x460] =	vst v1  }
.LBB2_12:
0xab: {  	s0 =	sadd.s32 $0x0, s17  }
0xac: {  	[tilespmem:s6], [sflag:$0x2] =	stream.linear.gather [hbm4b:s0+s6], $0x100, $0x38;
	[tilespmem:$0x1F480] =	vst v63  }
0xad: {  	_ =	swait.ge [sflag:s19], $0x100  }
0xae: {  	s26 =	smul.u32 $0x2800, s30;
	[sflag:s19] =	ssyncset.done $0x0  }
0xaf: {  	[sflag:s19] =	ssyncadd.s32 $0xFFFFFF00  }
0xb0: {  	s31 =	sadd.s32 s14, s26;
	v3 =	vld [tilespmem:$0xA0]  }
0xb1: {  	s16 =	simm.s32 $0x40;
	s0 =	simm.s32 $0x20;
	v2 =	vmov s31;
	v4 =	vld [tilespmem:$0x60]  }
.LBB2_13:
0xb2: {  	p0 =	sne.s32 s16, $0x1240;
	v5 =	vld [tilespmem:$0xB0];
	s26 =	smov.u32 s16;
	s16 =	sadd.s32 $0x20, s16  }
0xb3: {  	v6 =	vld [tilespmem:$0xD0]  }
0xb4: {  	v7 =	vld [tilespmem:$0x40]  }
0xb5: {  	v8 =	vld [tilespmem:$0xF0]  }
0xb6: {  	v3 =	vsub.s32 v3, v2;
	v4 =	vsub.s32 v4, v2;
	v9 =	vld [tilespmem:$0x90]  }
0xb7: {  	v3 =	vmin.u32 v3, $0x1400;
	v10 =	vld [tilespmem:$0x20];
	v4 =	vmin.u32 v4, $0x1400;
	v5 =	vsub.s32 v5, v2  }
0xb8: {  	[tilespmem:$0x360] =	vst v4;
	v4 =	vmin.u32 v5, $0x1400;
	v5 =	vsub.s32 v6, v2;
	v6 =	vld [tilespmem:$0xE0]  }
0xb9: {  	v11 =	vld [tilespmem:$0x30];
	v7 =	vsub.s32 v7, v2;
	[tilespmem:$0x3A0] =	vst v3;
	v3 =	vmin.u32 v5, $0x1400  }
0xba: {  	v5 =	vmin.u32 v7, $0x1400;
	v7 =	vld [tilespmem:$0x50];
	[tilespmem:$0x3B0] =	vst v4;
	v4 =	vsub.s32 v8, v2  }
0xbb: {  	v8 =	vld [tilespmem:$0x0];
	v9 =	vsub.s32 v9, v2;
	[tilespmem:$0x3D0] =	vst v3;
	v3 =	vmin.u32 v4, $0x1400  }
0xbc: {  	v4 =	vld [tilespmem:$0x10];
	v10 =	vsub.s32 v10, v2;
	[tilespmem:$0x340] =	vst v5;
	v5 =	vmin.u32 v9, $0x1400  }
0xbd: {  	v9 =	vmin.u32 v10, $0x1400;
	v10 =	vld [tilespmem:$0xC0];
	v6 =	vsub.s32 v6, v2;
	[tilespmem:$0x3F0] =	vst v3  }
0xbe: {  	[tilespmem:$0x320] =	vst v9;
	v3 =	vsub.s32 v11, v2;
	v9 =	vld [tilespmem:$0x70];
	v6 =	vmin.u32 v6, $0x1400  }
0xbf: {  	v3 =	vmin.u32 v3, $0x1400;
	v7 =	vsub.s32 v7, v2;
	v11 =	vld [tilespmem:$0x80];
	[tilespmem:$0x390] =	vst v5  }
0xc0: {  	v5 =	vsub.s32 v8, v2;
	[tilespmem:$0x330] =	vst v3;
	v3 =	vmin.u32 v7, $0x1400  }
0xc1: {  	v5 =	vmin.u32 v5, $0x1400;
	v4 =	vsub.s32 v4, v2;
	[tilespmem:$0x350] =	vst v3  }
0xc2: {  	v3 =	vmin.u32 v4, $0x1400;
	v4 =	vsub.s32 v10, v2;
	[tilespmem:$0x3E0] =	vst v6  }
0xc3: {  	[tilespmem:$0x300] =	vst v5;
	v5 =	vsub.s32 v9, v2;
	v4 =	vmin.u32 v4, $0x1400  }
0xc4: {  	v5 =	vmin.u32 v5, $0x1400;
	v6 =	vsub.s32 v11, v2;
	[tilespmem:$0x3C0] =	vst v4  }
0xc5: {  	[tilespmem:$0x370] =	vst v5;
	v4 =	vmin.u32 v6, $0x1400  }
0xc6: {  	[tilespmem:$0x380] =	vst v4  }
0xc7: {  	[tilespmem:$0x310] =	vst v3  }
0xc8: {  	[spmem:s4] =	stream.indirect.scatter.add.f32 [tilespmem:s22], [sflag:$0x2], $0x80, s25, s20, $0xb8;
	[tilespmem:$0x1F480] =	vst v63  }
0xc9: {  	_ =	swait.ge [sflag:s19], $0x8000  }
0xca: {  	[sflag:s19] =	ssyncset.done $0x0  }
0xcb: {  	s5 =	sadd.s32 s0, s17;
	s0 =	smov.u32 s26;
	[sflag:s19] =	ssyncadd.s32 $0xFFFF8000  }
0xcc: {  	[tilespmem:s6], [sflag:$0x2] =	stream.linear.gather [hbm4b:s5+s6], $0x100, $0x38;
	[tilespmem:$0x1F480] =	vst v63  }
.Ltmp5:
0xcd: {  	_ =	swait.ge [sflag:s19], $0x100;
	(pc) =	sbr.rel @p0 .LBB2_13-.Ltmp5, $4  }
0xce: {  	[sflag:s19] =	ssyncset.done $0x0  }
0xcf: {  	[sflag:s19] =	ssyncadd.s32 $0xFFFFFF00  }
0xd0: {  	v3 =	vld [tilespmem:$0xA0]  }
0xd1: {  	v4 =	vld [tilespmem:$0x60]  }
0xd2: {  	v5 =	vld [tilespmem:$0xB0]  }
0xd3: {  	v6 =	vld [tilespmem:$0xD0]  }
0xd4: {  	v7 =	vld [tilespmem:$0x40]  }
0xd5: {  	v8 =	vld [tilespmem:$0xF0];
	v3 =	vsub.s32 v3, v2  }
0xd6: {  	v9 =	vld [tilespmem:$0x20];
	v4 =	vsub.s32 v4, v2;
	v3 =	vmin.u32 v3, $0x1400  }
0xd7: {  	v30 =	vld [tilespmem:$0x30];
	v4 =	vmin.u32 v4, $0x1400;
	v5 =	vsub.s32 v5, v2;
	[tilespmem:$0x3A0] =	vst v3  }
0xd8: {  	v10 =	vld [tilespmem:$0x90];
	v29 =	vsub.s32 v6, v2;
	[tilespmem:$0x360] =	vst v4;
	v28 =	vmin.u32 v5, $0x1400  }
0xd9: {  	v31 =	vld [tilespmem:$0x50];
	v3 =	vsub.s32 v7, v2;
	v5 =	vmin.u32 v29, $0x1400;
	[tilespmem:$0x3B0] =	vst v28  }
0xda: {  	v34 =	vld [tilespmem:$0xC0];
	v8 =	vsub.s32 v8, v2;
	v3 =	vmin.u32 v3, $0x1400;
	[tilespmem:$0x3D0] =	vst v5  }
0xdb: {  	v36 =	vld [tilespmem:$0x80];
	v9 =	vsub.s32 v9, v2;
	v8 =	vmin.u32 v8, $0x1400;
	[tilespmem:$0x340] =	vst v3  }
0xdc: {  	v32 =	vld [tilespmem:$0xE0];
	v6 =	vsub.s32 v30, v2;
	v9 =	vmin.u32 v9, $0x1400;
	[tilespmem:$0x3F0] =	vst v8  }
0xdd: {  	v33 =	vld [tilespmem:$0x0];
	v6 =	vmin.u32 v6, $0x1400;
	v3 =	vsub.s32 v10, v2;
	[tilespmem:$0x320] =	vst v9  }
0xde: {  	v35 =	vld [tilespmem:$0x70];
	v7 =	vsub.s32 v31, v2;
	[tilespmem:$0x330] =	vst v6;
	v3 =	vmin.u32 v3, $0x1400  }
0xdf: {  	v38 =	vsub.s32 v34, v2;
	v37 =	vmin.u32 v7, $0x1400;
	[tilespmem:$0x390] =	vst v3;
	v3 =	vld [tilespmem:$0x10]  }
0xe0: {  	v41 =	vsub.s32 v36, v2;
	v40 =	vmin.u32 v38, $0x1400;
	[tilespmem:$0x350] =	vst v37  }
0xe1: {  	v4 =	vsub.s32 v32, v2;
	v42 =	vmin.u32 v41, $0x1400;
	[tilespmem:$0x3C0] =	vst v40  }
0xe2: {  	v4 =	vmin.u32 v4, $0x1400;
	v5 =	vsub.s32 v33, v2;
	[tilespmem:$0x380] =	vst v42  }
0xe3: {  	v39 =	vsub.s32 v35, v2;
	v5 =	vmin.u32 v5, $0x1400;
	[tilespmem:$0x3E0] =	vst v4  }
0xe4: {  	v4 =	vmin.u32 v39, $0x1400;
	[tilespmem:$0x300] =	vst v5;
	v3 =	vsub.s32 v3, v2  }
0xe5: {  	[tilespmem:$0x370] =	vst v4;
	v3 =	vmin.u32 v3, $0x1400  }
0xe6: {  	[tilespmem:$0x310] =	vst v3  }
0xe7: {  	[spmem:s4] =	stream.indirect.scatter.add.f32 [tilespmem:s22], [sflag:$0x2], $0x80, s25, s20, $0xb8;
	[tilespmem:$0x1F480] =	vst v63  }
0xe8: {  	_ =	swait.ge [sflag:s19], $0x8000  }
0xe9: {  	[sflag:s19] =	ssyncset.done $0x0  }
0xea: {  	s0 =	sadd.s32 s0, s17;
	[sflag:s19] =	ssyncadd.s32 $0xFFFF8000  }
0xeb: {  	[tilespmem:s6], [sflag:$0x2] =	stream.linear.gather [hbm4b:s0+s6], $0x100, $0x38;
	[tilespmem:$0x1F480] =	vst v63  }
0xec: {  	_ =	swait.ge [sflag:s19], $0x100  }
0xed: {  	[sflag:s19] =	ssyncset.done $0x0  }
0xee: {  	[sflag:s19] =	ssyncadd.s32 $0xFFFFFF00  }
0xef: {  	v3 =	vld [tilespmem:$0x60]  }
0xf0: {  	v43 =	vld [tilespmem:$0xA0]  }
0xf1: {  	v44 =	vld [tilespmem:$0xB0]  }
0xf2: {  	v47 =	vld [tilespmem:$0xF0]  }
0xf3: {  	v48 =	vld [tilespmem:$0x20]  }
0xf4: {  	v45 =	vld [tilespmem:$0xD0]  }
0xf5: {  	v51 =	vld [tilespmem:$0x30];
	v3 =	vsub.s32 v3, v2  }
0xf6: {  	v53 =	vld [tilespmem:$0x50];
	v4 =	vsub.s32 v43, v2;
	v3 =	vmin.u32 v3, $0x1400  }
0xf7: {  	v56 =	vld [tilespmem:$0xC0];
	v8 =	vsub.s32 v47, v2;
	v4 =	vmin.u32 v4, $0x1400;
	[tilespmem:$0x360] =	vst v3  }
0xf8: {  	v46 =	vld [tilespmem:$0x40];
	v9 =	vsub.s32 v48, v2;
	v8 =	vmin.u32 v8, $0x1400;
	[tilespmem:$0x3A0] =	vst v4  }
0xf9: {  	v49 =	vld [tilespmem:$0x90];
	v5 =	vsub.s32 v44, v2;
	v9 =	vmin.u32 v9, $0x1400;
	[tilespmem:$0x3F0] =	vst v8  }
0xfa: {  	v54 =	vld [tilespmem:$0x0];
	v6 =	vsub.s32 v51, v2;
	v3 =	vmin.u32 v5, $0x1400;
	[tilespmem:$0x320] =	vst v9  }
0xfb: {  	v7 =	vsub.s32 v53, v2;
	v6 =	vmin.u32 v6, $0x1400;
	[tilespmem:$0x3B0] =	vst v3;
	v3 =	vld [tilespmem:$0xE0]  }
0xfc: {  	v57 =	vld [tilespmem:$0x70];
	v61 =	vsub.s32 v56, v2;
	v60 =	vmin.u32 v7, $0x1400;
	[tilespmem:$0x330] =	vst v6  }
0xfd: {  	v58 =	vld [tilespmem:$0x80];
	v50 =	vsub.s32 v45, v2;
	v62 =	vmin.u32 v61, $0x1400;
	[tilespmem:$0x350] =	vst v60  }
0xfe: {  	v59 =	vld [tilespmem:$0x10];
	v52 =	vsub.s32 v46, v2;
	v5 =	vmin.u32 v50, $0x1400;
	[tilespmem:$0x3C0] =	vst v62  }
0xff: {  	v55 =	vsub.s32 v49, v2;
	v4 =	vmin.u32 v52, $0x1400;
	[tilespmem:$0x3D0] =	vst v5  }
0x100: {  	[tilespmem:$0x340] =	vst v4;
	v4 =	vmin.u32 v55, $0x1400;
	v3 =	vsub.s32 v3, v2  }
0x101: {  	v5 =	vsub.s32 v54, v2;
	[tilespmem:$0x390] =	vst v4;
	v3 =	vmin.u32 v3, $0x1400  }
0x102: {  	v5 =	vmin.u32 v5, $0x1400;
	[tilespmem:$0x3E0] =	vst v3;
	v3 =	vsub.s32 v57, v2  }
0x103: {  	v63 =	vsub.s32 v58, v2;
	[tilespmem:$0x300] =	vst v5;
	v2 =	vsub.s32 v59, v2;
	v3 =	vmin.u32 v3, $0x1400  }
0x104: {  	v2 =	vmin.u32 v2, $0x1400;
	[tilespmem:$0x370] =	vst v3  }
0x105: {  	v3 =	vmin.u32 v63, $0x1400;
	[tilespmem:$0x310] =	vst v2  }
0x106: {  	[tilespmem:$0x380] =	vst v3  }
0x107: {  	[spmem:s4] =	stream.indirect.scatter.add.f32 [tilespmem:s22], [sflag:$0x2], $0x80, s25, s20, $0xb8;
	[tilespmem:$0x1F480] =	vst v63  }
0x108: {  	_ =	swait.ge [sflag:s19], $0x8000  }
0x109: {  	s31 =	sadd.s32 s11, s31;
	[sflag:s19] =	ssyncset.done $0x0  }
0x10a: {  	s0 =	sshll.u32 s31, $0x4;
	[sflag:s19] =	ssyncadd.s32 $0xFFFF8000  }
0x10b: {  	s0 =	sadd.s32 s10, s0;
	[bflag:$0x0] =	sbarrier.arrive $0xFFFF  }
0x10c: {  	[hbm:s0], [sflag:s28] =	dma.local [spmem:s29], $0x1400  }
0x10d: {  	_ =	swait.ge [sflag:s19], $0x1400  }
0x10e: {  	[sflag:s19] =	ssyncset.done $0x0  }
0x10f: {  	[sflag:s19] =	ssyncadd.s32 $0xFFFFEC00  }
0x110: {  	[bflag:$0x0] =	sbarrier.arrive $0xFFFF  }
0x111: {  	[spmem:s12] =	stream.linear.scatter [tilespmem:s18], [sflag:$0x2], $0x5000, $0x38;
	[tilespmem:$0x1F480] =	vst v63  }
0x112: {  	_ =	swait.ge [sflag:s19], $0x5000  }
0x113: {  	s30 =	sadd.s32 $0x1, s30;
	[sflag:s19] =	ssyncset.done $0x0  }
0x114: {  	p0 =	sne.s32 s30, $0xA;
	[sflag:s19] =	ssyncadd.s32 $0xFFFFB000  }
0x115: {  	[spmem:s13] =	stream.linear.scatter [tilespmem:s18], [sflag:$0x2], $0x5000, $0x38;
	[tilespmem:$0x1F480] =	vst v63  }
.Ltmp6:
0x116: {  	_ =	swait.ge [sflag:s19], $0x5000;
	(pc) =	sbr.rel @p0 .LBB2_12-.Ltmp6, $3  }
0x117: {  	[sflag:s19] =	ssyncset.done $0x0  }
0x118: {  	[sflag:s19] =	ssyncadd.s32 $0xFFFFB000  }
0x119: {  	[bflag:$0x0] =	sbarrier.arrive $0xFFFF;
	_ =	sdelay $0x1  }
0x11a: {  	s16 =	rddreg [dreg:$0x7]  }
0x11b: {  	s0 =	rddreg [dreg:$0x6];
	s16 =	sadd.s32 $0x1, s16  }
0x11c: {  	p0 =	sne.s32 s16, s0  }
.Ltmp7:
0x11d: {  	_ = 	snop;
	(pc) =	sbr.rel @p0 .LBB2_1-.Ltmp7, $2  }
0x11e: {  	_ =	sdelay $0x2  }
0x11f: {  	s5 =	stileid.u32  }
0x120: {  	_ =	sfence.sel $0x180000  }
0x121: {  	[bflag:$0x0] =	sbarrier.arrive $0xFFFF  }
0x122: {  	_ =	strace $0x9000004A  }
0x123: {  	[bflag:$0x2] =	sbarrier.arrive $0xFFFF  }
0x124: {  	p0 =	sne.s32 s5, $0x0;
	s0 =	rddreg [dreg:$0x5]  }
0x125: {  	s0 =	sadd.s32 @!p0 $0x100000, s0  }
0x126: {  	[sflag:s0] =	ssyncadd.tile.s32 @!p0 $0x1;
	_ =	shalt  }
.Lfunc_end2:
_tile_overlayer_lowered:
.L_overlay_start_2:
0x127: {  	(tag) =	ssettag $0x2  }
0x128: {  	s0 =	rddreg [dreg:$0x0];
	s2 =	stileid.u32  }
0x129: {  	s1 =	rddreg [dreg:$0x1];
	p0 =	sne.s32 s2, $0x0  }
0x12a: {  	s3 =	rddreg [dreg:$0x2];
	[bflag:$0x3] =	sbarrier.arrive $0xFFFF;
	s2 =	simm.s32 @!p0 $0x1C02  }
0x12b: {  	[timem:s3], [sflag:s2] =	dma.local @!p0 [hbm:s0], s1  }
0x12c: {  	s0 =	simm.s32 @!p0 $0x2  }
0x12d: {  	_ =	swait.ge @!p0 [sflag:s0], s1  }
0x12e: {  	s1 =	ssub.s32 @!p0 $0x0, s1;
	[sflag:s0] =	ssyncset.done @!p0 $0x0  }
0x12f: {  	[sflag:s0] =	ssyncadd.s32 @!p0 s1  }
0x130: {  	[bflag:$0x3] =	sbarrier.arrive $0xFFFF  }
0x131: {  	_ =	shalt  }

// kernel: kernel.9.cloned.1.call-start
scs
__scs_entry_jumppad:
0x0: {  	(pc) =	sbr.rel $0x88, $3  }
0x1: {  	(tag) =	ssettag $0x0;
	lr =	simm.s32 $0x1  }
0x2: {  	[smem:$0x3F99] =	sst lr;
	_ =	strace $0xD0000000  }
0x3: {  	_ = 	snop  }
0x4: {  	_ = 	snop  }
0x5: {  	_ = 	snop  }
0x6: {  	_ = 	snop  }
0x7: {  	_ = 	snop  }
__scs_overlays_trampoline_lowered:
0x8: {  	[smem:$0x3FA8] =	sst s0  }
0x9: {  	[smem:$0x3FA9] =	sst s1  }
0xa: {  	[smem:$0x3FAA] =	sst s2  }
0xb: {  	[smem:$0x3FAB] =	sst s3  }
0xc: {  	[smem:$0x3FAC] =	sst s4  }
0xd: {  	[smem:$0x3FAD] =	sst s5  }
0xe: {  	[smem:$0x3FAE] =	sst s6  }
0xf: {  	[smem:$0x3FAF] =	sst s7  }
0x10: {  	[smem:$0x3FB0] =	sst s8  }
0x11: {  	[smem:$0x3FB1] =	sst s9;
	s0 =	simm.s32 @!p0 $0x0  }
0x12: {  	s1 =	sld [smem:$0x3F97];
	s0 =	simm.s32 @p0 $0x1  }
0x13: {  	[smem:$0x3FB2] =	sst s0;
	s0 =	simm.s32 @!p1 $0x0  }
0x14: {  	s2 =	sld [smem:$0x3F96];
	s0 =	simm.s32 @p1 $0x1  }
0x15: {  	[smem:$0x3FB3] =	sst s0;
	s0 =	simm.s32 @!p2 $0x0  }
0x16: {  	s3 =	sld [smem:$0x3FDB];
	s0 =	simm.s32 @p2 $0x1  }
0x17: {  	s4 =	simm.s32 $0x1BF5;
	[smem:$0x3FB5] =	sst s0  }
0x18: {  	s0 =	sld [smem:$0x3F98];
	_ =	swait.ge [sflag:s4], $0x0  }
0x19: {  	s7 =	sld [smem:$0x3F99]  }
0x1a: {  	s8 =	sadd.s32 $0xFFFFE003, lr  }
0x1b: {  	s9 =	sadd.s32 $0xFFFFFEF7, lr;
	s5 =	simm.s32 $0xFFFFFFFF;
	p2 =	slt.u32 s8, $0xFFFFF086  }
0x1c: {  	p1 =	slt.u32 s9, $0xF7A;
	s5 =	simm.s32 @!p2 $0x0  }
0x1d: {  	s5 =	simm.s32 @p1 $0x1;
	p0 =	seq.s32 s7, s2  }
0x1e: {  	s7 =	smul.u32 @!p0 $0xF7A, s2;
	p2 =	seq.s32 @!p0 s5, $0x0  }
0x1f: {  	s9 =	smul.u32 $0xF7A, s1;
	s8 =	simm.s32 @!p0 $0x1BF5;
	p2 =	por !p2, p0  }
0x20: {  	[sflag:s8] =	ssyncset.s32 @!p0 $0xFFFFF086;
	s6 =	sadd.s32 @!p0 s3, s7;
	s7 =	simm.s32 @!p0 $0x108  }
0x21: {  	s3 =	sadd.s32 s3, s9;
	s6 =	sadd.s32 @!p0 $0x88, s6;
	s7 =	simm.s32 @p2 $0x1082  }
0x22: {  	[simem:s7], [sflag:s8] =	dma.local @!p0 [hbm:s6], $0xF7A  }
0x23: {  	s9 =	sor.u32 $0xD0000000, s2;
	s6 =	simm.s32 $0x108;
	_ =	swait.ge @!p0 [sflag:s8], $0x0  }
0x24: {  	s3 =	sadd.s32 $0x88, s3;
	s6 =	simm.s32 @!p1 $0x1082;
	[sflag:s4] =	ssyncset.s32 $0xFFFFF086  }
0x25: {  	[simem:s6], [sflag:s4] =	dma.local [hbm:s3], $0xF7A  }
0x26: {  	[smem:$0x3F99] =	sst s1;
	(tag) =	ssettag s2;
	_ =	strace s9  }
0x27: {  	s1 =	sld [smem:$0x3FA9]  }
0x28: {  	s2 =	sld [smem:$0x3FAA]  }
0x29: {  	s4 =	sld [smem:$0x3FAC]  }
0x2a: {  	p0 =	seq.s32 s5, $0x0;
	s5 =	sld [smem:$0x3FAD]  }
0x2b: {  	s6 =	sld [smem:$0x3FAE]  }
0x2c: {  	s7 =	sld [smem:$0x3FAF]  }
0x2d: {  	s3 =	simm.s32 $0x108;
	s8 =	sld [smem:$0x3FB0]  }
0x2e: {  	s3 =	simm.s32 @!p0 $0x1082;
	s9 =	sld [smem:$0x3FB1]  }
0x2f: {  	lr =	sadd.s32 s0, s3;
	s0 =	sld [smem:$0x3FA8]  }
0x30: {  	s3 =	sld [smem:$0x3FAB]  }
0x31: {  	[smem:$0x3FB4] =	sst s10  }
0x32: {  	s10 =	sld [smem:$0x3FB2];
	_ =	sdelay $0x3  }
0x33: {  	p0 =	seq.s32 s10, $0x1;
	s10 =	sld [smem:$0x3FB4];
	_ =	sdelay $0x3  }
0x34: {  	[smem:$0x3FB4] =	sst s10  }
0x35: {  	s10 =	sld [smem:$0x3FB3];
	_ =	sdelay $0x3  }
0x36: {  	p1 =	seq.s32 s10, $0x1;
	s10 =	sld [smem:$0x3FB4];
	_ =	sdelay $0x3  }
0x37: {  	[smem:$0x3FB4] =	sst s10  }
0x38: {  	s10 =	sld [smem:$0x3FB5]  }
0x39: {  	_ = 	snop;
	(pc) =	sbr.ind lr, $3  }
0x3a: {  	_ = 	snop  }
0x3b: {  	_ = 	snop  }
0x3c: {  	p2 =	seq.s32 s10, $0x1;
	s10 =	sld [smem:$0x3FB4]  }
0x3d: {  	_ =	shalt  }
0x3e: {  	_ =	shalt  }
0x3f: {  	_ =	shalt  }
0x40: {  	_ =	shalt  }
0x41: {  	_ =	shalt  }
0x42: {  	_ =	shalt  }
0x43: {  	_ =	shalt  }
0x44: {  	_ =	shalt  }
0x45: {  	_ =	shalt  }
0x46: {  	_ =	shalt  }
0x47: {  	_ =	shalt  }
0x48: {  	_ =	shalt  }
0x49: {  	_ =	shalt  }
0x4a: {  	_ =	shalt  }
0x4b: {  	_ =	shalt  }
0x4c: {  	_ =	shalt  }
0x4d: {  	_ =	shalt  }
0x4e: {  	_ =	shalt  }
0x4f: {  	_ =	shalt  }
0x50: {  	_ =	shalt  }
0x51: {  	_ =	shalt  }
0x52: {  	_ =	shalt  }
0x53: {  	_ =	shalt  }
0x54: {  	_ =	shalt  }
0x55: {  	_ =	shalt  }
0x56: {  	_ =	shalt  }
0x57: {  	_ =	shalt  }
0x58: {  	_ =	shalt  }
0x59: {  	_ =	shalt  }
0x5a: {  	_ =	shalt  }
0x5b: {  	_ =	shalt  }
0x5c: {  	_ =	shalt  }
0x5d: {  	_ =	shalt  }
0x5e: {  	_ =	shalt  }
0x5f: {  	_ =	shalt  }
0x60: {  	_ =	shalt  }
0x61: {  	_ =	shalt  }
0x62: {  	_ =	shalt  }
0x63: {  	_ =	shalt  }
0x64: {  	_ =	shalt  }
0x65: {  	_ =	shalt  }
0x66: {  	_ =	shalt  }
0x67: {  	_ =	shalt  }
0x68: {  	_ =	shalt  }
0x69: {  	_ =	shalt  }
0x6a: {  	_ =	shalt  }
0x6b: {  	_ =	shalt  }
0x6c: {  	_ =	shalt  }
0x6d: {  	_ =	shalt  }
0x6e: {  	_ =	shalt  }
0x6f: {  	_ =	shalt  }
0x70: {  	_ =	shalt  }
0x71: {  	_ =	shalt  }
0x72: {  	_ =	shalt  }
0x73: {  	_ =	shalt  }
0x74: {  	_ =	shalt  }
0x75: {  	_ =	shalt  }
0x76: {  	_ =	shalt  }
0x77: {  	_ =	shalt  }
0x78: {  	_ =	shalt  }
0x79: {  	_ =	shalt  }
0x7a: {  	_ =	shalt  }
0x7b: {  	_ =	shalt  }
0x7c: {  	_ =	shalt  }
0x7d: {  	_ =	shalt  }
0x7e: {  	_ =	shalt  }
0x7f: {  	_ =	shalt  }
0x80: {  	_ =	shalt  }
0x81: {  	_ =	shalt  }
0x82: {  	_ =	shalt  }
0x83: {  	_ =	shalt  }
0x84: {  	_ =	shalt  }
0x85: {  	_ =	shalt  }
0x86: {  	_ =	shalt  }
0x87: {  	_ =	shalt  }
.Lfunc_end0:
.L_simem_size_0:
called_computation.1_lowered:
.L_overlay_start_0:
0x88: {  	s2 =	sld [smem:$0x3FD9]  }
0x89: {  	s3 =	sld [smem:$0x3FFE];
	_ =	sdelay $0x1  }
0x8a: {  	s1 =	srdreg.scid  }
0x8b: {  	s0 =	sand.u32 $0x1, s1  }
0x8c: {  	s14 =	sshll.u32 s0, $0xA;
	s2 =	sadd.s32 s3, s2  }
0x8d: {  	s2 =	sadd.s32 s2, s14  }
0x8e: {  	[smem:$0x3FC0] =	sst s2  }
0x8f: {  	_ = 	snop  }
0x90: {  	s2 =	sld [smem:$0x3FD0];
	_ =	sdelay $0x2  }
0x91: {  	s4 =	simm.s32 $0xB;
	s5 =	simm.s32 $0x10;
	s15 =	sld [smem:$0x3FC2]  }
0x92: {  	[smem:s5], [sflag:s4] =	dma.local [hbm:s2], $0x1  }
0x93: {  	_ =	swait.eq [sflag:s4], $0x1  }
0x94: {  	[sflag:s4] =	ssyncset.done $0x0  }
0x95: {  	[sflag:s4] =	ssyncadd.s32 $0xFFFFFFFF  }
0x96: {  	s16 =	sld [smem:$0x11];
	(tm) =	ssettm $0x1  }
0x97: {  	s17 =	sld [smem:$0x3FFB];
	_ =	sdelay $0x3  }
0x98: {  	_ =	strace s17  }
0x99: {  	s4 =	sld [smem:$0x3FFC];
	_ =	sdelay $0x3  }
0x9a: {  	_ =	strace s4  }
0x9b: {  	s4 =	sld [smem:$0x3FFD];
	_ =	sdelay $0x3  }
0x9c: {  	_ =	strace s4  }
0x9d: {  	_ =	strace $0x8FFFFFFF  }
0x9e: {  	s18 =	sld [smem:$0x3FDB];
	_ =	sdelay $0x1  }
0x9f: {  	s19 =	simm.s32 $_scs_section_size  }
0xa0: {  	s6 =	simm.s32 $_size__tile_overlayer_lowered;
	s7 =	simm.s32 $_tile_overlayer_lowered  }
0xa1: {  	s22 =	simm.s32 $0x1BFF;
	s21 =	sshll.u32 s7, $0x1;
	s4 =	sadd.s32 s19, s18  }
0xa2: {  	s8 =	simm.s32 $0x0;
	s20 =	sshll.u32 s6, $0x1;
	s6 =	sadd.s32 s21, s4  }
0xa3: {  	[timem:s8], [sflag:s22] =	dma.local [hbm:s6], s20  }
0xa4: {  	_ =	swait.ge [sflag:s22], s20  }
0xa5: {  	s5 =	ssub.s32 $0x0, s20;
	[sflag:s22] =	ssyncset.done $0x0  }
0xa6: {  	[sflag:s22] =	ssyncadd.s32 s5;
	_ =	sdelay $0x1  }
0xa7: {  	s23 =	simm.s32 $0x1B8B  }
0xa8: {  	_ =	swait.ge [sflag:s23], $0x1  }
0xa9: {  	[sflag:s23] =	ssyncset.done $0x0  }
0xaa: {  	s25 =	simm.s32 $0x1B8E;
	s24 =	sld [smem:$0x3FFE];
	[sflag:s23] =	ssyncadd.s32 $0xFFFFFFFF  }
0xab: {  	s26 =	simm.s32 $execute0_lowered;
	[smem:$0x3FD2] =	sst s25  }
0xac: {  	s6 =	sshll.u32 s26, $0x1;
	_ =	strace $0x80000046;
	[dreg:$0x1] =	wrdreg $0xFFFFFFFF  }
0xad: {  	s28 =	simm.s32 $_size_execute0_lowered;
	s4 =	sadd.s32 s4, s6;
	[dreg:$0x0] =	wrdreg $0x0  }
0xae: {  	s6 =	sshll.u32 s28, $0x1;
	[dreg:$0x2] =	wrdreg s4  }
0xaf: {  	[dreg:$0x3] =	wrdreg s6  }
0xb0: {  	[dreg:$0x4] =	wrdreg $0xC0  }
0xb1: {  	_ =	task [dreg:s8], $0x5FFFF  }
0xb2: {  	[dreg:$0x1] =	wrdreg $0xFFFFFFFF  }
0xb3: {  	[dreg:$0x0] =	wrdreg $0x60  }
0xb4: {  	[dreg:$0x2] =	wrdreg s24  }
0xb5: {  	[dreg:$0x3] =	wrdreg s16  }
0xb6: {  	[dreg:$0x4] =	wrdreg s15  }
0xb7: {  	[dreg:$0x5] =	wrdreg $0x154000  }
0xb8: {  	[dreg:$0x6] =	wrdreg $0xA  }
0xb9: {  	_ =	task.clear_ibuf [dreg:s8], $0x7FFFF;
	_ =	strace $0x90000046  }
0xba: {  	s29 =	simm.s32 $0xA;
	_ =	strace $0x80000048  }
0xbb: {  	_ =	swait.ge [sflag:s29], $0x1  }
0xbc: {  	[sflag:s29] =	ssyncadd.s32 $0xFFFFFFFF  }
0xbd: {  	_ =	strace $0x90000048  }
0xbe: {  	_ =	sfence  }
0xbf: {  	s30 =	sld [smem:$0x0];
	_ =	sdelay $0x2  }
0xc0: {  	s31 =	sshll.u32 s1, $0xD;
	s1 =	sshrl.u32 s1, $0x2  }
0xc1: {  	s3 =	sand.u32 $0x4000, s31;
	s1 =	sadd.s32 s1, s30  }
0xc2: {  	s0 =	sor.u32 s3, s0;
	s1 =	sshll.u32 s1, $0x11  }
0xc3: {  	s0 =	sor.u32 s1, s0  }
0xc4: {  	s0 =	sadd.s32 $0x8F2B, s0  }
0xc5: {  	[sflag:s0] =	ssyncadd.remote.s32 $0x1  }
0xc6: {  	_ =	sfence.sel $0xFFFF  }
0xc7: {  	[dreg:$0x0] =	wrdreg $0xFFFFFFFF;
	(pc) =	sbr.abs _section_cstart, $3  }
0xc8: {  	[dreg:$0x1] =	wrdreg $0xFFFFFFFF  }
0xc9: {  	_ =	task.clear_ibuf [dreg:s8], $0x2FFFF;
	_ =	strace $0x9FFFFFFF  }
0xca: {  	(tm) =	ssettm $0x7FFFFFFF  }
0xcb: {  	_ =	shalt  }
tec
execute0_lowered:
.L_overlay_start_1:
0x0: {  	(tag) =	ssettag $0x1  }
0x1: {  	s0 =	rddreg [dreg:$0x0]  }
0x2: {  	s1 =	rddreg [dreg:$0x1]  }
0x3: {  	s2 =	rddreg [dreg:$0x2]  }
0x4: {  	s3 =	rddreg [dreg:$0x3];
	s4 =	simm.s32 $0x0  }
0x5: {  	s5 =	stileid.u32;
	s11 =	srdreg.scid;
	s18 =	simm.s32 $0x10400  }
0x6: {  	s19 =	simm.s32 $0x2;
	s20 =	simm.s32 $0x100;
	s21 =	simm.s32 $0x200  }
0x7: {  	s22 =	simm.s32 $0x400;
	s23 =	simm.s32 $0x1;
	s24 =	simm.s32 $0x8400  }
0x8: {  	s25 =	simm.s32 $0x300;
	[smem:$0x7FF] =	sst s4;
	s6 =	sadd.s32 $0x27400, s0  }
0x9: {  	s7 =	sadd.s32 $0x2800, s0;
	s8 =	sadd.s32 $0x14E00, s0;
	s12 =	smul.u32 $0x28000, s5  }
0xa: {  	s9 =	sadd.s32 $0x39A00, s0;
	s30 =	sand.u32 $0x1, s11;
	s11 =	smul.u32 $0x140, s5  }
0xb: {  	s10 =	sadd.s32 $0x1F1A00, s0;
	s16 =	smul.u32 $0x1260, s5;
	s13 =	ssub.s32 $0x2, s30  }
0xc: {  	s15 =	smul.u32 $0x9300, s5;
	s12 =	sshrl.u32 s12, $0x2;
	s14 =	sshrl.u32 s13, $0x1  }
0xd: {  	_ =	strace $0x80000047;
	s12 =	sadd.s32 s12, s3;
	s17 =	ssub.s32 s13, s14  }
0xe: {  	s14 =	smul.u32 $0x1400, s30;
	s13 =	sadd.s32 $0x5000, s12;
	s31 =	smax.u32 s17, $0x1  }
0xf: {  	v0 =	vimm.f32 $0.0e+00;
	v1 =	vimm.f32 $1.000000000e+00;
	s17 =	sadd.s32 s16, s6;
	s16 =	simm.s32 $0x0;
	[dreg:$0x5] =	wrdreg s31  }
.LBB2_1:
0x10: {  	[dreg:$0x6] =	wrdreg s16;
	s0 =	simm.s32 $0x0;
	s16 =	simm.s32 $0x200  }
.LBB2_2:
0x11: {  	p0 =	sne.s32 s16, $0x13E00;
	[tilespmem:s0+$0x10470] =	vst v0  }
0x12: {  	[tilespmem:s0+$0x10400] =	vst v0  }
0x13: {  	[tilespmem:s0+$0x10410] =	vst v0  }
.Ltmp0:
0x14: {  	[tilespmem:s0+$0x10420] =	vst v0;
	(pc) =	sbr.rel @p0 .LBB2_2-.Ltmp0, $4  }
0x15: {  	[tilespmem:s0+$0x10430] =	vst v0  }
0x16: {  	[tilespmem:s0+$0x10440] =	vst v0  }
0x17: {  	[tilespmem:s0+$0x10450] =	vst v0  }
0x18: {  	[tilespmem:s0+$0x10460] =	vst v0;
	s0 =	sshra.s32 s16, $0x2;
	s16 =	sadd.s32 $0x200, s16  }
0x19: {  	[tilespmem:s0+$0x10470] =	vst v0  }
0x1a: {  	[tilespmem:s0+$0x10400] =	vst v0  }
0x1b: {  	[tilespmem:s0+$0x10410] =	vst v0  }
0x1c: {  	[tilespmem:s0+$0x10420] =	vst v0  }
0x1d: {  	[tilespmem:s0+$0x10430] =	vst v0  }
0x1e: {  	[tilespmem:s0+$0x10440] =	vst v0  }
0x1f: {  	[tilespmem:s0+$0x10450] =	vst v0  }
0x20: {  	[tilespmem:s0+$0x10460] =	vst v0  }
0x21: {  	[spmem:s12] =	stream.linear.scatter [tilespmem:s18], [sflag:$0x2], $0x5000, $0x38;
	[tilespmem:$0x1F480] =	vst v63  }
0x22: {  	_ =	swait.ge [sflag:s19], $0x5000  }
0x23: {  	[sflag:s19] =	ssyncset.done $0x0  }
0x24: {  	[sflag:s19] =	ssyncadd.s32 $0xFFFFB000  }
0x25: {  	[spmem:s13] =	stream.linear.scatter [tilespmem:s18], [sflag:$0x2], $0x5000, $0x38;
	[tilespmem:$0x1F480] =	vst v63  }
0x26: {  	_ =	swait.ge [sflag:s19], $0x5000  }
0x27: {  	[sflag:s19] =	ssyncset.done $0x0  }
0x28: {  	[sflag:s19] =	ssyncadd.s32 $0xFFFFB000  }
0x29: {  	s31 =	simm.s32 $0x0;
	[bflag:$0x0] =	sbarrier.arrive $0xFFFF  }
.LBB2_4:
0x2a: {  	s0 =	smul.u32 $0x2800, s31;
	_ =	sdelay $0x1  }
0x2b: {  	s28 =	sadd.s32 s14, s0  }
0x2c: {  	s29 =	simm.s32 $0x0;
	v2 =	vmov s28  }
.LBB2_5:
0x2d: {  	s0 =	sshll.u32 s29, $0x8  }
0x2e: {  	s0 =	sadd.s32 s15, s0  }
0x2f: {  	s0 =	sshrl.u32 s0, $0x3  }
0x30: {  	s26 =	simm.s32 $0x0;
	s16 =	sadd.s32 s6, s0  }
0x31: {  	[tilespmem:s26], [sflag:$0x2] =	stream.linear.gather [hbm4b:s16+s26], $0x100, $0x38;
	[tilespmem:$0x1F480] =	vst v63  }
0x32: {  	_ =	swait.ge [sflag:s19], $0x100  }
0x33: {  	[sflag:s19] =	ssyncset.done $0x0  }
0x34: {  	s30 =	sadd.s32 s7, s0;
	[sflag:s19] =	ssyncadd.s32 $0xFFFFFF00  }
0x35: {  	[tilespmem:s20], [sflag:$0x2] =	stream.linear.gather [hbm4b:s30+s26], $0x100, $0x38;
	[tilespmem:$0x1F480] =	vst v63  }
0x36: {  	_ =	swait.ge [sflag:s19], $0x100  }
0x37: {  	[sflag:s19] =	ssyncset.done $0x0  }
0x38: {  	s0 =	sadd.s32 s8, s0;
	[sflag:s19] =	ssyncadd.s32 $0xFFFFFF00  }
0x39: {  	[tilespmem:s21], [sflag:$0x2] =	stream.linear.gather [hbm4b:s0+s26], $0x100, $0x38;
	[tilespmem:$0x1F480] =	vst v63  }
0x3a: {  	_ =	swait.ge [sflag:s19], $0x100  }
0x3b: {  	[sflag:s19] =	ssyncset.done $0x0  }
0x3c: {  	[sflag:s19] =	ssyncadd.s32 $0xFFFFFF00  }
0x3d: {  	[tilespmem:s22], [sflag:$0x1] =	stream.indirect.gather [hbm4b:s1+s20], $0x80, s20, s20, $0xb8;
	[tilespmem:$0x1F480] =	vst v63  }
0x3e: {  	_ =	swait.ge [sflag:s23], $0x8000  }
0x3f: {  	[sflag:s23] =	ssyncset.done $0x0  }
0x40: {  	[sflag:s23] =	ssyncadd.s32 $0xFFFF8000  }
0x41: {  	[tilespmem:s24], [sflag:$0x1] =	stream.indirect.gather [hbm4b:s2+s20], $0x80, s21, s20, $0xb8;
	[tilespmem:$0x1F480] =	vst v63  }
0x42: {  	_ =	swait.ge [sflag:s23], $0x8000  }
0x43: {  	[sflag:s23] =	ssyncset.done $0x0  }
0x44: {  	s0 =	simm.s32 $0x0;
	[sflag:s23] =	ssyncadd.s32 $0xFFFF8000  }
0x45: {  	v10 =	vld [tilespmem:s0+$0x8400]  }
0x46: {  	v14 =	vld [tilespmem:s0+$0x8410]  }
0x47: {  	v8 =	vld [tilespmem:s0+$0x8420]  }
0x48: {  	v7 =	vld [tilespmem:s0+$0x8430]  }
0x49: {  	v6 =	vld [tilespmem:s0+$0x8440]  }
0x4a: {  	v5 =	vld [tilespmem:s0+$0x8450]  }
0x4b: {  	v4 =	vld [tilespmem:s0+$0x8460]  }
0x4c: {  	v3 =	vld [tilespmem:s0+$0x8470]  }
0x4d: {  	v15 =	vld [tilespmem:s0+$0x400]  }
0x4e: {  	v16 =	vld [tilespmem:s0+$0x410]  }
0x4f: {  	v13 =	vld [tilespmem:s0+$0x420]  }
0x50: {  	v12 =	vld [tilespmem:s0+$0x430]  }
0x51: {  	v11 =	vld [tilespmem:s0+$0x440]  }
0x52: {  	v9 =	vld [tilespmem:s0+$0x450];
	v15 =	vmul.f32 v10, v15  }
0x53: {  	s16 =	simm.s32 $0x200;
	v14 =	vmul.f32 v14, v16;
	v10 =	vld [tilespmem:s0+$0x460]  }
.LBB2_6:
0x54: {  	s26 =	sshra.s32 s16, $0x2;
	p0 =	sne.s32 s16, $0x1FE00;
	[tilespmem:s0+$0x400] =	vst v15;
	v8 =	vmul.f32 v8, v13;
	v13 =	vld [tilespmem:s0+$0x470]  }
0x55: {  	v15 =	vld [tilespmem:s26+$0x8400];
	[tilespmem:s0+$0x410] =	vst v14;
	v7 =	vmul.f32 v7, v12  }
0x56: {  	v14 =	vld [tilespmem:s26+$0x8410];
	[tilespmem:s0+$0x420] =	vst v8;
	v6 =	vmul.f32 v6, v11  }
0x57: {  	v8 =	vld [tilespmem:s26+$0x8420];
	[tilespmem:s0+$0x430] =	vst v7;
	v5 =	vmul.f32 v5, v9  }
0x58: {  	v7 =	vld [tilespmem:s26+$0x8430];
	[tilespmem:s0+$0x440] =	vst v6;
	v4 =	vmul.f32 v4, v10  }
0x59: {  	v6 =	vld [tilespmem:s26+$0x8440];
	[tilespmem:s0+$0x450] =	vst v5;
	v3 =	vmul.f32 v3, v13  }
0x5a: {  	v5 =	vld [tilespmem:s26+$0x8450];
	[tilespmem:s0+$0x460] =	vst v4  }
0x5b: {  	v4 =	vld [tilespmem:s26+$0x8460];
	[tilespmem:s0+$0x470] =	vst v3;
	s0 =	smov.u32 s26  }
0x5c: {  	v3 =	vld [tilespmem:s0+$0x8470]  }
0x5d: {  	v9 =	vld [tilespmem:s0+$0x400]  }
0x5e: {  	v10 =	vld [tilespmem:s0+$0x410]  }
.Ltmp1:
0x5f: {  	v13 =	vld [tilespmem:s0+$0x420];
	(pc) =	sbr.rel @p0 .LBB2_6-.Ltmp1, $4  }
0x60: {  	v12 =	vld [tilespmem:s0+$0x430]  }
0x61: {  	v11 =	vld [tilespmem:s0+$0x440]  }
0x62: {  	v15 =	vmul.f32 v15, v9;
	v9 =	vld [tilespmem:s0+$0x450]  }
0x63: {  	s16 =	sadd.s32 $0x200, s16;
	v14 =	vmul.f32 v14, v10;
	v10 =	vld [tilespmem:s0+$0x460]  }
0x64: {  	[tilespmem:s0+$0x400] =	vst v15;
	v8 =	vmul.f32 v8, v13;
	v39 =	vld [tilespmem:s0+$0x470]  }
0x65: {  	[tilespmem:s0+$0x410] =	vst v14;
	v7 =	vmul.f32 v7, v12  }
0x66: {  	[tilespmem:s0+$0x420] =	vst v8;
	v6 =	vmul.f32 v6, v11  }
0x67: {  	[tilespmem:s0+$0x430] =	vst v7;
	v5 =	vmul.f32 v5, v9  }
0x68: {  	[tilespmem:s0+$0x440] =	vst v6;
	v4 =	vmul.f32 v4, v10  }
0x69: {  	[tilespmem:s0+$0x450] =	vst v5;
	v3 =	vmul.f32 v3, v39  }
0x6a: {  	[tilespmem:s0+$0x460] =	vst v4  }
0x6b: {  	[tilespmem:s0+$0x470] =	vst v3  }
0x6c: {  	v3 =	vld [tilespmem:$0x0]  }
0x6d: {  	v4 =	vld [tilespmem:$0x10]  }
0x6e: {  	v5 =	vld [tilespmem:$0x20]  }
0x6f: {  	v6 =	vld [tilespmem:$0x30]  }
0x70: {  	v7 =	vld [tilespmem:$0x40]  }
0x71: {  	v8 =	vld [tilespmem:$0x50];
	v3 =	vsub.s32 v3, v2  }
0x72: {  	v40 =	vld [tilespmem:$0x60];
	v4 =	vsub.s32 v4, v2;
	v3 =	vmin.u32 v3, $0x1400  }
0x73: {  	v42 =	vld [tilespmem:$0x70];
	v41 =	vsub.s32 v5, v2;
	[tilespmem:$0x300] =	vst v3;
	v3 =	vmin.u32 v4, $0x1400  }
0x74: {  	v44 =	vld [tilespmem:$0x80];
	v43 =	vsub.s32 v6, v2;
	[tilespmem:$0x310] =	vst v3;
	v3 =	vmin.u32 v41, $0x1400  }
0x75: {  	v46 =	vld [tilespmem:$0x90];
	v45 =	vsub.s32 v7, v2;
	[tilespmem:$0x320] =	vst v3;
	v3 =	vmin.u32 v43, $0x1400  }
0x76: {  	v48 =	vld [tilespmem:$0xA0];
	v47 =	vsub.s32 v8, v2;
	[tilespmem:$0x330] =	vst v3;
	v3 =	vmin.u32 v45, $0x1400  }
0x77: {  	v50 =	vld [tilespmem:$0xB0];
	v49 =	vsub.s32 v40, v2;
	[tilespmem:$0x340] =	vst v3;
	v3 =	vmin.u32 v47, $0x1400  }
0x78: {  	v52 =	vld [tilespmem:$0xC0];
	v51 =	vsub.s32 v42, v2;
	[tilespmem:$0x350] =	vst v3;
	v3 =	vmin.u32 v49, $0x1400  }
0x79: {  	v54 =	vld [tilespmem:$0xD0];
	v53 =	vsub.s32 v44, v2;
	[tilespmem:$0x360] =	vst v3;
	v3 =	vmin.u32 v51, $0x1400  }
0x7a: {  	v56 =	vld [tilespmem:$0xE0];
	v55 =	vsub.s32 v46, v2;
	[tilespmem:$0x370] =	vst v3;
	v3 =	vmin.u32 v53, $0x1400  }
0x7b: {  	v58 =	vld [tilespmem:$0xF0];
	v57 =	vsub.s32 v48, v2;
	[tilespmem:$0x380] =	vst v3;
	v3 =	vmin.u32 v55, $0x1400  }
0x7c: {  	v59 =	vsub.s32 v50, v2;
	[tilespmem:$0x390] =	vst v3;
	v3 =	vmin.u32 v57, $0x1400  }
0x7d: {  	v60 =	vsub.s32 v52, v2;
	[tilespmem:$0x3A0] =	vst v3;
	v3 =	vmin.u32 v59, $0x1400  }
0x7e: {  	v61 =	vsub.s32 v54, v2;
	[tilespmem:$0x3B0] =	vst v3;
	v3 =	vmin.u32 v60, $0x1400  }
0x7f: {  	v62 =	vsub.s32 v56, v2;
	[tilespmem:$0x3C0] =	vst v3;
	v3 =	vmin.u32 v61, $0x1400  }
0x80: {  	s29 =	sadd.s32 $0x1, s29;
	v63 =	vsub.s32 v58, v2;
	[tilespmem:$0x3D0] =	vst v3;
	v3 =	vmin.u32 v62, $0x1400  }
0x81: {  	p0 =	sne.s32 s29, $0x93;
	[tilespmem:$0x3E0] =	vst v3;
	v3 =	vmin.u32 v63, $0x1400  }
.Ltmp2:
0x82: {  	[tilespmem:$0x3F0] =	vst v3;
	(pc) =	sbr.rel @p0 .LBB2_5-.Ltmp2, $4  }
0x83: {  	[spmem:s3] =	stream.indirect.scatter.add.f32 [tilespmem:s22], [sflag:$0x2], $0x80, s25, s20, $0xb8;
	[tilespmem:$0x1F480] =	vst v63  }
0x84: {  	_ =	swait.ge [sflag:s19], $0x8000  }
0x85: {  	[sflag:s19] =	ssyncset.done $0x0  }
0x86: {  	[sflag:s19] =	ssyncadd.s32 $0xFFFF8000  }
0x87: {  	s0 =	sadd.s32 s11, s28  }
0x88: {  	[bflag:$0x0] =	sbarrier.arrive $0xFFFF;
	s16 =	sshll.u32 s5, $0x6;
	s0 =	sshll.u32 s0, $0x4  }
0x89: {  	s29 =	sshrl.u32 s12, $0x3;
	s28 =	sor.u32 $0x1C02, s16;
	s0 =	sadd.s32 s9, s0  }
0x8a: {  	[hbm:s0], [sflag:s28] =	dma.local [spmem:s29], $0x1400  }
0x8b: {  	_ =	swait.ge [sflag:s19], $0x1400  }
0x8c: {  	[sflag:s19] =	ssyncset.done $0x0  }
0x8d: {  	[sflag:s19] =	ssyncadd.s32 $0xFFFFEC00  }
0x8e: {  	[bflag:$0x0] =	sbarrier.arrive $0xFFFF  }
0x8f: {  	[spmem:s12] =	stream.linear.scatter [tilespmem:s18], [sflag:$0x2], $0x5000, $0x38;
	[tilespmem:$0x1F480] =	vst v63  }
0x90: {  	_ =	swait.ge [sflag:s19], $0x5000  }
0x91: {  	s31 =	sadd.s32 $0x1, s31;
	[sflag:s19] =	ssyncset.done $0x0  }
0x92: {  	p0 =	sne.s32 s31, $0xB;
	[sflag:s19] =	ssyncadd.s32 $0xFFFFB000  }
0x93: {  	[spmem:s13] =	stream.linear.scatter [tilespmem:s18], [sflag:$0x2], $0x5000, $0x38;
	[tilespmem:$0x1F480] =	vst v63  }
.Ltmp3:
0x94: {  	_ =	swait.ge [sflag:s19], $0x5000;
	(pc) =	sbr.rel @p0 .LBB2_4-.Ltmp3, $4  }
0x95: {  	[sflag:s19] =	ssyncset.done $0x0  }
0x96: {  	[sflag:s19] =	ssyncadd.s32 $0xFFFFB000  }
0x97: {  	[bflag:$0x0] =	sbarrier.arrive $0xFFFF  }
0x98: {  	s30 =	simm.s32 $0x0  }
0x99: {  	s0 =	sshra.s32 s30, $0x2;
	s16 =	sadd.s32 $0x200, s30  }
.LBB2_10:
0x9a: {  	p0 =	sne.s32 s16, $0x1FE00;
	[tilespmem:s0+$0x470] =	vst v1  }
0x9b: {  	[tilespmem:s0+$0x400] =	vst v1  }
0x9c: {  	[tilespmem:s0+$0x410] =	vst v1  }
.Ltmp4:
0x9d: {  	[tilespmem:s0+$0x420] =	vst v1;
	(pc) =	sbr.rel @p0 .LBB2_10-.Ltmp4, $4  }
0x9e: {  	[tilespmem:s0+$0x430] =	vst v1  }
0x9f: {  	[tilespmem:s0+$0x440] =	vst v1  }
0xa0: {  	[tilespmem:s0+$0x450] =	vst v1  }
0xa1: {  	[tilespmem:s0+$0x460] =	vst v1;
	s0 =	sshra.s32 s16, $0x2;
	s16 =	sadd.s32 $0x200, s16  }
0xa2: {  	[tilespmem:s0+$0x470] =	vst v1  }
0xa3: {  	[tilespmem:s0+$0x400] =	vst v1  }
0xa4: {  	[tilespmem:s0+$0x410] =	vst v1  }
0xa5: {  	[tilespmem:s0+$0x420] =	vst v1  }
0xa6: {  	[tilespmem:s0+$0x430] =	vst v1  }
0xa7: {  	[tilespmem:s0+$0x440] =	vst v1  }
0xa8: {  	[tilespmem:s0+$0x450] =	vst v1  }
0xa9: {  	[tilespmem:s0+$0x460] =	vst v1  }
.LBB2_12:
0xaa: {  	s0 =	sadd.s32 $0x0, s17  }
0xab: {  	[tilespmem:s4], [sflag:$0x2] =	stream.linear.gather [hbm4b:s0+s4], $0x100, $0x38;
	[tilespmem:$0x1F480] =	vst v63  }
0xac: {  	_ =	swait.ge [sflag:s19], $0x100  }
0xad: {  	s26 =	smul.u32 $0x2800, s30;
	[sflag:s19] =	ssyncset.done $0x0  }
0xae: {  	[sflag:s19] =	ssyncadd.s32 $0xFFFFFF00  }
0xaf: {  	s31 =	sadd.s32 s14, s26;
	v3 =	vld [tilespmem:$0xA0]  }
0xb0: {  	s16 =	simm.s32 $0x40;
	s0 =	simm.s32 $0x20;
	v2 =	vmov s31;
	v4 =	vld [tilespmem:$0x60]  }
.LBB2_13:
0xb1: {  	p0 =	sne.s32 s16, $0x1240;
	v5 =	vld [tilespmem:$0xB0];
	s26 =	smov.u32 s16;
	s16 =	sadd.s32 $0x20, s16  }
0xb2: {  	v6 =	vld [tilespmem:$0xD0]  }
0xb3: {  	v7 =	vld [tilespmem:$0x40]  }
0xb4: {  	v8 =	vld [tilespmem:$0xF0]  }
0xb5: {  	v3 =	vsub.s32 v3, v2;
	v4 =	vsub.s32 v4, v2;
	v9 =	vld [tilespmem:$0x90]  }
0xb6: {  	v3 =	vmin.u32 v3, $0x1400;
	v10 =	vld [tilespmem:$0x20];
	v4 =	vmin.u32 v4, $0x1400;
	v5 =	vsub.s32 v5, v2  }
0xb7: {  	[tilespmem:$0x360] =	vst v4;
	v4 =	vmin.u32 v5, $0x1400;
	v5 =	vsub.s32 v6, v2;
	v6 =	vld [tilespmem:$0xE0]  }
0xb8: {  	v11 =	vld [tilespmem:$0x30];
	v7 =	vsub.s32 v7, v2;
	[tilespmem:$0x3A0] =	vst v3;
	v3 =	vmin.u32 v5, $0x1400  }
0xb9: {  	v5 =	vmin.u32 v7, $0x1400;
	v7 =	vld [tilespmem:$0x50];
	[tilespmem:$0x3B0] =	vst v4;
	v4 =	vsub.s32 v8, v2  }
0xba: {  	v8 =	vld [tilespmem:$0x0];
	v9 =	vsub.s32 v9, v2;
	[tilespmem:$0x3D0] =	vst v3;
	v3 =	vmin.u32 v4, $0x1400  }
0xbb: {  	v4 =	vld [tilespmem:$0x10];
	v10 =	vsub.s32 v10, v2;
	[tilespmem:$0x340] =	vst v5;
	v5 =	vmin.u32 v9, $0x1400  }
0xbc: {  	v9 =	vmin.u32 v10, $0x1400;
	v10 =	vld [tilespmem:$0xC0];
	v6 =	vsub.s32 v6, v2;
	[tilespmem:$0x3F0] =	vst v3  }
0xbd: {  	[tilespmem:$0x320] =	vst v9;
	v3 =	vsub.s32 v11, v2;
	v9 =	vld [tilespmem:$0x70];
	v6 =	vmin.u32 v6, $0x1400  }
0xbe: {  	v3 =	vmin.u32 v3, $0x1400;
	v7 =	vsub.s32 v7, v2;
	v11 =	vld [tilespmem:$0x80];
	[tilespmem:$0x390] =	vst v5  }
0xbf: {  	v5 =	vsub.s32 v8, v2;
	[tilespmem:$0x330] =	vst v3;
	v3 =	vmin.u32 v7, $0x1400  }
0xc0: {  	v5 =	vmin.u32 v5, $0x1400;
	v4 =	vsub.s32 v4, v2;
	[tilespmem:$0x350] =	vst v3  }
0xc1: {  	v3 =	vmin.u32 v4, $0x1400;
	v4 =	vsub.s32 v10, v2;
	[tilespmem:$0x3E0] =	vst v6  }
0xc2: {  	[tilespmem:$0x300] =	vst v5;
	v5 =	vsub.s32 v9, v2;
	v4 =	vmin.u32 v4, $0x1400  }
0xc3: {  	v5 =	vmin.u32 v5, $0x1400;
	v6 =	vsub.s32 v11, v2;
	[tilespmem:$0x3C0] =	vst v4  }
0xc4: {  	[tilespmem:$0x370] =	vst v5;
	v4 =	vmin.u32 v6, $0x1400  }
0xc5: {  	[tilespmem:$0x380] =	vst v4  }
0xc6: {  	[tilespmem:$0x310] =	vst v3  }
0xc7: {  	[spmem:s3] =	stream.indirect.scatter.add.f32 [tilespmem:s22], [sflag:$0x2], $0x80, s25, s20, $0xb8;
	[tilespmem:$0x1F480] =	vst v63  }
0xc8: {  	_ =	swait.ge [sflag:s19], $0x8000  }
0xc9: {  	[sflag:s19] =	ssyncset.done $0x0  }
0xca: {  	s5 =	sadd.s32 s0, s17;
	s0 =	smov.u32 s26;
	[sflag:s19] =	ssyncadd.s32 $0xFFFF8000  }
0xcb: {  	[tilespmem:s4], [sflag:$0x2] =	stream.linear.gather [hbm4b:s5+s4], $0x100, $0x38;
	[tilespmem:$0x1F480] =	vst v63  }
.Ltmp5:
0xcc: {  	_ =	swait.ge [sflag:s19], $0x100;
	(pc) =	sbr.rel @p0 .LBB2_13-.Ltmp5, $4  }
0xcd: {  	[sflag:s19] =	ssyncset.done $0x0  }
0xce: {  	[sflag:s19] =	ssyncadd.s32 $0xFFFFFF00  }
0xcf: {  	v3 =	vld [tilespmem:$0xA0]  }
0xd0: {  	v4 =	vld [tilespmem:$0x60]  }
0xd1: {  	v5 =	vld [tilespmem:$0xB0]  }
0xd2: {  	v6 =	vld [tilespmem:$0xD0]  }
0xd3: {  	v7 =	vld [tilespmem:$0x40]  }
0xd4: {  	v8 =	vld [tilespmem:$0xF0];
	v3 =	vsub.s32 v3, v2  }
0xd5: {  	v9 =	vld [tilespmem:$0x20];
	v4 =	vsub.s32 v4, v2;
	v3 =	vmin.u32 v3, $0x1400  }
0xd6: {  	v30 =	vld [tilespmem:$0x30];
	v4 =	vmin.u32 v4, $0x1400;
	v5 =	vsub.s32 v5, v2;
	[tilespmem:$0x3A0] =	vst v3  }
0xd7: {  	v10 =	vld [tilespmem:$0x90];
	v29 =	vsub.s32 v6, v2;
	[tilespmem:$0x360] =	vst v4;
	v28 =	vmin.u32 v5, $0x1400  }
0xd8: {  	v31 =	vld [tilespmem:$0x50];
	v3 =	vsub.s32 v7, v2;
	v5 =	vmin.u32 v29, $0x1400;
	[tilespmem:$0x3B0] =	vst v28  }
0xd9: {  	v34 =	vld [tilespmem:$0xC0];
	v8 =	vsub.s32 v8, v2;
	v3 =	vmin.u32 v3, $0x1400;
	[tilespmem:$0x3D0] =	vst v5  }
0xda: {  	v36 =	vld [tilespmem:$0x80];
	v9 =	vsub.s32 v9, v2;
	v8 =	vmin.u32 v8, $0x1400;
	[tilespmem:$0x340] =	vst v3  }
0xdb: {  	v32 =	vld [tilespmem:$0xE0];
	v6 =	vsub.s32 v30, v2;
	v9 =	vmin.u32 v9, $0x1400;
	[tilespmem:$0x3F0] =	vst v8  }
0xdc: {  	v33 =	vld [tilespmem:$0x0];
	v6 =	vmin.u32 v6, $0x1400;
	v3 =	vsub.s32 v10, v2;
	[tilespmem:$0x320] =	vst v9  }
0xdd: {  	v35 =	vld [tilespmem:$0x70];
	v7 =	vsub.s32 v31, v2;
	[tilespmem:$0x330] =	vst v6;
	v3 =	vmin.u32 v3, $0x1400  }
0xde: {  	v38 =	vsub.s32 v34, v2;
	v37 =	vmin.u32 v7, $0x1400;
	[tilespmem:$0x390] =	vst v3;
	v3 =	vld [tilespmem:$0x10]  }
0xdf: {  	v41 =	vsub.s32 v36, v2;
	v40 =	vmin.u32 v38, $0x1400;
	[tilespmem:$0x350] =	vst v37  }
0xe0: {  	v4 =	vsub.s32 v32, v2;
	v42 =	vmin.u32 v41, $0x1400;
	[tilespmem:$0x3C0] =	vst v40  }
0xe1: {  	v4 =	vmin.u32 v4, $0x1400;
	v5 =	vsub.s32 v33, v2;
	[tilespmem:$0x380] =	vst v42  }
0xe2: {  	v39 =	vsub.s32 v35, v2;
	v5 =	vmin.u32 v5, $0x1400;
	[tilespmem:$0x3E0] =	vst v4  }
0xe3: {  	v4 =	vmin.u32 v39, $0x1400;
	[tilespmem:$0x300] =	vst v5;
	v3 =	vsub.s32 v3, v2  }
0xe4: {  	[tilespmem:$0x370] =	vst v4;
	v3 =	vmin.u32 v3, $0x1400  }
0xe5: {  	[tilespmem:$0x310] =	vst v3  }
0xe6: {  	[spmem:s3] =	stream.indirect.scatter.add.f32 [tilespmem:s22], [sflag:$0x2], $0x80, s25, s20, $0xb8;
	[tilespmem:$0x1F480] =	vst v63  }
0xe7: {  	_ =	swait.ge [sflag:s19], $0x8000  }
0xe8: {  	[sflag:s19] =	ssyncset.done $0x0  }
0xe9: {  	s0 =	sadd.s32 s0, s17;
	[sflag:s19] =	ssyncadd.s32 $0xFFFF8000  }
0xea: {  	[tilespmem:s4], [sflag:$0x2] =	stream.linear.gather [hbm4b:s0+s4], $0x100, $0x38;
	[tilespmem:$0x1F480] =	vst v63  }
0xeb: {  	_ =	swait.ge [sflag:s19], $0x100  }
0xec: {  	[sflag:s19] =	ssyncset.done $0x0  }
0xed: {  	[sflag:s19] =	ssyncadd.s32 $0xFFFFFF00  }
0xee: {  	v3 =	vld [tilespmem:$0x60]  }
0xef: {  	v43 =	vld [tilespmem:$0xA0]  }
0xf0: {  	v44 =	vld [tilespmem:$0xB0]  }
0xf1: {  	v47 =	vld [tilespmem:$0xF0]  }
0xf2: {  	v48 =	vld [tilespmem:$0x20]  }
0xf3: {  	v45 =	vld [tilespmem:$0xD0]  }
0xf4: {  	v51 =	vld [tilespmem:$0x30];
	v3 =	vsub.s32 v3, v2  }
0xf5: {  	v53 =	vld [tilespmem:$0x50];
	v4 =	vsub.s32 v43, v2;
	v3 =	vmin.u32 v3, $0x1400  }
0xf6: {  	v56 =	vld [tilespmem:$0xC0];
	v8 =	vsub.s32 v47, v2;
	v4 =	vmin.u32 v4, $0x1400;
	[tilespmem:$0x360] =	vst v3  }
0xf7: {  	v46 =	vld [tilespmem:$0x40];
	v9 =	vsub.s32 v48, v2;
	v8 =	vmin.u32 v8, $0x1400;
	[tilespmem:$0x3A0] =	vst v4  }
0xf8: {  	v49 =	vld [tilespmem:$0x90];
	v5 =	vsub.s32 v44, v2;
	v9 =	vmin.u32 v9, $0x1400;
	[tilespmem:$0x3F0] =	vst v8  }
0xf9: {  	v54 =	vld [tilespmem:$0x0];
	v6 =	vsub.s32 v51, v2;
	v3 =	vmin.u32 v5, $0x1400;
	[tilespmem:$0x320] =	vst v9  }
0xfa: {  	v7 =	vsub.s32 v53, v2;
	v6 =	vmin.u32 v6, $0x1400;
	[tilespmem:$0x3B0] =	vst v3;
	v3 =	vld [tilespmem:$0xE0]  }
0xfb: {  	v57 =	vld [tilespmem:$0x70];
	v61 =	vsub.s32 v56, v2;
	v60 =	vmin.u32 v7, $0x1400;
	[tilespmem:$0x330] =	vst v6  }
0xfc: {  	v58 =	vld [tilespmem:$0x80];
	v50 =	vsub.s32 v45, v2;
	v62 =	vmin.u32 v61, $0x1400;
	[tilespmem:$0x350] =	vst v60  }
0xfd: {  	v59 =	vld [tilespmem:$0x10];
	v52 =	vsub.s32 v46, v2;
	v5 =	vmin.u32 v50, $0x1400;
	[tilespmem:$0x3C0] =	vst v62  }
0xfe: {  	v55 =	vsub.s32 v49, v2;
	v4 =	vmin.u32 v52, $0x1400;
	[tilespmem:$0x3D0] =	vst v5  }
0xff: {  	[tilespmem:$0x340] =	vst v4;
	v4 =	vmin.u32 v55, $0x1400;
	v3 =	vsub.s32 v3, v2  }
0x100: {  	v5 =	vsub.s32 v54, v2;
	[tilespmem:$0x390] =	vst v4;
	v3 =	vmin.u32 v3, $0x1400  }
0x101: {  	v5 =	vmin.u32 v5, $0x1400;
	[tilespmem:$0x3E0] =	vst v3;
	v3 =	vsub.s32 v57, v2  }
0x102: {  	v63 =	vsub.s32 v58, v2;
	[tilespmem:$0x300] =	vst v5;
	v2 =	vsub.s32 v59, v2;
	v3 =	vmin.u32 v3, $0x1400  }
0x103: {  	v2 =	vmin.u32 v2, $0x1400;
	[tilespmem:$0x370] =	vst v3  }
0x104: {  	v3 =	vmin.u32 v63, $0x1400;
	[tilespmem:$0x310] =	vst v2  }
0x105: {  	[tilespmem:$0x380] =	vst v3  }
0x106: {  	[spmem:s3] =	stream.indirect.scatter.add.f32 [tilespmem:s22], [sflag:$0x2], $0x80, s25, s20, $0xb8;
	[tilespmem:$0x1F480] =	vst v63  }
0x107: {  	_ =	swait.ge [sflag:s19], $0x8000  }
0x108: {  	s31 =	sadd.s32 s11, s31;
	[sflag:s19] =	ssyncset.done $0x0  }
0x109: {  	s0 =	sshll.u32 s31, $0x4;
	[sflag:s19] =	ssyncadd.s32 $0xFFFF8000  }
0x10a: {  	s0 =	sadd.s32 s10, s0;
	[bflag:$0x0] =	sbarrier.arrive $0xFFFF  }
0x10b: {  	[hbm:s0], [sflag:s28] =	dma.local [spmem:s29], $0x1400  }
0x10c: {  	_ =	swait.ge [sflag:s19], $0x1400  }
0x10d: {  	[sflag:s19] =	ssyncset.done $0x0  }
0x10e: {  	[sflag:s19] =	ssyncadd.s32 $0xFFFFEC00  }
0x10f: {  	[bflag:$0x0] =	sbarrier.arrive $0xFFFF  }
0x110: {  	[spmem:s12] =	stream.linear.scatter [tilespmem:s18], [sflag:$0x2], $0x5000, $0x38;
	[tilespmem:$0x1F480] =	vst v63  }
0x111: {  	_ =	swait.ge [sflag:s19], $0x5000  }
0x112: {  	s30 =	sadd.s32 $0x1, s30;
	[sflag:s19] =	ssyncset.done $0x0  }
0x113: {  	p0 =	sne.s32 s30, $0xB;
	[sflag:s19] =	ssyncadd.s32 $0xFFFFB000  }
0x114: {  	[spmem:s13] =	stream.linear.scatter [tilespmem:s18], [sflag:$0x2], $0x5000, $0x38;
	[tilespmem:$0x1F480] =	vst v63  }
.Ltmp6:
0x115: {  	_ =	swait.ge [sflag:s19], $0x5000;
	(pc) =	sbr.rel @p0 .LBB2_12-.Ltmp6, $3  }
0x116: {  	[sflag:s19] =	ssyncset.done $0x0  }
0x117: {  	[sflag:s19] =	ssyncadd.s32 $0xFFFFB000  }
0x118: {  	[bflag:$0x0] =	sbarrier.arrive $0xFFFF;
	_ =	sdelay $0x1  }
0x119: {  	s16 =	rddreg [dreg:$0x6]  }
0x11a: {  	s0 =	rddreg [dreg:$0x5];
	s16 =	sadd.s32 $0x1, s16  }
0x11b: {  	p0 =	sne.s32 s16, s0  }
.Ltmp7:
0x11c: {  	_ = 	snop;
	(pc) =	sbr.rel @p0 .LBB2_1-.Ltmp7, $2  }
0x11d: {  	_ =	sdelay $0x2  }
0x11e: {  	s5 =	stileid.u32  }
0x11f: {  	_ =	sfence.sel $0x180000  }
0x120: {  	[bflag:$0x0] =	sbarrier.arrive $0xFFFF  }
0x121: {  	_ =	strace $0x90000047  }
0x122: {  	[bflag:$0x2] =	sbarrier.arrive $0xFFFF  }
0x123: {  	p0 =	sne.s32 s5, $0x0;
	s0 =	rddreg [dreg:$0x4]  }
0x124: {  	s0 =	sadd.s32 @!p0 $0x100000, s0  }
0x125: {  	[sflag:s0] =	ssyncadd.tile.s32 @!p0 $0x1;
	_ =	shalt  }
.Lfunc_end2:
_tile_overlayer_lowered:
.L_overlay_start_2:
0x126: {  	(tag) =	ssettag $0x2  }
0x127: {  	s0 =	rddreg [dreg:$0x0];
	s2 =	stileid.u32  }
0x128: {  	s1 =	rddreg [dreg:$0x1];
	p0 =	sne.s32 s2, $0x0  }
0x129: {  	s3 =	rddreg [dreg:$0x2];
	[bflag:$0x3] =	sbarrier.arrive $0xFFFF;
	s2 =	simm.s32 @!p0 $0x1C02  }
0x12a: {  	[timem:s3], [sflag:s2] =	dma.local @!p0 [hbm:s0], s1  }
0x12b: {  	s0 =	simm.s32 @!p0 $0x2  }
0x12c: {  	_ =	swait.ge @!p0 [sflag:s0], s1  }
0x12d: {  	s1 =	ssub.s32 @!p0 $0x0, s1;
	[sflag:s0] =	ssyncset.done @!p0 $0x0  }
0x12e: {  	[sflag:s0] =	ssyncadd.s32 @!p0 s1  }
0x12f: {  	[bflag:$0x3] =	sbarrier.arrive $0xFFFF  }
0x130: {  	_ =	shalt  }

</sc_bundles>
